<compile_context>
chip_gen: v7x
topology: tpu7x:2x2x1
jax: 0.10.2.dev20260603
libtpu: 0.0.44.dev20260713+nightly
codegen_flags: <defaults>
</compile_context>

<pallas_src>
import functools

import jax
import jax.numpy as jnp
from jax import lax
from jax.experimental import pallas as pl
from jax.experimental.pallas import tpu as pltpu
from jax.experimental.pallas import tpu_sc as plsc

SEQ = 200
DIM = 32
NC = 2
NS = 16
NW = NC * NS

CS = 8
R = CS * SEQ
G = 64
NG = R // G


def _emb_kernel(n_rows, idx_hbm, tok_hbm, pos_hbm, out_hbm,
                pos_v, idx0, idx1, buf0, buf1, gs0, gs1, ws0, ws1):
    rows_per_w = n_rows // NW
    n_chunks = rows_per_w // R

    wid = lax.axis_index("s") * NC + lax.axis_index("c")
    base0 = wid * rows_per_w
    sets = ((idx0, buf0, gs0, ws0), (idx1, buf1, gs1, ws1))

    def fire(c, idxr, bufr, gsem):
        base = base0 + c * R
        pltpu.sync_copy(idx_hbm.at[pl.ds(base, R)], idxr)
        for g in range(NG):
            pltpu.async_copy(tok_hbm.at[idxr.at[pl.ds(g * G, G)]],
                             bufr.at[pl.ds(g * G, G)], gsem)

    def drain_gathers(idxr, bufr, gsem):
        for g in range(NG):
            pltpu.make_async_copy(tok_hbm.at[idxr.at[pl.ds(g * G, G)]],
                                  bufr.at[pl.ds(g * G, G)], gsem).wait()

    def wait_writeback(c, bufr, wsem):
        pltpu.make_async_copy(bufr, out_hbm.at[pl.ds(base0 + c * R, R)],
                              wsem).wait()

    pltpu.sync_copy(pos_hbm, pos_v)
    fire(0, idx0, buf0, gs0)

    def pair_body(i, carry):
        for b in (0, 1):
            idxr, bufr, gsem, wsem = sets[b]
            nidxr, nbufr, ngsem, nwsem = sets[1 - b]
            c = 2 * i + b

            @pl.when(c + 1 < n_chunks)
            def _fire_next():
                @pl.when(c >= 1)
                def _wb():
                    wait_writeback(c - 1, nbufr, nwsem)
                fire(c + 1, nidxr, nbufr, ngsem)

            drain_gathers(idxr, bufr, gsem)

            def seq_body(s, c2):
                @plsc.parallel_loop(0, SEQ, unroll=8)
                def _row(p):
                    row = s * SEQ + p
                    plsc.addupdate(bufr.at[row, pl.ds(0, 16)],
                                   pos_v[p, pl.ds(0, 16)])
                    plsc.addupdate(bufr.at[row, pl.ds(16, 16)],
                                   pos_v[p, pl.ds(16, 16)])
                return c2
            lax.fori_loop(0, CS, seq_body, 0)

            pltpu.async_copy(bufr, out_hbm.at[pl.ds(base0 + c * R, R)], wsem)
        return carry

    lax.fori_loop(0, n_chunks // 2, pair_body, 0)
    wait_writeback(n_chunks - 2, buf0, ws0)
    wait_writeback(n_chunks - 1, buf1, ws1)


def kernel(inputs, token_table, pos_table):
    b, s = inputs.shape
    n_rows = b * s
    assert s == SEQ and token_table.shape[1] == DIM
    assert n_rows % (NW * 2 * R) == 0

    idx = inputs.reshape(n_rows).astype(jnp.int32)

    mesh = plsc.VectorSubcoreMesh(core_axis_name="c", subcore_axis_name="s")
    k = functools.partial(
        pl.kernel,
        mesh=mesh,
        compiler_params=pltpu.CompilerParams(use_tc_tiling_on_sc=False),
        out_type=jax.ShapeDtypeStruct((n_rows, DIM), jnp.float32),
        scratch_types=[
            pltpu.VMEM((SEQ, DIM), jnp.float32),
            pltpu.VMEM((R,), jnp.int32),
            pltpu.VMEM((R,), jnp.int32),
            pltpu.VMEM((R, DIM), jnp.float32),
            pltpu.VMEM((R, DIM), jnp.float32),
            pltpu.SemaphoreType.DMA,
            pltpu.SemaphoreType.DMA,
            pltpu.SemaphoreType.DMA,
            pltpu.SemaphoreType.DMA,
        ],
    )(functools.partial(_emb_kernel, n_rows))

    out = k(idx, token_table, pos_table)
    return out.reshape(b, s, DIM)

# --- scband reference (transcript-rebuilt; emitter-appended) ---
"""Pipeline reference for scband-positional-embedding-48077863912193 (READ-ONLY COPY).

The authoritative reference and input builder live on the scoring server;
editing this copy changes nothing except your own understanding.
"""

import jax, jax.numpy as jnp
import numpy as np

SEQ_LEN = 200
VOCAB = 1000000
DIM = 32
BATCH = 4096

def setup_inputs(seed: int = 0) -> dict:
    key = jax.random.key(seed)
    k1, k2, k3 = jax.random.split(key, 3)
    inputs = jax.random.randint(k1, (BATCH, SEQ_LEN), 0, VOCAB, dtype=jnp.int64 if jax.config.jax_enable_x64 else jnp.int32)
    token_table = jax.random.normal(k2, (VOCAB, DIM), dtype=jnp.float32) * 0.05
    pos_table = jax.random.normal(k3, (SEQ_LEN, DIM), dtype=jnp.float32) * 0.05
    return {"inputs": inputs, "token_table": token_table, "pos_table": pos_table}

def reference(inputs, token_table, pos_table):
    length = inputs.shape[-1]
    positions = jnp.arange(0, length)
    embedded_tokens = jnp.take(token_table, inputs, axis=0)
    embedded_positions = jnp.take(pos_table, positions, axis=0)
    return embedded_tokens + embedded_positions

if __name__ == "__main__":
    import jax
    _d = setup_inputs()
    print(jax.jit(kernel)(*tuple(_d.values())))

</pallas_src>

<mosaic_0001>
#map = affine_map<(d0, d1) -> (0)>
#map1 = affine_map<(d0, d1) -> (0, 0)>
module attributes {stable_mosaic.version = 14 : i64} {
  func.func @_emb_kernel(%arg0: i32, %arg1: i32, %arg2: memref<819200xi32, #tpu.memory_space<hbm>>, %arg3: memref<1000000x32xf32, #tpu.memory_space<hbm>>, %arg4: memref<200x32xf32, #tpu.memory_space<hbm>>, %arg5: memref<819200x32xf32, #tpu.memory_space<hbm>>, %arg6: memref<200x32xf32, #tpu.memory_space<vmem>>, %arg7: memref<1600xi32, #tpu.memory_space<vmem>>, %arg8: memref<1600xi32, #tpu.memory_space<vmem>>, %arg9: memref<1600x32xf32, #tpu.memory_space<vmem>>, %arg10: memref<1600x32xf32, #tpu.memory_space<vmem>>, %arg11: memref<!tpu.dma_semaphore, #tpu.memory_space<semaphore_mem>>, %arg12: memref<!tpu.dma_semaphore, #tpu.memory_space<semaphore_mem>>, %arg13: memref<!tpu.dma_semaphore, #tpu.memory_space<semaphore_mem>>, %arg14: memref<!tpu.dma_semaphore, #tpu.memory_space<semaphore_mem>>) attributes {dimension_semantics = [#tpu.dimension_semantics<core_parallel>, #tpu.dimension_semantics<subcore_parallel>], iteration_bounds = array<i64: 2, 16>, scalar_prefetch = 0 : i64, scratch_operands = 9 : i64, tpu.core_type = #tpu.core_type<sc_vector_subcore>, window_params = [{transform_indices = #map}, {transform_indices = #map1}, {transform_indices = #map1}, {transform_indices = #map1}]} {
    %mul3A = arith.constant 2 : i32
    %mul3A_0 = arith.muli %arg1, %mul3A : i32
    %add3A = arith.addi %mul3A_0, %arg0 : i32
    %mul3A_1 = arith.constant 25600 : i32
    %mul3A_2 = arith.muli %add3A, %mul3A_1 : i32
    "tpu.region"() ({
      %run_scoped3A = tpu.sem_alloc : memref<!tpu.dma_semaphore, #tpu.memory_space<semaphore_mem>>
      tpu.enqueue_dma source(%arg4 : memref<200x32xf32, #tpu.memory_space<hbm>>) target(%arg6 : memref<200x32xf32, #tpu.memory_space<vmem>>) target_semaphore(%run_scoped3A : memref<!tpu.dma_semaphore, #tpu.memory_space<semaphore_mem>>)
      tpu.wait_dma2 semaphore(%run_scoped3A : memref<!tpu.dma_semaphore, #tpu.memory_space<semaphore_mem>>) src(%arg4 : memref<200x32xf32, #tpu.memory_space<hbm>>) dst(%arg6 : memref<200x32xf32, #tpu.memory_space<vmem>>)
      tpu.yield
    }) : () -> ()
    %add3A_3 = arith.constant 0 : i32
    %add3A_4 = arith.addi %mul3A_2, %add3A_3 : i32
    "tpu.region"() ({
      %run_scoped3A = tpu.sem_alloc : memref<!tpu.dma_semaphore, #tpu.memory_space<semaphore_mem>>
      %dma_start3A_220 = tpu.memref_slice %arg2[%add3A_4] : memref<819200xi32, #tpu.memory_space<hbm>> -> memref<1600xi32, #tpu.memory_space<hbm>>
      %dma_start3A_221 = tpu.memref_slice %arg2[%add3A_4] : memref<819200xi32, #tpu.memory_space<hbm>> -> memref<1600xi32, #tpu.memory_space<hbm>>
      tpu.enqueue_dma source(%dma_start3A_221 : memref<1600xi32, #tpu.memory_space<hbm>>) target(%arg7 : memref<1600xi32, #tpu.memory_space<vmem>>) target_semaphore(%run_scoped3A : memref<!tpu.dma_semaphore, #tpu.memory_space<semaphore_mem>>)
      %dma_wait3A_222 = tpu.memref_slice %arg2[%add3A_4] : memref<819200xi32, #tpu.memory_space<hbm>> -> memref<1600xi32, #tpu.memory_space<hbm>>
      %dma_wait3A_223 = tpu.memref_slice %arg2[%add3A_4] : memref<819200xi32, #tpu.memory_space<hbm>> -> memref<1600xi32, #tpu.memory_space<hbm>>
      tpu.wait_dma2 semaphore(%run_scoped3A : memref<!tpu.dma_semaphore, #tpu.memory_space<semaphore_mem>>) src(%dma_wait3A_223 : memref<1600xi32, #tpu.memory_space<hbm>>) dst(%arg7 : memref<1600xi32, #tpu.memory_space<vmem>>)
      tpu.yield
    }) : () -> ()
    %dma_start3A = arith.constant 0 : i32
    %dma_start3A_5 = arith.constant 0 : i32
    %dma_start3A_6 = tpu.memref_slice %arg9[%dma_start3A, %dma_start3A_5] : memref<1600x32xf32, #tpu.memory_space<vmem>> -> memref<64x32xf32, #tpu.memory_space<vmem>>
    %dma_start3A_7 = arith.constant 0 : i32
    %dma_start3A_8 = tpu.memref_slice %arg7[%dma_start3A_7] : memref<1600xi32, #tpu.memory_space<vmem>> -> memref<64xi32, #tpu.memory_space<vmem>>
    %dma_start3A_9 = arith.constant 0 : i32
    %dma_start3A_10 = arith.constant 0 : i32
    %dma_start3A_11 = tpu.memref_slice %arg3[%dma_start3A_9, %dma_start3A_10] : memref<1000000x32xf32, #tpu.memory_space<hbm>> -> memref<1000000x32xf32, #tpu.memory_space<hbm>>
    tpu.enqueue_indirect_dma source(%dma_start3A_11 : memref<1000000x32xf32, #tpu.memory_space<hbm>>) target(%dma_start3A_6 : memref<64x32xf32, #tpu.memory_space<vmem>>) offsets(%dma_start3A_8 : memref<64xi32, #tpu.memory_space<vmem>>) semaphore(%arg11 : memref<!tpu.dma_semaphore, #tpu.memory_space<semaphore_mem>>)
    %dma_start3A_12 = arith.constant 64 : i32
    %dma_start3A_13 = arith.constant 0 : i32
    %dma_start3A_14 = tpu.memref_slice %arg9[%dma_start3A_12, %dma_start3A_13] : memref<1600x32xf32, #tpu.memory_space<vmem>> -> memref<64x32xf32, #tpu.memory_space<vmem>>
    %dma_start3A_15 = arith.constant 64 : i32
    %dma_start3A_16 = tpu.memref_slice %arg7[%dma_start3A_15] : memref<1600xi32, #tpu.memory_space<vmem>> -> memref<64xi32, #tpu.memory_space<vmem>>
    %dma_start3A_17 = arith.constant 0 : i32
    %dma_start3A_18 = arith.constant 0 : i32
    %dma_start3A_19 = tpu.memref_slice %arg3[%dma_start3A_17, %dma_start3A_18] : memref<1000000x32xf32, #tpu.memory_space<hbm>> -> memref<1000000x32xf32, #tpu.memory_space<hbm>>
    tpu.enqueue_indirect_dma source(%dma_start3A_19 : memref<1000000x32xf32, #tpu.memory_space<hbm>>) target(%dma_start3A_14 : memref<64x32xf32, #tpu.memory_space<vmem>>) offsets(%dma_start3A_16 : memref<64xi32, #tpu.memory_space<vmem>>) semaphore(%arg11 : memref<!tpu.dma_semaphore, #tpu.memory_space<semaphore_mem>>)
    %dma_start3A_20 = arith.constant 128 : i32
    %dma_start3A_21 = arith.constant 0 : i32
    %dma_start3A_22 = tpu.memref_slice %arg9[%dma_start3A_20, %dma_start3A_21] : memref<1600x32xf32, #tpu.memory_space<vmem>> -> memref<64x32xf32, #tpu.memory_space<vmem>>
    %dma_start3A_23 = arith.constant 128 : i32
    %dma_start3A_24 = tpu.memref_slice %arg7[%dma_start3A_23] : memref<1600xi32, #tpu.memory_space<vmem>> -> memref<64xi32, #tpu.memory_space<vmem>>
    %dma_start3A_25 = arith.constant 0 : i32
    %dma_start3A_26 = arith.constant 0 : i32
    %dma_start3A_27 = tpu.memref_slice %arg3[%dma_start3A_25, %dma_start3A_26] : memref<1000000x32xf32, #tpu.memory_space<hbm>> -> memref<1000000x32xf32, #tpu.memory_space<hbm>>
    tpu.enqueue_indirect_dma source(%dma_start3A_27 : memref<1000000x32xf32, #tpu.memory_space<hbm>>) target(%dma_start3A_22 : memref<64x32xf32, #tpu.memory_space<vmem>>) offsets(%dma_start3A_24 : memref<64xi32, #tpu.memory_space<vmem>>) semaphore(%arg11 : memref<!tpu.dma_semaphore, #tpu.memory_space<semaphore_mem>>)
    %dma_start3A_28 = arith.constant 192 : i32
    %dma_start3A_29 = arith.constant 0 : i32
    %dma_start3A_30 = tpu.memref_slice %arg9[%dma_start3A_28, %dma_start3A_29] : memref<1600x32xf32, #tpu.memory_space<vmem>> -> memref<64x32xf32, #tpu.memory_space<vmem>>
    %dma_start3A_31 = arith.constant 192 : i32
    %dma_start3A_32 = tpu.memref_slice %arg7[%dma_start3A_31] : memref<1600xi32, #tpu.memory_space<vmem>> -> memref<64xi32, #tpu.memory_space<vmem>>
    %dma_start3A_33 = arith.constant 0 : i32
    %dma_start3A_34 = arith.constant 0 : i32
    %dma_start3A_35 = tpu.memref_slice %arg3[%dma_start3A_33, %dma_start3A_34] : memref<1000000x32xf32, #tpu.memory_space<hbm>> -> memref<1000000x32xf32, #tpu.memory_space<hbm>>
    tpu.enqueue_indirect_dma source(%dma_start3A_35 : memref<1000000x32xf32, #tpu.memory_space<hbm>>) target(%dma_start3A_30 : memref<64x32xf32, #tpu.memory_space<vmem>>) offsets(%dma_start3A_32 : memref<64xi32, #tpu.memory_space<vmem>>) semaphore(%arg11 : memref<!tpu.dma_semaphore, #tpu.memory_space<semaphore_mem>>)
    %dma_start3A_36 = arith.constant 256 : i32
    %dma_start3A_37 = arith.constant 0 : i32
    %dma_start3A_38 = tpu.memref_slice %arg9[%dma_start3A_36, %dma_start3A_37] : memref<1600x32xf32, #tpu.memory_space<vmem>> -> memref<64x32xf32, #tpu.memory_space<vmem>>
    %dma_start3A_39 = arith.constant 256 : i32
    %dma_start3A_40 = tpu.memref_slice %arg7[%dma_start3A_39] : memref<1600xi32, #tpu.memory_space<vmem>> -> memref<64xi32, #tpu.memory_space<vmem>>
    %dma_start3A_41 = arith.constant 0 : i32
    %dma_start3A_42 = arith.constant 0 : i32
    %dma_start3A_43 = tpu.memref_slice %arg3[%dma_start3A_41, %dma_start3A_42] : memref<1000000x32xf32, #tpu.memory_space<hbm>> -> memref<1000000x32xf32, #tpu.memory_space<hbm>>
    tpu.enqueue_indirect_dma source(%dma_start3A_43 : memref<1000000x32xf32, #tpu.memory_space<hbm>>) target(%dma_start3A_38 : memref<64x32xf32, #tpu.memory_space<vmem>>) offsets(%dma_start3A_40 : memref<64xi32, #tpu.memory_space<vmem>>) semaphore(%arg11 : memref<!tpu.dma_semaphore, #tpu.memory_space<semaphore_mem>>)
    %dma_start3A_44 = arith.constant 320 : i32
    %dma_start3A_45 = arith.constant 0 : i32
    %dma_start3A_46 = tpu.memref_slice %arg9[%dma_start3A_44, %dma_start3A_45] : memref<1600x32xf32, #tpu.memory_space<vmem>> -> memref<64x32xf32, #tpu.memory_space<vmem>>
    %dma_start3A_47 = arith.constant 320 : i32
    %dma_start3A_48 = tpu.memref_slice %arg7[%dma_start3A_47] : memref<1600xi32, #tpu.memory_space<vmem>> -> memref<64xi32, #tpu.memory_space<vmem>>
    %dma_start3A_49 = arith.constant 0 : i32
    %dma_start3A_50 = arith.constant 0 : i32
    %dma_start3A_51 = tpu.memref_slice %arg3[%dma_start3A_49, %dma_start3A_50] : memref<1000000x32xf32, #tpu.memory_space<hbm>> -> memref<1000000x32xf32, #tpu.memory_space<hbm>>
    tpu.enqueue_indirect_dma source(%dma_start3A_51 : memref<1000000x32xf32, #tpu.memory_space<hbm>>) target(%dma_start3A_46 : memref<64x32xf32, #tpu.memory_space<vmem>>) offsets(%dma_start3A_48 : memref<64xi32, #tpu.memory_space<vmem>>) semaphore(%arg11 : memref<!tpu.dma_semaphore, #tpu.memory_space<semaphore_mem>>)
    %dma_start3A_52 = arith.constant 384 : i32
    %dma_start3A_53 = arith.constant 0 : i32
    %dma_start3A_54 = tpu.memref_slice %arg9[%dma_start3A_52, %dma_start3A_53] : memref<1600x32xf32, #tpu.memory_space<vmem>> -> memref<64x32xf32, #tpu.memory_space<vmem>>
    %dma_start3A_55 = arith.constant 384 : i32
    %dma_start3A_56 = tpu.memref_slice %arg7[%dma_start3A_55] : memref<1600xi32, #tpu.memory_space<vmem>> -> memref<64xi32, #tpu.memory_space<vmem>>
    %dma_start3A_57 = arith.constant 0 : i32
    %dma_start3A_58 = arith.constant 0 : i32
    %dma_start3A_59 = tpu.memref_slice %arg3[%dma_start3A_57, %dma_start3A_58] : memref<1000000x32xf32, #tpu.memory_space<hbm>> -> memref<1000000x32xf32, #tpu.memory_space<hbm>>
    tpu.enqueue_indirect_dma source(%dma_start3A_59 : memref<1000000x32xf32, #tpu.memory_space<hbm>>) target(%dma_start3A_54 : memref<64x32xf32, #tpu.memory_space<vmem>>) offsets(%dma_start3A_56 : memref<64xi32, #tpu.memory_space<vmem>>) semaphore(%arg11 : memref<!tpu.dma_semaphore, #tpu.memory_space<semaphore_mem>>)
    %dma_start3A_60 = arith.constant 448 : i32
    %dma_start3A_61 = arith.constant 0 : i32
    %dma_start3A_62 = tpu.memref_slice %arg9[%dma_start3A_60, %dma_start3A_61] : memref<1600x32xf32, #tpu.memory_space<vmem>> -> memref<64x32xf32, #tpu.memory_space<vmem>>
    %dma_start3A_63 = arith.constant 448 : i32
    %dma_start3A_64 = tpu.memref_slice %arg7[%dma_start3A_63] : memref<1600xi32, #tpu.memory_space<vmem>> -> memref<64xi32, #tpu.memory_space<vmem>>
    %dma_start3A_65 = arith.constant 0 : i32
    %dma_start3A_66 = arith.constant 0 : i32
    %dma_start3A_67 = tpu.memref_slice %arg3[%dma_start3A_65, %dma_start3A_66] : memref<1000000x32xf32, #tpu.memory_space<hbm>> -> memref<1000000x32xf32, #tpu.memory_space<hbm>>
    tpu.enqueue_indirect_dma source(%dma_start3A_67 : memref<1000000x32xf32, #tpu.memory_space<hbm>>) target(%dma_start3A_62 : memref<64x32xf32, #tpu.memory_space<vmem>>) offsets(%dma_start3A_64 : memref<64xi32, #tpu.memory_space<vmem>>) semaphore(%arg11 : memref<!tpu.dma_semaphore, #tpu.memory_space<semaphore_mem>>)
    %dma_start3A_68 = arith.constant 512 : i32
    %dma_start3A_69 = arith.constant 0 : i32
    %dma_start3A_70 = tpu.memref_slice %arg9[%dma_start3A_68, %dma_start3A_69] : memref<1600x32xf32, #tpu.memory_space<vmem>> -> memref<64x32xf32, #tpu.memory_space<vmem>>
    %dma_start3A_71 = arith.constant 512 : i32
    %dma_start3A_72 = tpu.memref_slice %arg7[%dma_start3A_71] : memref<1600xi32, #tpu.memory_space<vmem>> -> memref<64xi32, #tpu.memory_space<vmem>>
    %dma_start3A_73 = arith.constant 0 : i32
    %dma_start3A_74 = arith.constant 0 : i32
    %dma_start3A_75 = tpu.memref_slice %arg3[%dma_start3A_73, %dma_start3A_74] : memref<1000000x32xf32, #tpu.memory_space<hbm>> -> memref<1000000x32xf32, #tpu.memory_space<hbm>>
    tpu.enqueue_indirect_dma source(%dma_start3A_75 : memref<1000000x32xf32, #tpu.memory_space<hbm>>) target(%dma_start3A_70 : memref<64x32xf32, #tpu.memory_space<vmem>>) offsets(%dma_start3A_72 : memref<64xi32, #tpu.memory_space<vmem>>) semaphore(%arg11 : memref<!tpu.dma_semaphore, #tpu.memory_space<semaphore_mem>>)
    %dma_start3A_76 = arith.constant 576 : i32
    %dma_start3A_77 = arith.constant 0 : i32
    %dma_start3A_78 = tpu.memref_slice %arg9[%dma_start3A_76, %dma_start3A_77] : memref<1600x32xf32, #tpu.memory_space<vmem>> -> memref<64x32xf32, #tpu.memory_space<vmem>>
    %dma_start3A_79 = arith.constant 576 : i32
    %dma_start3A_80 = tpu.memref_slice %arg7[%dma_start3A_79] : memref<1600xi32, #tpu.memory_space<vmem>> -> memref<64xi32, #tpu.memory_space<vmem>>
    %dma_start3A_81 = arith.constant 0 : i32
    %dma_start3A_82 = arith.constant 0 : i32
    %dma_start3A_83 = tpu.memref_slice %arg3[%dma_start3A_81, %dma_start3A_82] : memref<1000000x32xf32, #tpu.memory_space<hbm>> -> memref<1000000x32xf32, #tpu.memory_space<hbm>>
    tpu.enqueue_indirect_dma source(%dma_start3A_83 : memref<1000000x32xf32, #tpu.memory_space<hbm>>) target(%dma_start3A_78 : memref<64x32xf32, #tpu.memory_space<vmem>>) offsets(%dma_start3A_80 : memref<64xi32, #tpu.memory_space<vmem>>) semaphore(%arg11 : memref<!tpu.dma_semaphore, #tpu.memory_space<semaphore_mem>>)
    %dma_start3A_84 = arith.constant 640 : i32
    %dma_start3A_85 = arith.constant 0 : i32
    %dma_start3A_86 = tpu.memref_slice %arg9[%dma_start3A_84, %dma_start3A_85] : memref<1600x32xf32, #tpu.memory_space<vmem>> -> memref<64x32xf32, #tpu.memory_space<vmem>>
    %dma_start3A_87 = arith.constant 640 : i32
    %dma_start3A_88 = tpu.memref_slice %arg7[%dma_start3A_87] : memref<1600xi32, #tpu.memory_space<vmem>> -> memref<64xi32, #tpu.memory_space<vmem>>
    %dma_start3A_89 = arith.constant 0 : i32
    %dma_start3A_90 = arith.constant 0 : i32
    %dma_start3A_91 = tpu.memref_slice %arg3[%dma_start3A_89, %dma_start3A_90] : memref<1000000x32xf32, #tpu.memory_space<hbm>> -> memref<1000000x32xf32, #tpu.memory_space<hbm>>
    tpu.enqueue_indirect_dma source(%dma_start3A_91 : memref<1000000x32xf32, #tpu.memory_space<hbm>>) target(%dma_start3A_86 : memref<64x32xf32, #tpu.memory_space<vmem>>) offsets(%dma_start3A_88 : memref<64xi32, #tpu.memory_space<vmem>>) semaphore(%arg11 : memref<!tpu.dma_semaphore, #tpu.memory_space<semaphore_mem>>)
    %dma_start3A_92 = arith.constant 704 : i32
    %dma_start3A_93 = arith.constant 0 : i32
    %dma_start3A_94 = tpu.memref_slice %arg9[%dma_start3A_92, %dma_start3A_93] : memref<1600x32xf32, #tpu.memory_space<vmem>> -> memref<64x32xf32, #tpu.memory_space<vmem>>
    %dma_start3A_95 = arith.constant 704 : i32
    %dma_start3A_96 = tpu.memref_slice %arg7[%dma_start3A_95] : memref<1600xi32, #tpu.memory_space<vmem>> -> memref<64xi32, #tpu.memory_space<vmem>>
    %dma_start3A_97 = arith.constant 0 : i32
    %dma_start3A_98 = arith.constant 0 : i32
    %dma_start3A_99 = tpu.memref_slice %arg3[%dma_start3A_97, %dma_start3A_98] : memref<1000000x32xf32, #tpu.memory_space<hbm>> -> memref<1000000x32xf32, #tpu.memory_space<hbm>>
    tpu.enqueue_indirect_dma source(%dma_start3A_99 : memref<1000000x32xf32, #tpu.memory_space<hbm>>) target(%dma_start3A_94 : memref<64x32xf32, #tpu.memory_space<vmem>>) offsets(%dma_start3A_96 : memref<64xi32, #tpu.memory_space<vmem>>) semaphore(%arg11 : memref<!tpu.dma_semaphore, #tpu.memory_space<semaphore_mem>>)
    %dma_start3A_100 = arith.constant 768 : i32
    %dma_start3A_101 = arith.constant 0 : i32
    %dma_start3A_102 = tpu.memref_slice %arg9[%dma_start3A_100, %dma_start3A_101] : memref<1600x32xf32, #tpu.memory_space<vmem>> -> memref<64x32xf32, #tpu.memory_space<vmem>>
    %dma_start3A_103 = arith.constant 768 : i32
    %dma_start3A_104 = tpu.memref_slice %arg7[%dma_start3A_103] : memref<1600xi32, #tpu.memory_space<vmem>> -> memref<64xi32, #tpu.memory_space<vmem>>
    %dma_start3A_105 = arith.constant 0 : i32
    %dma_start3A_106 = arith.constant 0 : i32
    %dma_start3A_107 = tpu.memref_slice %arg3[%dma_start3A_105, %dma_start3A_106] : memref<1000000x32xf32, #tpu.memory_space<hbm>> -> memref<1000000x32xf32, #tpu.memory_space<hbm>>
    tpu.enqueue_indirect_dma source(%dma_start3A_107 : memref<1000000x32xf32, #tpu.memory_space<hbm>>) target(%dma_start3A_102 : memref<64x32xf32, #tpu.memory_space<vmem>>) offsets(%dma_start3A_104 : memref<64xi32, #tpu.memory_space<vmem>>) semaphore(%arg11 : memref<!tpu.dma_semaphore, #tpu.memory_space<semaphore_mem>>)
    %dma_start3A_108 = arith.constant 832 : i32
    %dma_start3A_109 = arith.constant 0 : i32
    %dma_start3A_110 = tpu.memref_slice %arg9[%dma_start3A_108, %dma_start3A_109] : memref<1600x32xf32, #tpu.memory_space<vmem>> -> memref<64x32xf32, #tpu.memory_space<vmem>>
    %dma_start3A_111 = arith.constant 832 : i32
    %dma_start3A_112 = tpu.memref_slice %arg7[%dma_start3A_111] : memref<1600xi32, #tpu.memory_space<vmem>> -> memref<64xi32, #tpu.memory_space<vmem>>
    %dma_start3A_113 = arith.constant 0 : i32
    %dma_start3A_114 = arith.constant 0 : i32
    %dma_start3A_115 = tpu.memref_slice %arg3[%dma_start3A_113, %dma_start3A_114] : memref<1000000x32xf32, #tpu.memory_space<hbm>> -> memref<1000000x32xf32, #tpu.memory_space<hbm>>
    tpu.enqueue_indirect_dma source(%dma_start3A_115 : memref<1000000x32xf32, #tpu.memory_space<hbm>>) target(%dma_start3A_110 : memref<64x32xf32, #tpu.memory_space<vmem>>) offsets(%dma_start3A_112 : memref<64xi32, #tpu.memory_space<vmem>>) semaphore(%arg11 : memref<!tpu.dma_semaphore, #tpu.memory_space<semaphore_mem>>)
    %dma_start3A_116 = arith.constant 896 : i32
    %dma_start3A_117 = arith.constant 0 : i32
    %dma_start3A_118 = tpu.memref_slice %arg9[%dma_start3A_116, %dma_start3A_117] : memref<1600x32xf32, #tpu.memory_space<vmem>> -> memref<64x32xf32, #tpu.memory_space<vmem>>
    %dma_start3A_119 = arith.constant 896 : i32
    %dma_start3A_120 = tpu.memref_slice %arg7[%dma_start3A_119] : memref<1600xi32, #tpu.memory_space<vmem>> -> memref<64xi32, #tpu.memory_space<vmem>>
    %dma_start3A_121 = arith.constant 0 : i32
    %dma_start3A_122 = arith.constant 0 : i32
    %dma_start3A_123 = tpu.memref_slice %arg3[%dma_start3A_121, %dma_start3A_122] : memref<1000000x32xf32, #tpu.memory_space<hbm>> -> memref<1000000x32xf32, #tpu.memory_space<hbm>>
    tpu.enqueue_indirect_dma source(%dma_start3A_123 : memref<1000000x32xf32, #tpu.memory_space<hbm>>) target(%dma_start3A_118 : memref<64x32xf32, #tpu.memory_space<vmem>>) offsets(%dma_start3A_120 : memref<64xi32, #tpu.memory_space<vmem>>) semaphore(%arg11 : memref<!tpu.dma_semaphore, #tpu.memory_space<semaphore_mem>>)
    %dma_start3A_124 = arith.constant 960 : i32
    %dma_start3A_125 = arith.constant 0 : i32
    %dma_start3A_126 = tpu.memref_slice %arg9[%dma_start3A_124, %dma_start3A_125] : memref<1600x32xf32, #tpu.memory_space<vmem>> -> memref<64x32xf32, #tpu.memory_space<vmem>>
    %dma_start3A_127 = arith.constant 960 : i32
    %dma_start3A_128 = tpu.memref_slice %arg7[%dma_start3A_127] : memref<1600xi32, #tpu.memory_space<vmem>> -> memref<64xi32, #tpu.memory_space<vmem>>
    %dma_start3A_129 = arith.constant 0 : i32
    %dma_start3A_130 = arith.constant 0 : i32
    %dma_start3A_131 = tpu.memref_slice %arg3[%dma_start3A_129, %dma_start3A_130] : memref<1000000x32xf32, #tpu.memory_space<hbm>> -> memref<1000000x32xf32, #tpu.memory_space<hbm>>
    tpu.enqueue_indirect_dma source(%dma_start3A_131 : memref<1000000x32xf32, #tpu.memory_space<hbm>>) target(%dma_start3A_126 : memref<64x32xf32, #tpu.memory_space<vmem>>) offsets(%dma_start3A_128 : memref<64xi32, #tpu.memory_space<vmem>>) semaphore(%arg11 : memref<!tpu.dma_semaphore, #tpu.memory_space<semaphore_mem>>)
    %dma_start3A_132 = arith.constant 1024 : i32
    %dma_start3A_133 = arith.constant 0 : i32
    %dma_start3A_134 = tpu.memref_slice %arg9[%dma_start3A_132, %dma_start3A_133] : memref<1600x32xf32, #tpu.memory_space<vmem>> -> memref<64x32xf32, #tpu.memory_space<vmem>>
    %dma_start3A_135 = arith.constant 1024 : i32
    %dma_start3A_136 = tpu.memref_slice %arg7[%dma_start3A_135] : memref<1600xi32, #tpu.memory_space<vmem>> -> memref<64xi32, #tpu.memory_space<vmem>>
    %dma_start3A_137 = arith.constant 0 : i32
    %dma_start3A_138 = arith.constant 0 : i32
    %dma_start3A_139 = tpu.memref_slice %arg3[%dma_start3A_137, %dma_start3A_138] : memref<1000000x32xf32, #tpu.memory_space<hbm>> -> memref<1000000x32xf32, #tpu.memory_space<hbm>>
    tpu.enqueue_indirect_dma source(%dma_start3A_139 : memref<1000000x32xf32, #tpu.memory_space<hbm>>) target(%dma_start3A_134 : memref<64x32xf32, #tpu.memory_space<vmem>>) offsets(%dma_start3A_136 : memref<64xi32, #tpu.memory_space<vmem>>) semaphore(%arg11 : memref<!tpu.dma_semaphore, #tpu.memory_space<semaphore_mem>>)
    %dma_start3A_140 = arith.constant 1088 : i32
    %dma_start3A_141 = arith.constant 0 : i32
    %dma_start3A_142 = tpu.memref_slice %arg9[%dma_start3A_140, %dma_start3A_141] : memref<1600x32xf32, #tpu.memory_space<vmem>> -> memref<64x32xf32, #tpu.memory_space<vmem>>
    %dma_start3A_143 = arith.constant 1088 : i32
    %dma_start3A_144 = tpu.memref_slice %arg7[%dma_start3A_143] : memref<1600xi32, #tpu.memory_space<vmem>> -> memref<64xi32, #tpu.memory_space<vmem>>
    %dma_start3A_145 = arith.constant 0 : i32
    %dma_start3A_146 = arith.constant 0 : i32
    %dma_start3A_147 = tpu.memref_slice %arg3[%dma_start3A_145, %dma_start3A_146] : memref<1000000x32xf32, #tpu.memory_space<hbm>> -> memref<1000000x32xf32, #tpu.memory_space<hbm>>
    tpu.enqueue_indirect_dma source(%dma_start3A_147 : memref<1000000x32xf32, #tpu.memory_space<hbm>>) target(%dma_start3A_142 : memref<64x32xf32, #tpu.memory_space<vmem>>) offsets(%dma_start3A_144 : memref<64xi32, #tpu.memory_space<vmem>>) semaphore(%arg11 : memref<!tpu.dma_semaphore, #tpu.memory_space<semaphore_mem>>)
    %dma_start3A_148 = arith.constant 1152 : i32
    %dma_start3A_149 = arith.constant 0 : i32
    %dma_start3A_150 = tpu.memref_slice %arg9[%dma_start3A_148, %dma_start3A_149] : memref<1600x32xf32, #tpu.memory_space<vmem>> -> memref<64x32xf32, #tpu.memory_space<vmem>>
    %dma_start3A_151 = arith.constant 1152 : i32
    %dma_start3A_152 = tpu.memref_slice %arg7[%dma_start3A_151] : memref<1600xi32, #tpu.memory_space<vmem>> -> memref<64xi32, #tpu.memory_space<vmem>>
    %dma_start3A_153 = arith.constant 0 : i32
    %dma_start3A_154 = arith.constant 0 : i32
    %dma_start3A_155 = tpu.memref_slice %arg3[%dma_start3A_153, %dma_start3A_154] : memref<1000000x32xf32, #tpu.memory_space<hbm>> -> memref<1000000x32xf32, #tpu.memory_space<hbm>>
    tpu.enqueue_indirect_dma source(%dma_start3A_155 : memref<1000000x32xf32, #tpu.memory_space<hbm>>) target(%dma_start3A_150 : memref<64x32xf32, #tpu.memory_space<vmem>>) offsets(%dma_start3A_152 : memref<64xi32, #tpu.memory_space<vmem>>) semaphore(%arg11 : memref<!tpu.dma_semaphore, #tpu.memory_space<semaphore_mem>>)
    %dma_start3A_156 = arith.constant 1216 : i32
    %dma_start3A_157 = arith.constant 0 : i32
    %dma_start3A_158 = tpu.memref_slice %arg9[%dma_start3A_156, %dma_start3A_157] : memref<1600x32xf32, #tpu.memory_space<vmem>> -> memref<64x32xf32, #tpu.memory_space<vmem>>
    %dma_start3A_159 = arith.constant 1216 : i32
    %dma_start3A_160 = tpu.memref_slice %arg7[%dma_start3A_159] : memref<1600xi32, #tpu.memory_space<vmem>> -> memref<64xi32, #tpu.memory_space<vmem>>
    %dma_start3A_161 = arith.constant 0 : i32
    %dma_start3A_162 = arith.constant 0 : i32
    %dma_start3A_163 = tpu.memref_slice %arg3[%dma_start3A_161, %dma_start3A_162] : memref<1000000x32xf32, #tpu.memory_space<hbm>> -> memref<1000000x32xf32, #tpu.memory_space<hbm>>
    tpu.enqueue_indirect_dma source(%dma_start3A_163 : memref<1000000x32xf32, #tpu.memory_space<hbm>>) target(%dma_start3A_158 : memref<64x32xf32, #tpu.memory_space<vmem>>) offsets(%dma_start3A_160 : memref<64xi32, #tpu.memory_space<vmem>>) semaphore(%arg11 : memref<!tpu.dma_semaphore, #tpu.memory_space<semaphore_mem>>)
    %dma_start3A_164 = arith.constant 1280 : i32
    %dma_start3A_165 = arith.constant 0 : i32
    %dma_start3A_166 = tpu.memref_slice %arg9[%dma_start3A_164, %dma_start3A_165] : memref<1600x32xf32, #tpu.memory_space<vmem>> -> memref<64x32xf32, #tpu.memory_space<vmem>>
    %dma_start3A_167 = arith.constant 1280 : i32
    %dma_start3A_168 = tpu.memref_slice %arg7[%dma_start3A_167] : memref<1600xi32, #tpu.memory_space<vmem>> -> memref<64xi32, #tpu.memory_space<vmem>>
    %dma_start3A_169 = arith.constant 0 : i32
    %dma_start3A_170 = arith.constant 0 : i32
    %dma_start3A_171 = tpu.memref_slice %arg3[%dma_start3A_169, %dma_start3A_170] : memref<1000000x32xf32, #tpu.memory_space<hbm>> -> memref<1000000x32xf32, #tpu.memory_space<hbm>>
    tpu.enqueue_indirect_dma source(%dma_start3A_171 : memref<1000000x32xf32, #tpu.memory_space<hbm>>) target(%dma_start3A_166 : memref<64x32xf32, #tpu.memory_space<vmem>>) offsets(%dma_start3A_168 : memref<64xi32, #tpu.memory_space<vmem>>) semaphore(%arg11 : memref<!tpu.dma_semaphore, #tpu.memory_space<semaphore_mem>>)
    %dma_start3A_172 = arith.constant 1344 : i32
    %dma_start3A_173 = arith.constant 0 : i32
    %dma_start3A_174 = tpu.memref_slice %arg9[%dma_start3A_172, %dma_start3A_173] : memref<1600x32xf32, #tpu.memory_space<vmem>> -> memref<64x32xf32, #tpu.memory_space<vmem>>
    %dma_start3A_175 = arith.constant 1344 : i32
    %dma_start3A_176 = tpu.memref_slice %arg7[%dma_start3A_175] : memref<1600xi32, #tpu.memory_space<vmem>> -> memref<64xi32, #tpu.memory_space<vmem>>
    %dma_start3A_177 = arith.constant 0 : i32
    %dma_start3A_178 = arith.constant 0 : i32
    %dma_start3A_179 = tpu.memref_slice %arg3[%dma_start3A_177, %dma_start3A_178] : memref<1000000x32xf32, #tpu.memory_space<hbm>> -> memref<1000000x32xf32, #tpu.memory_space<hbm>>
    tpu.enqueue_indirect_dma source(%dma_start3A_179 : memref<1000000x32xf32, #tpu.memory_space<hbm>>) target(%dma_start3A_174 : memref<64x32xf32, #tpu.memory_space<vmem>>) offsets(%dma_start3A_176 : memref<64xi32, #tpu.memory_space<vmem>>) semaphore(%arg11 : memref<!tpu.dma_semaphore, #tpu.memory_space<semaphore_mem>>)
    %dma_start3A_180 = arith.constant 1408 : i32
    %dma_start3A_181 = arith.constant 0 : i32
    %dma_start3A_182 = tpu.memref_slice %arg9[%dma_start3A_180, %dma_start3A_181] : memref<1600x32xf32, #tpu.memory_space<vmem>> -> memref<64x32xf32, #tpu.memory_space<vmem>>
    %dma_start3A_183 = arith.constant 1408 : i32
    %dma_start3A_184 = tpu.memref_slice %arg7[%dma_start3A_183] : memref<1600xi32, #tpu.memory_space<vmem>> -> memref<64xi32, #tpu.memory_space<vmem>>
    %dma_start3A_185 = arith.constant 0 : i32
    %dma_start3A_186 = arith.constant 0 : i32
    %dma_start3A_187 = tpu.memref_slice %arg3[%dma_start3A_185, %dma_start3A_186] : memref<1000000x32xf32, #tpu.memory_space<hbm>> -> memref<1000000x32xf32, #tpu.memory_space<hbm>>
    tpu.enqueue_indirect_dma source(%dma_start3A_187 : memref<1000000x32xf32, #tpu.memory_space<hbm>>) target(%dma_start3A_182 : memref<64x32xf32, #tpu.memory_space<vmem>>) offsets(%dma_start3A_184 : memref<64xi32, #tpu.memory_space<vmem>>) semaphore(%arg11 : memref<!tpu.dma_semaphore, #tpu.memory_space<semaphore_mem>>)
    %dma_start3A_188 = arith.constant 1472 : i32
    %dma_start3A_189 = arith.constant 0 : i32
    %dma_start3A_190 = tpu.memref_slice %arg9[%dma_start3A_188, %dma_start3A_189] : memref<1600x32xf32, #tpu.memory_space<vmem>> -> memref<64x32xf32, #tpu.memory_space<vmem>>
    %dma_start3A_191 = arith.constant 1472 : i32
    %dma_start3A_192 = tpu.memref_slice %arg7[%dma_start3A_191] : memref<1600xi32, #tpu.memory_space<vmem>> -> memref<64xi32, #tpu.memory_space<vmem>>
    %dma_start3A_193 = arith.constant 0 : i32
    %dma_start3A_194 = arith.constant 0 : i32
    %dma_start3A_195 = tpu.memref_slice %arg3[%dma_start3A_193, %dma_start3A_194] : memref<1000000x32xf32, #tpu.memory_space<hbm>> -> memref<1000000x32xf32, #tpu.memory_space<hbm>>
    tpu.enqueue_indirect_dma source(%dma_start3A_195 : memref<1000000x32xf32, #tpu.memory_space<hbm>>) target(%dma_start3A_190 : memref<64x32xf32, #tpu.memory_space<vmem>>) offsets(%dma_start3A_192 : memref<64xi32, #tpu.memory_space<vmem>>) semaphore(%arg11 : memref<!tpu.dma_semaphore, #tpu.memory_space<semaphore_mem>>)
    %dma_start3A_196 = arith.constant 1536 : i32
    %dma_start3A_197 = arith.constant 0 : i32
    %dma_start3A_198 = tpu.memref_slice %arg9[%dma_start3A_196, %dma_start3A_197] : memref<1600x32xf32, #tpu.memory_space<vmem>> -> memref<64x32xf32, #tpu.memory_space<vmem>>
    %dma_start3A_199 = arith.constant 1536 : i32
    %dma_start3A_200 = tpu.memref_slice %arg7[%dma_start3A_199] : memref<1600xi32, #tpu.memory_space<vmem>> -> memref<64xi32, #tpu.memory_space<vmem>>
    %dma_start3A_201 = arith.constant 0 : i32
    %dma_start3A_202 = arith.constant 0 : i32
    %dma_start3A_203 = tpu.memref_slice %arg3[%dma_start3A_201, %dma_start3A_202] : memref<1000000x32xf32, #tpu.memory_space<hbm>> -> memref<1000000x32xf32, #tpu.memory_space<hbm>>
    tpu.enqueue_indirect_dma source(%dma_start3A_203 : memref<1000000x32xf32, #tpu.memory_space<hbm>>) target(%dma_start3A_198 : memref<64x32xf32, #tpu.memory_space<vmem>>) offsets(%dma_start3A_200 : memref<64xi32, #tpu.memory_space<vmem>>) semaphore(%arg11 : memref<!tpu.dma_semaphore, #tpu.memory_space<semaphore_mem>>)
    %scan3A = arith.constant 0 : i32
    %scan3A_204 = arith.constant 0 : i32
    %scan3A_205 = arith.constant 8 : i32
    %scan3A_206 = arith.addi %scan3A_204, %scan3A_205 : i32
    %scan3A_207 = arith.constant 1 : i32
    scf.for %scan3A_220 = %scan3A_204 to %scan3A_206 step %scan3A_207  : i32 {
      %mul3A_221 = arith.constant 2 : i32
      %mul3A_222 = arith.muli %mul3A_221, %scan3A_220 : i32
      %add3A_223 = arith.constant 0 : i32
      %add3A_224 = arith.addi %mul3A_222, %add3A_223 : i32
      %add3A_225 = arith.constant 1 : i32
      %add3A_226 = arith.addi %add3A_224, %add3A_225 : i32
      %lt3A = arith.constant 16 : i32
      %lt3A_227 = arith.cmpi slt, %add3A_226, %lt3A : i32
      %convert_element_type3A = arith.extui %lt3A_227 : i1 to i32
      %cond3A = arith.constant 0 : i32
      %cond3A_228 = arith.cmpi ne, %convert_element_type3A, %cond3A : i32
      scf.if %cond3A_228 {
        %ge3A = arith.constant 1 : i32
        %ge3A_666 = arith.cmpi sge, %add3A_224, %ge3A : i32
        %convert_element_type3A_667 = arith.extui %ge3A_666 : i1 to i32
        %cond3A_668 = arith.constant 0 : i32
        %cond3A_669 = arith.cmpi ne, %convert_element_type3A_667, %cond3A_668 : i32
        scf.if %cond3A_669 {
          %sub3A = arith.constant 1 : i32
          %sub3A_875 = arith.subi %add3A_224, %sub3A : i32
          %mul3A_876 = arith.constant 1600 : i32
          %mul3A_877 = arith.muli %sub3A_875, %mul3A_876 : i32
          %add3A_878 = arith.addi %mul3A_2, %mul3A_877 : i32
          %dma_wait3A_879 = arith.constant 0 : i32
          %dma_wait3A_880 = tpu.memref_slice %arg5[%add3A_878, %dma_wait3A_879] : memref<819200x32xf32, #tpu.memory_space<hbm>> -> memref<1600x32xf32, #tpu.memory_space<hbm>>
          %dma_wait3A_881 = arith.constant 0 : i32
          %dma_wait3A_882 = tpu.memref_slice %arg5[%add3A_878, %dma_wait3A_881] : memref<819200x32xf32, #tpu.memory_space<hbm>> -> memref<1600x32xf32, #tpu.memory_space<hbm>>
          tpu.wait_dma2 semaphore(%arg14 : memref<!tpu.dma_semaphore, #tpu.memory_space<semaphore_mem>>) src(%arg10 : memref<1600x32xf32, #tpu.memory_space<vmem>>) dst(%dma_wait3A_882 : memref<1600x32xf32, #tpu.memory_space<hbm>>)
        } else {
        }
        %add3A_670 = arith.constant 1 : i32
        %add3A_671 = arith.addi %add3A_224, %add3A_670 : i32
        %mul3A_672 = arith.constant 1600 : i32
        %mul3A_673 = arith.muli %add3A_671, %mul3A_672 : i32
        %add3A_674 = arith.addi %mul3A_2, %mul3A_673 : i32
        "tpu.region"() ({
          %run_scoped3A = tpu.sem_alloc : memref<!tpu.dma_semaphore, #tpu.memory_space<semaphore_mem>>
          %dma_start3A_875 = tpu.memref_slice %arg2[%add3A_674] : memref<819200xi32, #tpu.memory_space<hbm>> -> memref<1600xi32, #tpu.memory_space<hbm>>
          %dma_start3A_876 = tpu.memref_slice %arg2[%add3A_674] : memref<819200xi32, #tpu.memory_space<hbm>> -> memref<1600xi32, #tpu.memory_space<hbm>>
          tpu.enqueue_dma source(%dma_start3A_876 : memref<1600xi32, #tpu.memory_space<hbm>>) target(%arg8 : memref<1600xi32, #tpu.memory_space<vmem>>) target_semaphore(%run_scoped3A : memref<!tpu.dma_semaphore, #tpu.memory_space<semaphore_mem>>)
          %dma_wait3A_877 = tpu.memref_slice %arg2[%add3A_674] : memref<819200xi32, #tpu.memory_space<hbm>> -> memref<1600xi32, #tpu.memory_space<hbm>>
          %dma_wait3A_878 = tpu.memref_slice %arg2[%add3A_674] : memref<819200xi32, #tpu.memory_space<hbm>> -> memref<1600xi32, #tpu.memory_space<hbm>>
          tpu.wait_dma2 semaphore(%run_scoped3A : memref<!tpu.dma_semaphore, #tpu.memory_space<semaphore_mem>>) src(%dma_wait3A_878 : memref<1600xi32, #tpu.memory_space<hbm>>) dst(%arg8 : memref<1600xi32, #tpu.memory_space<vmem>>)
          tpu.yield
        }) : () -> ()
        %dma_start3A_675 = arith.constant 0 : i32
        %dma_start3A_676 = arith.constant 0 : i32
        %dma_start3A_677 = tpu.memref_slice %arg10[%dma_start3A_675, %dma_start3A_676] : memref<1600x32xf32, #tpu.memory_space<vmem>> -> memref<64x32xf32, #tpu.memory_space<vmem>>
        %dma_start3A_678 = arith.constant 0 : i32
        %dma_start3A_679 = tpu.memref_slice %arg8[%dma_start3A_678] : memref<1600xi32, #tpu.memory_space<vmem>> -> memref<64xi32, #tpu.memory_space<vmem>>
        %dma_start3A_680 = arith.constant 0 : i32
        %dma_start3A_681 = arith.constant 0 : i32
        %dma_start3A_682 = tpu.memref_slice %arg3[%dma_start3A_680, %dma_start3A_681] : memref<1000000x32xf32, #tpu.memory_space<hbm>> -> memref<1000000x32xf32, #tpu.memory_space<hbm>>
        tpu.enqueue_indirect_dma source(%dma_start3A_682 : memref<1000000x32xf32, #tpu.memory_space<hbm>>) target(%dma_start3A_677 : memref<64x32xf32, #tpu.memory_space<vmem>>) offsets(%dma_start3A_679 : memref<64xi32, #tpu.memory_space<vmem>>) semaphore(%arg12 : memref<!tpu.dma_semaphore, #tpu.memory_space<semaphore_mem>>)
        %dma_start3A_683 = arith.constant 64 : i32
        %dma_start3A_684 = arith.constant 0 : i32
        %dma_start3A_685 = tpu.memref_slice %arg10[%dma_start3A_683, %dma_start3A_684] : memref<1600x32xf32, #tpu.memory_space<vmem>> -> memref<64x32xf32, #tpu.memory_space<vmem>>
        %dma_start3A_686 = arith.constant 64 : i32
        %dma_start3A_687 = tpu.memref_slice %arg8[%dma_start3A_686] : memref<1600xi32, #tpu.memory_space<vmem>> -> memref<64xi32, #tpu.memory_space<vmem>>
        %dma_start3A_688 = arith.constant 0 : i32
        %dma_start3A_689 = arith.constant 0 : i32
        %dma_start3A_690 = tpu.memref_slice %arg3[%dma_start3A_688, %dma_start3A_689] : memref<1000000x32xf32, #tpu.memory_space<hbm>> -> memref<1000000x32xf32, #tpu.memory_space<hbm>>
        tpu.enqueue_indirect_dma source(%dma_start3A_690 : memref<1000000x32xf32, #tpu.memory_space<hbm>>) target(%dma_start3A_685 : memref<64x32xf32, #tpu.memory_space<vmem>>) offsets(%dma_start3A_687 : memref<64xi32, #tpu.memory_space<vmem>>) semaphore(%arg12 : memref<!tpu.dma_semaphore, #tpu.memory_space<semaphore_mem>>)
        %dma_start3A_691 = arith.constant 128 : i32
        %dma_start3A_692 = arith.constant 0 : i32
        %dma_start3A_693 = tpu.memref_slice %arg10[%dma_start3A_691, %dma_start3A_692] : memref<1600x32xf32, #tpu.memory_space<vmem>> -> memref<64x32xf32, #tpu.memory_space<vmem>>
        %dma_start3A_694 = arith.constant 128 : i32
        %dma_start3A_695 = tpu.memref_slice %arg8[%dma_start3A_694] : memref<1600xi32, #tpu.memory_space<vmem>> -> memref<64xi32, #tpu.memory_space<vmem>>
        %dma_start3A_696 = arith.constant 0 : i32
        %dma_start3A_697 = arith.constant 0 : i32
        %dma_start3A_698 = tpu.memref_slice %arg3[%dma_start3A_696, %dma_start3A_697] : memref<1000000x32xf32, #tpu.memory_space<hbm>> -> memref<1000000x32xf32, #tpu.memory_space<hbm>>
        tpu.enqueue_indirect_dma source(%dma_start3A_698 : memref<1000000x32xf32, #tpu.memory_space<hbm>>) target(%dma_start3A_693 : memref<64x32xf32, #tpu.memory_space<vmem>>) offsets(%dma_start3A_695 : memref<64xi32, #tpu.memory_space<vmem>>) semaphore(%arg12 : memref<!tpu.dma_semaphore, #tpu.memory_space<semaphore_mem>>)
        %dma_start3A_699 = arith.constant 192 : i32
        %dma_start3A_700 = arith.constant 0 : i32
        %dma_start3A_701 = tpu.memref_slice %arg10[%dma_start3A_699, %dma_start3A_700] : memref<1600x32xf32, #tpu.memory_space<vmem>> -> memref<64x32xf32, #tpu.memory_space<vmem>>
        %dma_start3A_702 = arith.constant 192 : i32
        %dma_start3A_703 = tpu.memref_slice %arg8[%dma_start3A_702] : memref<1600xi32, #tpu.memory_space<vmem>> -> memref<64xi32, #tpu.memory_space<vmem>>
        %dma_start3A_704 = arith.constant 0 : i32
        %dma_start3A_705 = arith.constant 0 : i32
        %dma_start3A_706 = tpu.memref_slice %arg3[%dma_start3A_704, %dma_start3A_705] : memref<1000000x32xf32, #tpu.memory_space<hbm>> -> memref<1000000x32xf32, #tpu.memory_space<hbm>>
        tpu.enqueue_indirect_dma source(%dma_start3A_706 : memref<1000000x32xf32, #tpu.memory_space<hbm>>) target(%dma_start3A_701 : memref<64x32xf32, #tpu.memory_space<vmem>>) offsets(%dma_start3A_703 : memref<64xi32, #tpu.memory_space<vmem>>) semaphore(%arg12 : memref<!tpu.dma_semaphore, #tpu.memory_space<semaphore_mem>>)
        %dma_start3A_707 = arith.constant 256 : i32
        %dma_start3A_708 = arith.constant 0 : i32
        %dma_start3A_709 = tpu.memref_slice %arg10[%dma_start3A_707, %dma_start3A_708] : memref<1600x32xf32, #tpu.memory_space<vmem>> -> memref<64x32xf32, #tpu.memory_space<vmem>>
        %dma_start3A_710 = arith.constant 256 : i32
        %dma_start3A_711 = tpu.memref_slice %arg8[%dma_start3A_710] : memref<1600xi32, #tpu.memory_space<vmem>> -> memref<64xi32, #tpu.memory_space<vmem>>
        %dma_start3A_712 = arith.constant 0 : i32
        %dma_start3A_713 = arith.constant 0 : i32
        %dma_start3A_714 = tpu.memref_slice %arg3[%dma_start3A_712, %dma_start3A_713] : memref<1000000x32xf32, #tpu.memory_space<hbm>> -> memref<1000000x32xf32, #tpu.memory_space<hbm>>
        tpu.enqueue_indirect_dma source(%dma_start3A_714 : memref<1000000x32xf32, #tpu.memory_space<hbm>>) target(%dma_start3A_709 : memref<64x32xf32, #tpu.memory_space<vmem>>) offsets(%dma_start3A_711 : memref<64xi32, #tpu.memory_space<vmem>>) semaphore(%arg12 : memref<!tpu.dma_semaphore, #tpu.memory_space<semaphore_mem>>)
        %dma_start3A_715 = arith.constant 320 : i32
        %dma_start3A_716 = arith.constant 0 : i32
        %dma_start3A_717 = tpu.memref_slice %arg10[%dma_start3A_715, %dma_start3A_716] : memref<1600x32xf32, #tpu.memory_space<vmem>> -> memref<64x32xf32, #tpu.memory_space<vmem>>
        %dma_start3A_718 = arith.constant 320 : i32
        %dma_start3A_719 = tpu.memref_slice %arg8[%dma_start3A_718] : memref<1600xi32, #tpu.memory_space<vmem>> -> memref<64xi32, #tpu.memory_space<vmem>>
        %dma_start3A_720 = arith.constant 0 : i32
        %dma_start3A_721 = arith.constant 0 : i32
        %dma_start3A_722 = tpu.memref_slice %arg3[%dma_start3A_720, %dma_start3A_721] : memref<1000000x32xf32, #tpu.memory_space<hbm>> -> memref<1000000x32xf32, #tpu.memory_space<hbm>>
        tpu.enqueue_indirect_dma source(%dma_start3A_722 : memref<1000000x32xf32, #tpu.memory_space<hbm>>) target(%dma_start3A_717 : memref<64x32xf32, #tpu.memory_space<vmem>>) offsets(%dma_start3A_719 : memref<64xi32, #tpu.memory_space<vmem>>) semaphore(%arg12 : memref<!tpu.dma_semaphore, #tpu.memory_space<semaphore_mem>>)
        %dma_start3A_723 = arith.constant 384 : i32
        %dma_start3A_724 = arith.constant 0 : i32
        %dma_start3A_725 = tpu.memref_slice %arg10[%dma_start3A_723, %dma_start3A_724] : memref<1600x32xf32, #tpu.memory_space<vmem>> -> memref<64x32xf32, #tpu.memory_space<vmem>>
        %dma_start3A_726 = arith.constant 384 : i32
        %dma_start3A_727 = tpu.memref_slice %arg8[%dma_start3A_726] : memref<1600xi32, #tpu.memory_space<vmem>> -> memref<64xi32, #tpu.memory_space<vmem>>
        %dma_start3A_728 = arith.constant 0 : i32
        %dma_start3A_729 = arith.constant 0 : i32
        %dma_start3A_730 = tpu.memref_slice %arg3[%dma_start3A_728, %dma_start3A_729] : memref<1000000x32xf32, #tpu.memory_space<hbm>> -> memref<1000000x32xf32, #tpu.memory_space<hbm>>
        tpu.enqueue_indirect_dma source(%dma_start3A_730 : memref<1000000x32xf32, #tpu.memory_space<hbm>>) target(%dma_start3A_725 : memref<64x32xf32, #tpu.memory_space<vmem>>) offsets(%dma_start3A_727 : memref<64xi32, #tpu.memory_space<vmem>>) semaphore(%arg12 : memref<!tpu.dma_semaphore, #tpu.memory_space<semaphore_mem>>)
        %dma_start3A_731 = arith.constant 448 : i32
        %dma_start3A_732 = arith.constant 0 : i32
        %dma_start3A_733 = tpu.memref_slice %arg10[%dma_start3A_731, %dma_start3A_732] : memref<1600x32xf32, #tpu.memory_space<vmem>> -> memref<64x32xf32, #tpu.memory_space<vmem>>
        %dma_start3A_734 = arith.constant 448 : i32
        %dma_start3A_735 = tpu.memref_slice %arg8[%dma_start3A_734] : memref<1600xi32, #tpu.memory_space<vmem>> -> memref<64xi32, #tpu.memory_space<vmem>>
        %dma_start3A_736 = arith.constant 0 : i32
        %dma_start3A_737 = arith.constant 0 : i32
        %dma_start3A_738 = tpu.memref_slice %arg3[%dma_start3A_736, %dma_start3A_737] : memref<1000000x32xf32, #tpu.memory_space<hbm>> -> memref<1000000x32xf32, #tpu.memory_space<hbm>>
        tpu.enqueue_indirect_dma source(%dma_start3A_738 : memref<1000000x32xf32, #tpu.memory_space<hbm>>) target(%dma_start3A_733 : memref<64x32xf32, #tpu.memory_space<vmem>>) offsets(%dma_start3A_735 : memref<64xi32, #tpu.memory_space<vmem>>) semaphore(%arg12 : memref<!tpu.dma_semaphore, #tpu.memory_space<semaphore_mem>>)
        %dma_start3A_739 = arith.constant 512 : i32
        %dma_start3A_740 = arith.constant 0 : i32
        %dma_start3A_741 = tpu.memref_slice %arg10[%dma_start3A_739, %dma_start3A_740] : memref<1600x32xf32, #tpu.memory_space<vmem>> -> memref<64x32xf32, #tpu.memory_space<vmem>>
        %dma_start3A_742 = arith.constant 512 : i32
        %dma_start3A_743 = tpu.memref_slice %arg8[%dma_start3A_742] : memref<1600xi32, #tpu.memory_space<vmem>> -> memref<64xi32, #tpu.memory_space<vmem>>
        %dma_start3A_744 = arith.constant 0 : i32
        %dma_start3A_745 = arith.constant 0 : i32
        %dma_start3A_746 = tpu.memref_slice %arg3[%dma_start3A_744, %dma_start3A_745] : memref<1000000x32xf32, #tpu.memory_space<hbm>> -> memref<1000000x32xf32, #tpu.memory_space<hbm>>
        tpu.enqueue_indirect_dma source(%dma_start3A_746 : memref<1000000x32xf32, #tpu.memory_space<hbm>>) target(%dma_start3A_741 : memref<64x32xf32, #tpu.memory_space<vmem>>) offsets(%dma_start3A_743 : memref<64xi32, #tpu.memory_space<vmem>>) semaphore(%arg12 : memref<!tpu.dma_semaphore, #tpu.memory_space<semaphore_mem>>)
        %dma_start3A_747 = arith.constant 576 : i32
        %dma_start3A_748 = arith.constant 0 : i32
        %dma_start3A_749 = tpu.memref_slice %arg10[%dma_start3A_747, %dma_start3A_748] : memref<1600x32xf32, #tpu.memory_space<vmem>> -> memref<64x32xf32, #tpu.memory_space<vmem>>
        %dma_start3A_750 = arith.constant 576 : i32
        %dma_start3A_751 = tpu.memref_slice %arg8[%dma_start3A_750] : memref<1600xi32, #tpu.memory_space<vmem>> -> memref<64xi32, #tpu.memory_space<vmem>>
        %dma_start3A_752 = arith.constant 0 : i32
        %dma_start3A_753 = arith.constant 0 : i32
        %dma_start3A_754 = tpu.memref_slice %arg3[%dma_start3A_752, %dma_start3A_753] : memref<1000000x32xf32, #tpu.memory_space<hbm>> -> memref<1000000x32xf32, #tpu.memory_space<hbm>>
        tpu.enqueue_indirect_dma source(%dma_start3A_754 : memref<1000000x32xf32, #tpu.memory_space<hbm>>) target(%dma_start3A_749 : memref<64x32xf32, #tpu.memory_space<vmem>>) offsets(%dma_start3A_751 : memref<64xi32, #tpu.memory_space<vmem>>) semaphore(%arg12 : memref<!tpu.dma_semaphore, #tpu.memory_space<semaphore_mem>>)
        %dma_start3A_755 = arith.constant 640 : i32
        %dma_start3A_756 = arith.constant 0 : i32
        %dma_start3A_757 = tpu.memref_slice %arg10[%dma_start3A_755, %dma_start3A_756] : memref<1600x32xf32, #tpu.memory_space<vmem>> -> memref<64x32xf32, #tpu.memory_space<vmem>>
        %dma_start3A_758 = arith.constant 640 : i32
        %dma_start3A_759 = tpu.memref_slice %arg8[%dma_start3A_758] : memref<1600xi32, #tpu.memory_space<vmem>> -> memref<64xi32, #tpu.memory_space<vmem>>
        %dma_start3A_760 = arith.constant 0 : i32
        %dma_start3A_761 = arith.constant 0 : i32
        %dma_start3A_762 = tpu.memref_slice %arg3[%dma_start3A_760, %dma_start3A_761] : memref<1000000x32xf32, #tpu.memory_space<hbm>> -> memref<1000000x32xf32, #tpu.memory_space<hbm>>
        tpu.enqueue_indirect_dma source(%dma_start3A_762 : memref<1000000x32xf32, #tpu.memory_space<hbm>>) target(%dma_start3A_757 : memref<64x32xf32, #tpu.memory_space<vmem>>) offsets(%dma_start3A_759 : memref<64xi32, #tpu.memory_space<vmem>>) semaphore(%arg12 : memref<!tpu.dma_semaphore, #tpu.memory_space<semaphore_mem>>)
        %dma_start3A_763 = arith.constant 704 : i32
        %dma_start3A_764 = arith.constant 0 : i32
        %dma_start3A_765 = tpu.memref_slice %arg10[%dma_start3A_763, %dma_start3A_764] : memref<1600x32xf32, #tpu.memory_space<vmem>> -> memref<64x32xf32, #tpu.memory_space<vmem>>
        %dma_start3A_766 = arith.constant 704 : i32
        %dma_start3A_767 = tpu.memref_slice %arg8[%dma_start3A_766] : memref<1600xi32, #tpu.memory_space<vmem>> -> memref<64xi32, #tpu.memory_space<vmem>>
        %dma_start3A_768 = arith.constant 0 : i32
        %dma_start3A_769 = arith.constant 0 : i32
        %dma_start3A_770 = tpu.memref_slice %arg3[%dma_start3A_768, %dma_start3A_769] : memref<1000000x32xf32, #tpu.memory_space<hbm>> -> memref<1000000x32xf32, #tpu.memory_space<hbm>>
        tpu.enqueue_indirect_dma source(%dma_start3A_770 : memref<1000000x32xf32, #tpu.memory_space<hbm>>) target(%dma_start3A_765 : memref<64x32xf32, #tpu.memory_space<vmem>>) offsets(%dma_start3A_767 : memref<64xi32, #tpu.memory_space<vmem>>) semaphore(%arg12 : memref<!tpu.dma_semaphore, #tpu.memory_space<semaphore_mem>>)
        %dma_start3A_771 = arith.constant 768 : i32
        %dma_start3A_772 = arith.constant 0 : i32
        %dma_start3A_773 = tpu.memref_slice %arg10[%dma_start3A_771, %dma_start3A_772] : memref<1600x32xf32, #tpu.memory_space<vmem>> -> memref<64x32xf32, #tpu.memory_space<vmem>>
        %dma_start3A_774 = arith.constant 768 : i32
        %dma_start3A_775 = tpu.memref_slice %arg8[%dma_start3A_774] : memref<1600xi32, #tpu.memory_space<vmem>> -> memref<64xi32, #tpu.memory_space<vmem>>
        %dma_start3A_776 = arith.constant 0 : i32
        %dma_start3A_777 = arith.constant 0 : i32
        %dma_start3A_778 = tpu.memref_slice %arg3[%dma_start3A_776, %dma_start3A_777] : memref<1000000x32xf32, #tpu.memory_space<hbm>> -> memref<1000000x32xf32, #tpu.memory_space<hbm>>
        tpu.enqueue_indirect_dma source(%dma_start3A_778 : memref<1000000x32xf32, #tpu.memory_space<hbm>>) target(%dma_start3A_773 : memref<64x32xf32, #tpu.memory_space<vmem>>) offsets(%dma_start3A_775 : memref<64xi32, #tpu.memory_space<vmem>>) semaphore(%arg12 : memref<!tpu.dma_semaphore, #tpu.memory_space<semaphore_mem>>)
        %dma_start3A_779 = arith.constant 832 : i32
        %dma_start3A_780 = arith.constant 0 : i32
        %dma_start3A_781 = tpu.memref_slice %arg10[%dma_start3A_779, %dma_start3A_780] : memref<1600x32xf32, #tpu.memory_space<vmem>> -> memref<64x32xf32, #tpu.memory_space<vmem>>
        %dma_start3A_782 = arith.constant 832 : i32
        %dma_start3A_783 = tpu.memref_slice %arg8[%dma_start3A_782] : memref<1600xi32, #tpu.memory_space<vmem>> -> memref<64xi32, #tpu.memory_space<vmem>>
        %dma_start3A_784 = arith.constant 0 : i32
        %dma_start3A_785 = arith.constant 0 : i32
        %dma_start3A_786 = tpu.memref_slice %arg3[%dma_start3A_784, %dma_start3A_785] : memref<1000000x32xf32, #tpu.memory_space<hbm>> -> memref<1000000x32xf32, #tpu.memory_space<hbm>>
        tpu.enqueue_indirect_dma source(%dma_start3A_786 : memref<1000000x32xf32, #tpu.memory_space<hbm>>) target(%dma_start3A_781 : memref<64x32xf32, #tpu.memory_space<vmem>>) offsets(%dma_start3A_783 : memref<64xi32, #tpu.memory_space<vmem>>) semaphore(%arg12 : memref<!tpu.dma_semaphore, #tpu.memory_space<semaphore_mem>>)
        %dma_start3A_787 = arith.constant 896 : i32
        %dma_start3A_788 = arith.constant 0 : i32
        %dma_start3A_789 = tpu.memref_slice %arg10[%dma_start3A_787, %dma_start3A_788] : memref<1600x32xf32, #tpu.memory_space<vmem>> -> memref<64x32xf32, #tpu.memory_space<vmem>>
        %dma_start3A_790 = arith.constant 896 : i32
        %dma_start3A_791 = tpu.memref_slice %arg8[%dma_start3A_790] : memref<1600xi32, #tpu.memory_space<vmem>> -> memref<64xi32, #tpu.memory_space<vmem>>
        %dma_start3A_792 = arith.constant 0 : i32
        %dma_start3A_793 = arith.constant 0 : i32
        %dma_start3A_794 = tpu.memref_slice %arg3[%dma_start3A_792, %dma_start3A_793] : memref<1000000x32xf32, #tpu.memory_space<hbm>> -> memref<1000000x32xf32, #tpu.memory_space<hbm>>
        tpu.enqueue_indirect_dma source(%dma_start3A_794 : memref<1000000x32xf32, #tpu.memory_space<hbm>>) target(%dma_start3A_789 : memref<64x32xf32, #tpu.memory_space<vmem>>) offsets(%dma_start3A_791 : memref<64xi32, #tpu.memory_space<vmem>>) semaphore(%arg12 : memref<!tpu.dma_semaphore, #tpu.memory_space<semaphore_mem>>)
        %dma_start3A_795 = arith.constant 960 : i32
        %dma_start3A_796 = arith.constant 0 : i32
        %dma_start3A_797 = tpu.memref_slice %arg10[%dma_start3A_795, %dma_start3A_796] : memref<1600x32xf32, #tpu.memory_space<vmem>> -> memref<64x32xf32, #tpu.memory_space<vmem>>
        %dma_start3A_798 = arith.constant 960 : i32
        %dma_start3A_799 = tpu.memref_slice %arg8[%dma_start3A_798] : memref<1600xi32, #tpu.memory_space<vmem>> -> memref<64xi32, #tpu.memory_space<vmem>>
        %dma_start3A_800 = arith.constant 0 : i32
        %dma_start3A_801 = arith.constant 0 : i32
        %dma_start3A_802 = tpu.memref_slice %arg3[%dma_start3A_800, %dma_start3A_801] : memref<1000000x32xf32, #tpu.memory_space<hbm>> -> memref<1000000x32xf32, #tpu.memory_space<hbm>>
        tpu.enqueue_indirect_dma source(%dma_start3A_802 : memref<1000000x32xf32, #tpu.memory_space<hbm>>) target(%dma_start3A_797 : memref<64x32xf32, #tpu.memory_space<vmem>>) offsets(%dma_start3A_799 : memref<64xi32, #tpu.memory_space<vmem>>) semaphore(%arg12 : memref<!tpu.dma_semaphore, #tpu.memory_space<semaphore_mem>>)
        %dma_start3A_803 = arith.constant 1024 : i32
        %dma_start3A_804 = arith.constant 0 : i32
        %dma_start3A_805 = tpu.memref_slice %arg10[%dma_start3A_803, %dma_start3A_804] : memref<1600x32xf32, #tpu.memory_space<vmem>> -> memref<64x32xf32, #tpu.memory_space<vmem>>
        %dma_start3A_806 = arith.constant 1024 : i32
        %dma_start3A_807 = tpu.memref_slice %arg8[%dma_start3A_806] : memref<1600xi32, #tpu.memory_space<vmem>> -> memref<64xi32, #tpu.memory_space<vmem>>
        %dma_start3A_808 = arith.constant 0 : i32
        %dma_start3A_809 = arith.constant 0 : i32
        %dma_start3A_810 = tpu.memref_slice %arg3[%dma_start3A_808, %dma_start3A_809] : memref<1000000x32xf32, #tpu.memory_space<hbm>> -> memref<1000000x32xf32, #tpu.memory_space<hbm>>
        tpu.enqueue_indirect_dma source(%dma_start3A_810 : memref<1000000x32xf32, #tpu.memory_space<hbm>>) target(%dma_start3A_805 : memref<64x32xf32, #tpu.memory_space<vmem>>) offsets(%dma_start3A_807 : memref<64xi32, #tpu.memory_space<vmem>>) semaphore(%arg12 : memref<!tpu.dma_semaphore, #tpu.memory_space<semaphore_mem>>)
        %dma_start3A_811 = arith.constant 1088 : i32
        %dma_start3A_812 = arith.constant 0 : i32
        %dma_start3A_813 = tpu.memref_slice %arg10[%dma_start3A_811, %dma_start3A_812] : memref<1600x32xf32, #tpu.memory_space<vmem>> -> memref<64x32xf32, #tpu.memory_space<vmem>>
        %dma_start3A_814 = arith.constant 1088 : i32
        %dma_start3A_815 = tpu.memref_slice %arg8[%dma_start3A_814] : memref<1600xi32, #tpu.memory_space<vmem>> -> memref<64xi32, #tpu.memory_space<vmem>>
        %dma_start3A_816 = arith.constant 0 : i32
        %dma_start3A_817 = arith.constant 0 : i32
        %dma_start3A_818 = tpu.memref_slice %arg3[%dma_start3A_816, %dma_start3A_817] : memref<1000000x32xf32, #tpu.memory_space<hbm>> -> memref<1000000x32xf32, #tpu.memory_space<hbm>>
        tpu.enqueue_indirect_dma source(%dma_start3A_818 : memref<1000000x32xf32, #tpu.memory_space<hbm>>) target(%dma_start3A_813 : memref<64x32xf32, #tpu.memory_space<vmem>>) offsets(%dma_start3A_815 : memref<64xi32, #tpu.memory_space<vmem>>) semaphore(%arg12 : memref<!tpu.dma_semaphore, #tpu.memory_space<semaphore_mem>>)
        %dma_start3A_819 = arith.constant 1152 : i32
        %dma_start3A_820 = arith.constant 0 : i32
        %dma_start3A_821 = tpu.memref_slice %arg10[%dma_start3A_819, %dma_start3A_820] : memref<1600x32xf32, #tpu.memory_space<vmem>> -> memref<64x32xf32, #tpu.memory_space<vmem>>
        %dma_start3A_822 = arith.constant 1152 : i32
        %dma_start3A_823 = tpu.memref_slice %arg8[%dma_start3A_822] : memref<1600xi32, #tpu.memory_space<vmem>> -> memref<64xi32, #tpu.memory_space<vmem>>
        %dma_start3A_824 = arith.constant 0 : i32
        %dma_start3A_825 = arith.constant 0 : i32
        %dma_start3A_826 = tpu.memref_slice %arg3[%dma_start3A_824, %dma_start3A_825] : memref<1000000x32xf32, #tpu.memory_space<hbm>> -> memref<1000000x32xf32, #tpu.memory_space<hbm>>
        tpu.enqueue_indirect_dma source(%dma_start3A_826 : memref<1000000x32xf32, #tpu.memory_space<hbm>>) target(%dma_start3A_821 : memref<64x32xf32, #tpu.memory_space<vmem>>) offsets(%dma_start3A_823 : memref<64xi32, #tpu.memory_space<vmem>>) semaphore(%arg12 : memref<!tpu.dma_semaphore, #tpu.memory_space<semaphore_mem>>)
        %dma_start3A_827 = arith.constant 1216 : i32
        %dma_start3A_828 = arith.constant 0 : i32
        %dma_start3A_829 = tpu.memref_slice %arg10[%dma_start3A_827, %dma_start3A_828] : memref<1600x32xf32, #tpu.memory_space<vmem>> -> memref<64x32xf32, #tpu.memory_space<vmem>>
        %dma_start3A_830 = arith.constant 1216 : i32
        %dma_start3A_831 = tpu.memref_slice %arg8[%dma_start3A_830] : memref<1600xi32, #tpu.memory_space<vmem>> -> memref<64xi32, #tpu.memory_space<vmem>>
        %dma_start3A_832 = arith.constant 0 : i32
        %dma_start3A_833 = arith.constant 0 : i32
        %dma_start3A_834 = tpu.memref_slice %arg3[%dma_start3A_832, %dma_start3A_833] : memref<1000000x32xf32, #tpu.memory_space<hbm>> -> memref<1000000x32xf32, #tpu.memory_space<hbm>>
        tpu.enqueue_indirect_dma source(%dma_start3A_834 : memref<1000000x32xf32, #tpu.memory_space<hbm>>) target(%dma_start3A_829 : memref<64x32xf32, #tpu.memory_space<vmem>>) offsets(%dma_start3A_831 : memref<64xi32, #tpu.memory_space<vmem>>) semaphore(%arg12 : memref<!tpu.dma_semaphore, #tpu.memory_space<semaphore_mem>>)
        %dma_start3A_835 = arith.constant 1280 : i32
        %dma_start3A_836 = arith.constant 0 : i32
        %dma_start3A_837 = tpu.memref_slice %arg10[%dma_start3A_835, %dma_start3A_836] : memref<1600x32xf32, #tpu.memory_space<vmem>> -> memref<64x32xf32, #tpu.memory_space<vmem>>
        %dma_start3A_838 = arith.constant 1280 : i32
        %dma_start3A_839 = tpu.memref_slice %arg8[%dma_start3A_838] : memref<1600xi32, #tpu.memory_space<vmem>> -> memref<64xi32, #tpu.memory_space<vmem>>
        %dma_start3A_840 = arith.constant 0 : i32
        %dma_start3A_841 = arith.constant 0 : i32
        %dma_start3A_842 = tpu.memref_slice %arg3[%dma_start3A_840, %dma_start3A_841] : memref<1000000x32xf32, #tpu.memory_space<hbm>> -> memref<1000000x32xf32, #tpu.memory_space<hbm>>
        tpu.enqueue_indirect_dma source(%dma_start3A_842 : memref<1000000x32xf32, #tpu.memory_space<hbm>>) target(%dma_start3A_837 : memref<64x32xf32, #tpu.memory_space<vmem>>) offsets(%dma_start3A_839 : memref<64xi32, #tpu.memory_space<vmem>>) semaphore(%arg12 : memref<!tpu.dma_semaphore, #tpu.memory_space<semaphore_mem>>)
        %dma_start3A_843 = arith.constant 1344 : i32
        %dma_start3A_844 = arith.constant 0 : i32
        %dma_start3A_845 = tpu.memref_slice %arg10[%dma_start3A_843, %dma_start3A_844] : memref<1600x32xf32, #tpu.memory_space<vmem>> -> memref<64x32xf32, #tpu.memory_space<vmem>>
        %dma_start3A_846 = arith.constant 1344 : i32
        %dma_start3A_847 = tpu.memref_slice %arg8[%dma_start3A_846] : memref<1600xi32, #tpu.memory_space<vmem>> -> memref<64xi32, #tpu.memory_space<vmem>>
        %dma_start3A_848 = arith.constant 0 : i32
        %dma_start3A_849 = arith.constant 0 : i32
        %dma_start3A_850 = tpu.memref_slice %arg3[%dma_start3A_848, %dma_start3A_849] : memref<1000000x32xf32, #tpu.memory_space<hbm>> -> memref<1000000x32xf32, #tpu.memory_space<hbm>>
        tpu.enqueue_indirect_dma source(%dma_start3A_850 : memref<1000000x32xf32, #tpu.memory_space<hbm>>) target(%dma_start3A_845 : memref<64x32xf32, #tpu.memory_space<vmem>>) offsets(%dma_start3A_847 : memref<64xi32, #tpu.memory_space<vmem>>) semaphore(%arg12 : memref<!tpu.dma_semaphore, #tpu.memory_space<semaphore_mem>>)
        %dma_start3A_851 = arith.constant 1408 : i32
        %dma_start3A_852 = arith.constant 0 : i32
        %dma_start3A_853 = tpu.memref_slice %arg10[%dma_start3A_851, %dma_start3A_852] : memref<1600x32xf32, #tpu.memory_space<vmem>> -> memref<64x32xf32, #tpu.memory_space<vmem>>
        %dma_start3A_854 = arith.constant 1408 : i32
        %dma_start3A_855 = tpu.memref_slice %arg8[%dma_start3A_854] : memref<1600xi32, #tpu.memory_space<vmem>> -> memref<64xi32, #tpu.memory_space<vmem>>
        %dma_start3A_856 = arith.constant 0 : i32
        %dma_start3A_857 = arith.constant 0 : i32
        %dma_start3A_858 = tpu.memref_slice %arg3[%dma_start3A_856, %dma_start3A_857] : memref<1000000x32xf32, #tpu.memory_space<hbm>> -> memref<1000000x32xf32, #tpu.memory_space<hbm>>
        tpu.enqueue_indirect_dma source(%dma_start3A_858 : memref<1000000x32xf32, #tpu.memory_space<hbm>>) target(%dma_start3A_853 : memref<64x32xf32, #tpu.memory_space<vmem>>) offsets(%dma_start3A_855 : memref<64xi32, #tpu.memory_space<vmem>>) semaphore(%arg12 : memref<!tpu.dma_semaphore, #tpu.memory_space<semaphore_mem>>)
        %dma_start3A_859 = arith.constant 1472 : i32
        %dma_start3A_860 = arith.constant 0 : i32
        %dma_start3A_861 = tpu.memref_slice %arg10[%dma_start3A_859, %dma_start3A_860] : memref<1600x32xf32, #tpu.memory_space<vmem>> -> memref<64x32xf32, #tpu.memory_space<vmem>>
        %dma_start3A_862 = arith.constant 1472 : i32
        %dma_start3A_863 = tpu.memref_slice %arg8[%dma_start3A_862] : memref<1600xi32, #tpu.memory_space<vmem>> -> memref<64xi32, #tpu.memory_space<vmem>>
        %dma_start3A_864 = arith.constant 0 : i32
        %dma_start3A_865 = arith.constant 0 : i32
        %dma_start3A_866 = tpu.memref_slice %arg3[%dma_start3A_864, %dma_start3A_865] : memref<1000000x32xf32, #tpu.memory_space<hbm>> -> memref<1000000x32xf32, #tpu.memory_space<hbm>>
        tpu.enqueue_indirect_dma source(%dma_start3A_866 : memref<1000000x32xf32, #tpu.memory_space<hbm>>) target(%dma_start3A_861 : memref<64x32xf32, #tpu.memory_space<vmem>>) offsets(%dma_start3A_863 : memref<64xi32, #tpu.memory_space<vmem>>) semaphore(%arg12 : memref<!tpu.dma_semaphore, #tpu.memory_space<semaphore_mem>>)
        %dma_start3A_867 = arith.constant 1536 : i32
        %dma_start3A_868 = arith.constant 0 : i32
        %dma_start3A_869 = tpu.memref_slice %arg10[%dma_start3A_867, %dma_start3A_868] : memref<1600x32xf32, #tpu.memory_space<vmem>> -> memref<64x32xf32, #tpu.memory_space<vmem>>
        %dma_start3A_870 = arith.constant 1536 : i32
        %dma_start3A_871 = tpu.memref_slice %arg8[%dma_start3A_870] : memref<1600xi32, #tpu.memory_space<vmem>> -> memref<64xi32, #tpu.memory_space<vmem>>
        %dma_start3A_872 = arith.constant 0 : i32
        %dma_start3A_873 = arith.constant 0 : i32
        %dma_start3A_874 = tpu.memref_slice %arg3[%dma_start3A_872, %dma_start3A_873] : memref<1000000x32xf32, #tpu.memory_space<hbm>> -> memref<1000000x32xf32, #tpu.memory_space<hbm>>
        tpu.enqueue_indirect_dma source(%dma_start3A_874 : memref<1000000x32xf32, #tpu.memory_space<hbm>>) target(%dma_start3A_869 : memref<64x32xf32, #tpu.memory_space<vmem>>) offsets(%dma_start3A_871 : memref<64xi32, #tpu.memory_space<vmem>>) semaphore(%arg12 : memref<!tpu.dma_semaphore, #tpu.memory_space<semaphore_mem>>)
      } else {
      }
      %dma_wait3A_229 = arith.constant 0 : i32
      %dma_wait3A_230 = arith.constant 0 : i32
      %dma_wait3A_231 = tpu.memref_slice %arg9[%dma_wait3A_229, %dma_wait3A_230] : memref<1600x32xf32, #tpu.memory_space<vmem>> -> memref<64x32xf32, #tpu.memory_space<vmem>>
      %dma_wait3A_232 = arith.constant 0 : i32
      %dma_wait3A_233 = tpu.memref_slice %arg7[%dma_wait3A_232] : memref<1600xi32, #tpu.memory_space<vmem>> -> memref<64xi32, #tpu.memory_space<vmem>>
      %dma_wait3A_234 = arith.constant 0 : i32
      %dma_wait3A_235 = arith.constant 0 : i32
      %dma_wait3A_236 = tpu.memref_slice %arg3[%dma_wait3A_234, %dma_wait3A_235] : memref<1000000x32xf32, #tpu.memory_space<hbm>> -> memref<1000000x32xf32, #tpu.memory_space<hbm>>
      tpu.wait_indirect_dma semaphore(%arg11 : memref<!tpu.dma_semaphore, #tpu.memory_space<semaphore_mem>>) src(%dma_wait3A_236 : memref<1000000x32xf32, #tpu.memory_space<hbm>>) dst(%dma_wait3A_231 : memref<64x32xf32, #tpu.memory_space<vmem>>)
      %dma_wait3A_237 = arith.constant 64 : i32
      %dma_wait3A_238 = arith.constant 0 : i32
      %dma_wait3A_239 = tpu.memref_slice %arg9[%dma_wait3A_237, %dma_wait3A_238] : memref<1600x32xf32, #tpu.memory_space<vmem>> -> memref<64x32xf32, #tpu.memory_space<vmem>>
      %dma_wait3A_240 = arith.constant 64 : i32
      %dma_wait3A_241 = tpu.memref_slice %arg7[%dma_wait3A_240] : memref<1600xi32, #tpu.memory_space<vmem>> -> memref<64xi32, #tpu.memory_space<vmem>>
      %dma_wait3A_242 = arith.constant 0 : i32
      %dma_wait3A_243 = arith.constant 0 : i32
      %dma_wait3A_244 = tpu.memref_slice %arg3[%dma_wait3A_242, %dma_wait3A_243] : memref<1000000x32xf32, #tpu.memory_space<hbm>> -> memref<1000000x32xf32, #tpu.memory_space<hbm>>
      tpu.wait_indirect_dma semaphore(%arg11 : memref<!tpu.dma_semaphore, #tpu.memory_space<semaphore_mem>>) src(%dma_wait3A_244 : memref<1000000x32xf32, #tpu.memory_space<hbm>>) dst(%dma_wait3A_239 : memref<64x32xf32, #tpu.memory_space<vmem>>)
      %dma_wait3A_245 = arith.constant 128 : i32
      %dma_wait3A_246 = arith.constant 0 : i32
      %dma_wait3A_247 = tpu.memref_slice %arg9[%dma_wait3A_245, %dma_wait3A_246] : memref<1600x32xf32, #tpu.memory_space<vmem>> -> memref<64x32xf32, #tpu.memory_space<vmem>>
      %dma_wait3A_248 = arith.constant 128 : i32
      %dma_wait3A_249 = tpu.memref_slice %arg7[%dma_wait3A_248] : memref<1600xi32, #tpu.memory_space<vmem>> -> memref<64xi32, #tpu.memory_space<vmem>>
      %dma_wait3A_250 = arith.constant 0 : i32
      %dma_wait3A_251 = arith.constant 0 : i32
      %dma_wait3A_252 = tpu.memref_slice %arg3[%dma_wait3A_250, %dma_wait3A_251] : memref<1000000x32xf32, #tpu.memory_space<hbm>> -> memref<1000000x32xf32, #tpu.memory_space<hbm>>
      tpu.wait_indirect_dma semaphore(%arg11 : memref<!tpu.dma_semaphore, #tpu.memory_space<semaphore_mem>>) src(%dma_wait3A_252 : memref<1000000x32xf32, #tpu.memory_space<hbm>>) dst(%dma_wait3A_247 : memref<64x32xf32, #tpu.memory_space<vmem>>)
      %dma_wait3A_253 = arith.constant 192 : i32
      %dma_wait3A_254 = arith.constant 0 : i32
      %dma_wait3A_255 = tpu.memref_slice %arg9[%dma_wait3A_253, %dma_wait3A_254] : memref<1600x32xf32, #tpu.memory_space<vmem>> -> memref<64x32xf32, #tpu.memory_space<vmem>>
      %dma_wait3A_256 = arith.constant 192 : i32
      %dma_wait3A_257 = tpu.memref_slice %arg7[%dma_wait3A_256] : memref<1600xi32, #tpu.memory_space<vmem>> -> memref<64xi32, #tpu.memory_space<vmem>>
      %dma_wait3A_258 = arith.constant 0 : i32
      %dma_wait3A_259 = arith.constant 0 : i32
      %dma_wait3A_260 = tpu.memref_slice %arg3[%dma_wait3A_258, %dma_wait3A_259] : memref<1000000x32xf32, #tpu.memory_space<hbm>> -> memref<1000000x32xf32, #tpu.memory_space<hbm>>
      tpu.wait_indirect_dma semaphore(%arg11 : memref<!tpu.dma_semaphore, #tpu.memory_space<semaphore_mem>>) src(%dma_wait3A_260 : memref<1000000x32xf32, #tpu.memory_space<hbm>>) dst(%dma_wait3A_255 : memref<64x32xf32, #tpu.memory_space<vmem>>)
      %dma_wait3A_261 = arith.constant 256 : i32
      %dma_wait3A_262 = arith.constant 0 : i32
      %dma_wait3A_263 = tpu.memref_slice %arg9[%dma_wait3A_261, %dma_wait3A_262] : memref<1600x32xf32, #tpu.memory_space<vmem>> -> memref<64x32xf32, #tpu.memory_space<vmem>>
      %dma_wait3A_264 = arith.constant 256 : i32
      %dma_wait3A_265 = tpu.memref_slice %arg7[%dma_wait3A_264] : memref<1600xi32, #tpu.memory_space<vmem>> -> memref<64xi32, #tpu.memory_space<vmem>>
      %dma_wait3A_266 = arith.constant 0 : i32
      %dma_wait3A_267 = arith.constant 0 : i32
      %dma_wait3A_268 = tpu.memref_slice %arg3[%dma_wait3A_266, %dma_wait3A_267] : memref<1000000x32xf32, #tpu.memory_space<hbm>> -> memref<1000000x32xf32, #tpu.memory_space<hbm>>
      tpu.wait_indirect_dma semaphore(%arg11 : memref<!tpu.dma_semaphore, #tpu.memory_space<semaphore_mem>>) src(%dma_wait3A_268 : memref<1000000x32xf32, #tpu.memory_space<hbm>>) dst(%dma_wait3A_263 : memref<64x32xf32, #tpu.memory_space<vmem>>)
      %dma_wait3A_269 = arith.constant 320 : i32
      %dma_wait3A_270 = arith.constant 0 : i32
      %dma_wait3A_271 = tpu.memref_slice %arg9[%dma_wait3A_269, %dma_wait3A_270] : memref<1600x32xf32, #tpu.memory_space<vmem>> -> memref<64x32xf32, #tpu.memory_space<vmem>>
      %dma_wait3A_272 = arith.constant 320 : i32
      %dma_wait3A_273 = tpu.memref_slice %arg7[%dma_wait3A_272] : memref<1600xi32, #tpu.memory_space<vmem>> -> memref<64xi32, #tpu.memory_space<vmem>>
      %dma_wait3A_274 = arith.constant 0 : i32
      %dma_wait3A_275 = arith.constant 0 : i32
      %dma_wait3A_276 = tpu.memref_slice %arg3[%dma_wait3A_274, %dma_wait3A_275] : memref<1000000x32xf32, #tpu.memory_space<hbm>> -> memref<1000000x32xf32, #tpu.memory_space<hbm>>
      tpu.wait_indirect_dma semaphore(%arg11 : memref<!tpu.dma_semaphore, #tpu.memory_space<semaphore_mem>>) src(%dma_wait3A_276 : memref<1000000x32xf32, #tpu.memory_space<hbm>>) dst(%dma_wait3A_271 : memref<64x32xf32, #tpu.memory_space<vmem>>)
      %dma_wait3A_277 = arith.constant 384 : i32
      %dma_wait3A_278 = arith.constant 0 : i32
      %dma_wait3A_279 = tpu.memref_slice %arg9[%dma_wait3A_277, %dma_wait3A_278] : memref<1600x32xf32, #tpu.memory_space<vmem>> -> memref<64x32xf32, #tpu.memory_space<vmem>>
      %dma_wait3A_280 = arith.constant 384 : i32
      %dma_wait3A_281 = tpu.memref_slice %arg7[%dma_wait3A_280] : memref<1600xi32, #tpu.memory_space<vmem>> -> memref<64xi32, #tpu.memory_space<vmem>>
      %dma_wait3A_282 = arith.constant 0 : i32
      %dma_wait3A_283 = arith.constant 0 : i32
      %dma_wait3A_284 = tpu.memref_slice %arg3[%dma_wait3A_282, %dma_wait3A_283] : memref<1000000x32xf32, #tpu.memory_space<hbm>> -> memref<1000000x32xf32, #tpu.memory_space<hbm>>
      tpu.wait_indirect_dma semaphore(%arg11 : memref<!tpu.dma_semaphore, #tpu.memory_space<semaphore_mem>>) src(%dma_wait3A_284 : memref<1000000x32xf32, #tpu.memory_space<hbm>>) dst(%dma_wait3A_279 : memref<64x32xf32, #tpu.memory_space<vmem>>)
      %dma_wait3A_285 = arith.constant 448 : i32
      %dma_wait3A_286 = arith.constant 0 : i32
      %dma_wait3A_287 = tpu.memref_slice %arg9[%dma_wait3A_285, %dma_wait3A_286] : memref<1600x32xf32, #tpu.memory_space<vmem>> -> memref<64x32xf32, #tpu.memory_space<vmem>>
      %dma_wait3A_288 = arith.constant 448 : i32
      %dma_wait3A_289 = tpu.memref_slice %arg7[%dma_wait3A_288] : memref<1600xi32, #tpu.memory_space<vmem>> -> memref<64xi32, #tpu.memory_space<vmem>>
      %dma_wait3A_290 = arith.constant 0 : i32
      %dma_wait3A_291 = arith.constant 0 : i32
      %dma_wait3A_292 = tpu.memref_slice %arg3[%dma_wait3A_290, %dma_wait3A_291] : memref<1000000x32xf32, #tpu.memory_space<hbm>> -> memref<1000000x32xf32, #tpu.memory_space<hbm>>
      tpu.wait_indirect_dma semaphore(%arg11 : memref<!tpu.dma_semaphore, #tpu.memory_space<semaphore_mem>>) src(%dma_wait3A_292 : memref<1000000x32xf32, #tpu.memory_space<hbm>>) dst(%dma_wait3A_287 : memref<64x32xf32, #tpu.memory_space<vmem>>)
      %dma_wait3A_293 = arith.constant 512 : i32
      %dma_wait3A_294 = arith.constant 0 : i32
      %dma_wait3A_295 = tpu.memref_slice %arg9[%dma_wait3A_293, %dma_wait3A_294] : memref<1600x32xf32, #tpu.memory_space<vmem>> -> memref<64x32xf32, #tpu.memory_space<vmem>>
      %dma_wait3A_296 = arith.constant 512 : i32
      %dma_wait3A_297 = tpu.memref_slice %arg7[%dma_wait3A_296] : memref<1600xi32, #tpu.memory_space<vmem>> -> memref<64xi32, #tpu.memory_space<vmem>>
      %dma_wait3A_298 = arith.constant 0 : i32
      %dma_wait3A_299 = arith.constant 0 : i32
      %dma_wait3A_300 = tpu.memref_slice %arg3[%dma_wait3A_298, %dma_wait3A_299] : memref<1000000x32xf32, #tpu.memory_space<hbm>> -> memref<1000000x32xf32, #tpu.memory_space<hbm>>
      tpu.wait_indirect_dma semaphore(%arg11 : memref<!tpu.dma_semaphore, #tpu.memory_space<semaphore_mem>>) src(%dma_wait3A_300 : memref<1000000x32xf32, #tpu.memory_space<hbm>>) dst(%dma_wait3A_295 : memref<64x32xf32, #tpu.memory_space<vmem>>)
      %dma_wait3A_301 = arith.constant 576 : i32
      %dma_wait3A_302 = arith.constant 0 : i32
      %dma_wait3A_303 = tpu.memref_slice %arg9[%dma_wait3A_301, %dma_wait3A_302] : memref<1600x32xf32, #tpu.memory_space<vmem>> -> memref<64x32xf32, #tpu.memory_space<vmem>>
      %dma_wait3A_304 = arith.constant 576 : i32
      %dma_wait3A_305 = tpu.memref_slice %arg7[%dma_wait3A_304] : memref<1600xi32, #tpu.memory_space<vmem>> -> memref<64xi32, #tpu.memory_space<vmem>>
      %dma_wait3A_306 = arith.constant 0 : i32
      %dma_wait3A_307 = arith.constant 0 : i32
      %dma_wait3A_308 = tpu.memref_slice %arg3[%dma_wait3A_306, %dma_wait3A_307] : memref<1000000x32xf32, #tpu.memory_space<hbm>> -> memref<1000000x32xf32, #tpu.memory_space<hbm>>
      tpu.wait_indirect_dma semaphore(%arg11 : memref<!tpu.dma_semaphore, #tpu.memory_space<semaphore_mem>>) src(%dma_wait3A_308 : memref<1000000x32xf32, #tpu.memory_space<hbm>>) dst(%dma_wait3A_303 : memref<64x32xf32, #tpu.memory_space<vmem>>)
      %dma_wait3A_309 = arith.constant 640 : i32
      %dma_wait3A_310 = arith.constant 0 : i32
      %dma_wait3A_311 = tpu.memref_slice %arg9[%dma_wait3A_309, %dma_wait3A_310] : memref<1600x32xf32, #tpu.memory_space<vmem>> -> memref<64x32xf32, #tpu.memory_space<vmem>>
      %dma_wait3A_312 = arith.constant 640 : i32
      %dma_wait3A_313 = tpu.memref_slice %arg7[%dma_wait3A_312] : memref<1600xi32, #tpu.memory_space<vmem>> -> memref<64xi32, #tpu.memory_space<vmem>>
      %dma_wait3A_314 = arith.constant 0 : i32
      %dma_wait3A_315 = arith.constant 0 : i32
      %dma_wait3A_316 = tpu.memref_slice %arg3[%dma_wait3A_314, %dma_wait3A_315] : memref<1000000x32xf32, #tpu.memory_space<hbm>> -> memref<1000000x32xf32, #tpu.memory_space<hbm>>
      tpu.wait_indirect_dma semaphore(%arg11 : memref<!tpu.dma_semaphore, #tpu.memory_space<semaphore_mem>>) src(%dma_wait3A_316 : memref<1000000x32xf32, #tpu.memory_space<hbm>>) dst(%dma_wait3A_311 : memref<64x32xf32, #tpu.memory_space<vmem>>)
      %dma_wait3A_317 = arith.constant 704 : i32
      %dma_wait3A_318 = arith.constant 0 : i32
      %dma_wait3A_319 = tpu.memref_slice %arg9[%dma_wait3A_317, %dma_wait3A_318] : memref<1600x32xf32, #tpu.memory_space<vmem>> -> memref<64x32xf32, #tpu.memory_space<vmem>>
      %dma_wait3A_320 = arith.constant 704 : i32
      %dma_wait3A_321 = tpu.memref_slice %arg7[%dma_wait3A_320] : memref<1600xi32, #tpu.memory_space<vmem>> -> memref<64xi32, #tpu.memory_space<vmem>>
      %dma_wait3A_322 = arith.constant 0 : i32
      %dma_wait3A_323 = arith.constant 0 : i32
      %dma_wait3A_324 = tpu.memref_slice %arg3[%dma_wait3A_322, %dma_wait3A_323] : memref<1000000x32xf32, #tpu.memory_space<hbm>> -> memref<1000000x32xf32, #tpu.memory_space<hbm>>
      tpu.wait_indirect_dma semaphore(%arg11 : memref<!tpu.dma_semaphore, #tpu.memory_space<semaphore_mem>>) src(%dma_wait3A_324 : memref<1000000x32xf32, #tpu.memory_space<hbm>>) dst(%dma_wait3A_319 : memref<64x32xf32, #tpu.memory_space<vmem>>)
      %dma_wait3A_325 = arith.constant 768 : i32
      %dma_wait3A_326 = arith.constant 0 : i32
      %dma_wait3A_327 = tpu.memref_slice %arg9[%dma_wait3A_325, %dma_wait3A_326] : memref<1600x32xf32, #tpu.memory_space<vmem>> -> memref<64x32xf32, #tpu.memory_space<vmem>>
      %dma_wait3A_328 = arith.constant 768 : i32
      %dma_wait3A_329 = tpu.memref_slice %arg7[%dma_wait3A_328] : memref<1600xi32, #tpu.memory_space<vmem>> -> memref<64xi32, #tpu.memory_space<vmem>>
      %dma_wait3A_330 = arith.constant 0 : i32
      %dma_wait3A_331 = arith.constant 0 : i32
      %dma_wait3A_332 = tpu.memref_slice %arg3[%dma_wait3A_330, %dma_wait3A_331] : memref<1000000x32xf32, #tpu.memory_space<hbm>> -> memref<1000000x32xf32, #tpu.memory_space<hbm>>
      tpu.wait_indirect_dma semaphore(%arg11 : memref<!tpu.dma_semaphore, #tpu.memory_space<semaphore_mem>>) src(%dma_wait3A_332 : memref<1000000x32xf32, #tpu.memory_space<hbm>>) dst(%dma_wait3A_327 : memref<64x32xf32, #tpu.memory_space<vmem>>)
      %dma_wait3A_333 = arith.constant 832 : i32
      %dma_wait3A_334 = arith.constant 0 : i32
      %dma_wait3A_335 = tpu.memref_slice %arg9[%dma_wait3A_333, %dma_wait3A_334] : memref<1600x32xf32, #tpu.memory_space<vmem>> -> memref<64x32xf32, #tpu.memory_space<vmem>>
      %dma_wait3A_336 = arith.constant 832 : i32
      %dma_wait3A_337 = tpu.memref_slice %arg7[%dma_wait3A_336] : memref<1600xi32, #tpu.memory_space<vmem>> -> memref<64xi32, #tpu.memory_space<vmem>>
      %dma_wait3A_338 = arith.constant 0 : i32
      %dma_wait3A_339 = arith.constant 0 : i32
      %dma_wait3A_340 = tpu.memref_slice %arg3[%dma_wait3A_338, %dma_wait3A_339] : memref<1000000x32xf32, #tpu.memory_space<hbm>> -> memref<1000000x32xf32, #tpu.memory_space<hbm>>
      tpu.wait_indirect_dma semaphore(%arg11 : memref<!tpu.dma_semaphore, #tpu.memory_space<semaphore_mem>>) src(%dma_wait3A_340 : memref<1000000x32xf32, #tpu.memory_space<hbm>>) dst(%dma_wait3A_335 : memref<64x32xf32, #tpu.memory_space<vmem>>)
      %dma_wait3A_341 = arith.constant 896 : i32
      %dma_wait3A_342 = arith.constant 0 : i32
      %dma_wait3A_343 = tpu.memref_slice %arg9[%dma_wait3A_341, %dma_wait3A_342] : memref<1600x32xf32, #tpu.memory_space<vmem>> -> memref<64x32xf32, #tpu.memory_space<vmem>>
      %dma_wait3A_344 = arith.constant 896 : i32
      %dma_wait3A_345 = tpu.memref_slice %arg7[%dma_wait3A_344] : memref<1600xi32, #tpu.memory_space<vmem>> -> memref<64xi32, #tpu.memory_space<vmem>>
      %dma_wait3A_346 = arith.constant 0 : i32
      %dma_wait3A_347 = arith.constant 0 : i32
      %dma_wait3A_348 = tpu.memref_slice %arg3[%dma_wait3A_346, %dma_wait3A_347] : memref<1000000x32xf32, #tpu.memory_space<hbm>> -> memref<1000000x32xf32, #tpu.memory_space<hbm>>
      tpu.wait_indirect_dma semaphore(%arg11 : memref<!tpu.dma_semaphore, #tpu.memory_space<semaphore_mem>>) src(%dma_wait3A_348 : memref<1000000x32xf32, #tpu.memory_space<hbm>>) dst(%dma_wait3A_343 : memref<64x32xf32, #tpu.memory_space<vmem>>)
      %dma_wait3A_349 = arith.constant 960 : i32
      %dma_wait3A_350 = arith.constant 0 : i32
      %dma_wait3A_351 = tpu.memref_slice %arg9[%dma_wait3A_349, %dma_wait3A_350] : memref<1600x32xf32, #tpu.memory_space<vmem>> -> memref<64x32xf32, #tpu.memory_space<vmem>>
      %dma_wait3A_352 = arith.constant 960 : i32
      %dma_wait3A_353 = tpu.memref_slice %arg7[%dma_wait3A_352] : memref<1600xi32, #tpu.memory_space<vmem>> -> memref<64xi32, #tpu.memory_space<vmem>>
      %dma_wait3A_354 = arith.constant 0 : i32
      %dma_wait3A_355 = arith.constant 0 : i32
      %dma_wait3A_356 = tpu.memref_slice %arg3[%dma_wait3A_354, %dma_wait3A_355] : memref<1000000x32xf32, #tpu.memory_space<hbm>> -> memref<1000000x32xf32, #tpu.memory_space<hbm>>
      tpu.wait_indirect_dma semaphore(%arg11 : memref<!tpu.dma_semaphore, #tpu.memory_space<semaphore_mem>>) src(%dma_wait3A_356 : memref<1000000x32xf32, #tpu.memory_space<hbm>>) dst(%dma_wait3A_351 : memref<64x32xf32, #tpu.memory_space<vmem>>)
      %dma_wait3A_357 = arith.constant 1024 : i32
      %dma_wait3A_358 = arith.constant 0 : i32
      %dma_wait3A_359 = tpu.memref_slice %arg9[%dma_wait3A_357, %dma_wait3A_358] : memref<1600x32xf32, #tpu.memory_space<vmem>> -> memref<64x32xf32, #tpu.memory_space<vmem>>
      %dma_wait3A_360 = arith.constant 1024 : i32
      %dma_wait3A_361 = tpu.memref_slice %arg7[%dma_wait3A_360] : memref<1600xi32, #tpu.memory_space<vmem>> -> memref<64xi32, #tpu.memory_space<vmem>>
      %dma_wait3A_362 = arith.constant 0 : i32
      %dma_wait3A_363 = arith.constant 0 : i32
      %dma_wait3A_364 = tpu.memref_slice %arg3[%dma_wait3A_362, %dma_wait3A_363] : memref<1000000x32xf32, #tpu.memory_space<hbm>> -> memref<1000000x32xf32, #tpu.memory_space<hbm>>
      tpu.wait_indirect_dma semaphore(%arg11 : memref<!tpu.dma_semaphore, #tpu.memory_space<semaphore_mem>>) src(%dma_wait3A_364 : memref<1000000x32xf32, #tpu.memory_space<hbm>>) dst(%dma_wait3A_359 : memref<64x32xf32, #tpu.memory_space<vmem>>)
      %dma_wait3A_365 = arith.constant 1088 : i32
      %dma_wait3A_366 = arith.constant 0 : i32
      %dma_wait3A_367 = tpu.memref_slice %arg9[%dma_wait3A_365, %dma_wait3A_366] : memref<1600x32xf32, #tpu.memory_space<vmem>> -> memref<64x32xf32, #tpu.memory_space<vmem>>
      %dma_wait3A_368 = arith.constant 1088 : i32
      %dma_wait3A_369 = tpu.memref_slice %arg7[%dma_wait3A_368] : memref<1600xi32, #tpu.memory_space<vmem>> -> memref<64xi32, #tpu.memory_space<vmem>>
      %dma_wait3A_370 = arith.constant 0 : i32
      %dma_wait3A_371 = arith.constant 0 : i32
      %dma_wait3A_372 = tpu.memref_slice %arg3[%dma_wait3A_370, %dma_wait3A_371] : memref<1000000x32xf32, #tpu.memory_space<hbm>> -> memref<1000000x32xf32, #tpu.memory_space<hbm>>
      tpu.wait_indirect_dma semaphore(%arg11 : memref<!tpu.dma_semaphore, #tpu.memory_space<semaphore_mem>>) src(%dma_wait3A_372 : memref<1000000x32xf32, #tpu.memory_space<hbm>>) dst(%dma_wait3A_367 : memref<64x32xf32, #tpu.memory_space<vmem>>)
      %dma_wait3A_373 = arith.constant 1152 : i32
      %dma_wait3A_374 = arith.constant 0 : i32
      %dma_wait3A_375 = tpu.memref_slice %arg9[%dma_wait3A_373, %dma_wait3A_374] : memref<1600x32xf32, #tpu.memory_space<vmem>> -> memref<64x32xf32, #tpu.memory_space<vmem>>
      %dma_wait3A_376 = arith.constant 1152 : i32
      %dma_wait3A_377 = tpu.memref_slice %arg7[%dma_wait3A_376] : memref<1600xi32, #tpu.memory_space<vmem>> -> memref<64xi32, #tpu.memory_space<vmem>>
      %dma_wait3A_378 = arith.constant 0 : i32
      %dma_wait3A_379 = arith.constant 0 : i32
      %dma_wait3A_380 = tpu.memref_slice %arg3[%dma_wait3A_378, %dma_wait3A_379] : memref<1000000x32xf32, #tpu.memory_space<hbm>> -> memref<1000000x32xf32, #tpu.memory_space<hbm>>
      tpu.wait_indirect_dma semaphore(%arg11 : memref<!tpu.dma_semaphore, #tpu.memory_space<semaphore_mem>>) src(%dma_wait3A_380 : memref<1000000x32xf32, #tpu.memory_space<hbm>>) dst(%dma_wait3A_375 : memref<64x32xf32, #tpu.memory_space<vmem>>)
      %dma_wait3A_381 = arith.constant 1216 : i32
      %dma_wait3A_382 = arith.constant 0 : i32
      %dma_wait3A_383 = tpu.memref_slice %arg9[%dma_wait3A_381, %dma_wait3A_382] : memref<1600x32xf32, #tpu.memory_space<vmem>> -> memref<64x32xf32, #tpu.memory_space<vmem>>
      %dma_wait3A_384 = arith.constant 1216 : i32
      %dma_wait3A_385 = tpu.memref_slice %arg7[%dma_wait3A_384] : memref<1600xi32, #tpu.memory_space<vmem>> -> memref<64xi32, #tpu.memory_space<vmem>>
      %dma_wait3A_386 = arith.constant 0 : i32
      %dma_wait3A_387 = arith.constant 0 : i32
      %dma_wait3A_388 = tpu.memref_slice %arg3[%dma_wait3A_386, %dma_wait3A_387] : memref<1000000x32xf32, #tpu.memory_space<hbm>> -> memref<1000000x32xf32, #tpu.memory_space<hbm>>
      tpu.wait_indirect_dma semaphore(%arg11 : memref<!tpu.dma_semaphore, #tpu.memory_space<semaphore_mem>>) src(%dma_wait3A_388 : memref<1000000x32xf32, #tpu.memory_space<hbm>>) dst(%dma_wait3A_383 : memref<64x32xf32, #tpu.memory_space<vmem>>)
      %dma_wait3A_389 = arith.constant 1280 : i32
      %dma_wait3A_390 = arith.constant 0 : i32
      %dma_wait3A_391 = tpu.memref_slice %arg9[%dma_wait3A_389, %dma_wait3A_390] : memref<1600x32xf32, #tpu.memory_space<vmem>> -> memref<64x32xf32, #tpu.memory_space<vmem>>
      %dma_wait3A_392 = arith.constant 1280 : i32
      %dma_wait3A_393 = tpu.memref_slice %arg7[%dma_wait3A_392] : memref<1600xi32, #tpu.memory_space<vmem>> -> memref<64xi32, #tpu.memory_space<vmem>>
      %dma_wait3A_394 = arith.constant 0 : i32
      %dma_wait3A_395 = arith.constant 0 : i32
      %dma_wait3A_396 = tpu.memref_slice %arg3[%dma_wait3A_394, %dma_wait3A_395] : memref<1000000x32xf32, #tpu.memory_space<hbm>> -> memref<1000000x32xf32, #tpu.memory_space<hbm>>
      tpu.wait_indirect_dma semaphore(%arg11 : memref<!tpu.dma_semaphore, #tpu.memory_space<semaphore_mem>>) src(%dma_wait3A_396 : memref<1000000x32xf32, #tpu.memory_space<hbm>>) dst(%dma_wait3A_391 : memref<64x32xf32, #tpu.memory_space<vmem>>)
      %dma_wait3A_397 = arith.constant 1344 : i32
      %dma_wait3A_398 = arith.constant 0 : i32
      %dma_wait3A_399 = tpu.memref_slice %arg9[%dma_wait3A_397, %dma_wait3A_398] : memref<1600x32xf32, #tpu.memory_space<vmem>> -> memref<64x32xf32, #tpu.memory_space<vmem>>
      %dma_wait3A_400 = arith.constant 1344 : i32
      %dma_wait3A_401 = tpu.memref_slice %arg7[%dma_wait3A_400] : memref<1600xi32, #tpu.memory_space<vmem>> -> memref<64xi32, #tpu.memory_space<vmem>>
      %dma_wait3A_402 = arith.constant 0 : i32
      %dma_wait3A_403 = arith.constant 0 : i32
      %dma_wait3A_404 = tpu.memref_slice %arg3[%dma_wait3A_402, %dma_wait3A_403] : memref<1000000x32xf32, #tpu.memory_space<hbm>> -> memref<1000000x32xf32, #tpu.memory_space<hbm>>
      tpu.wait_indirect_dma semaphore(%arg11 : memref<!tpu.dma_semaphore, #tpu.memory_space<semaphore_mem>>) src(%dma_wait3A_404 : memref<1000000x32xf32, #tpu.memory_space<hbm>>) dst(%dma_wait3A_399 : memref<64x32xf32, #tpu.memory_space<vmem>>)
      %dma_wait3A_405 = arith.constant 1408 : i32
      %dma_wait3A_406 = arith.constant 0 : i32
      %dma_wait3A_407 = tpu.memref_slice %arg9[%dma_wait3A_405, %dma_wait3A_406] : memref<1600x32xf32, #tpu.memory_space<vmem>> -> memref<64x32xf32, #tpu.memory_space<vmem>>
      %dma_wait3A_408 = arith.constant 1408 : i32
      %dma_wait3A_409 = tpu.memref_slice %arg7[%dma_wait3A_408] : memref<1600xi32, #tpu.memory_space<vmem>> -> memref<64xi32, #tpu.memory_space<vmem>>
      %dma_wait3A_410 = arith.constant 0 : i32
      %dma_wait3A_411 = arith.constant 0 : i32
      %dma_wait3A_412 = tpu.memref_slice %arg3[%dma_wait3A_410, %dma_wait3A_411] : memref<1000000x32xf32, #tpu.memory_space<hbm>> -> memref<1000000x32xf32, #tpu.memory_space<hbm>>
      tpu.wait_indirect_dma semaphore(%arg11 : memref<!tpu.dma_semaphore, #tpu.memory_space<semaphore_mem>>) src(%dma_wait3A_412 : memref<1000000x32xf32, #tpu.memory_space<hbm>>) dst(%dma_wait3A_407 : memref<64x32xf32, #tpu.memory_space<vmem>>)
      %dma_wait3A_413 = arith.constant 1472 : i32
      %dma_wait3A_414 = arith.constant 0 : i32
      %dma_wait3A_415 = tpu.memref_slice %arg9[%dma_wait3A_413, %dma_wait3A_414] : memref<1600x32xf32, #tpu.memory_space<vmem>> -> memref<64x32xf32, #tpu.memory_space<vmem>>
      %dma_wait3A_416 = arith.constant 1472 : i32
      %dma_wait3A_417 = tpu.memref_slice %arg7[%dma_wait3A_416] : memref<1600xi32, #tpu.memory_space<vmem>> -> memref<64xi32, #tpu.memory_space<vmem>>
      %dma_wait3A_418 = arith.constant 0 : i32
      %dma_wait3A_419 = arith.constant 0 : i32
      %dma_wait3A_420 = tpu.memref_slice %arg3[%dma_wait3A_418, %dma_wait3A_419] : memref<1000000x32xf32, #tpu.memory_space<hbm>> -> memref<1000000x32xf32, #tpu.memory_space<hbm>>
      tpu.wait_indirect_dma semaphore(%arg11 : memref<!tpu.dma_semaphore, #tpu.memory_space<semaphore_mem>>) src(%dma_wait3A_420 : memref<1000000x32xf32, #tpu.memory_space<hbm>>) dst(%dma_wait3A_415 : memref<64x32xf32, #tpu.memory_space<vmem>>)
      %dma_wait3A_421 = arith.constant 1536 : i32
      %dma_wait3A_422 = arith.constant 0 : i32
      %dma_wait3A_423 = tpu.memref_slice %arg9[%dma_wait3A_421, %dma_wait3A_422] : memref<1600x32xf32, #tpu.memory_space<vmem>> -> memref<64x32xf32, #tpu.memory_space<vmem>>
      %dma_wait3A_424 = arith.constant 1536 : i32
      %dma_wait3A_425 = tpu.memref_slice %arg7[%dma_wait3A_424] : memref<1600xi32, #tpu.memory_space<vmem>> -> memref<64xi32, #tpu.memory_space<vmem>>
      %dma_wait3A_426 = arith.constant 0 : i32
      %dma_wait3A_427 = arith.constant 0 : i32
      %dma_wait3A_428 = tpu.memref_slice %arg3[%dma_wait3A_426, %dma_wait3A_427] : memref<1000000x32xf32, #tpu.memory_space<hbm>> -> memref<1000000x32xf32, #tpu.memory_space<hbm>>
      tpu.wait_indirect_dma semaphore(%arg11 : memref<!tpu.dma_semaphore, #tpu.memory_space<semaphore_mem>>) src(%dma_wait3A_428 : memref<1000000x32xf32, #tpu.memory_space<hbm>>) dst(%dma_wait3A_423 : memref<64x32xf32, #tpu.memory_space<vmem>>)
      %scan3A_429 = arith.constant 0 : i32
      %scan3A_430 = arith.constant 0 : i32
      %scan3A_431 = arith.constant 8 : i32
      %scan3A_432 = arith.addi %scan3A_430, %scan3A_431 : i32
      %scan3A_433 = arith.constant 1 : i32
      scf.for %scan3A_666 = %scan3A_430 to %scan3A_432 step %scan3A_433  : i32 {
        %parallel_loop3A = arith.constant 0 : i32
        %parallel_loop3A_667 = arith.constant 200 : i32
        %parallel_loop3A_668 = arith.constant 1 : i32
        scf.for %parallel_loop3A_669 = %parallel_loop3A to %parallel_loop3A_667 step %parallel_loop3A_668  : i32 {
          %parallel_loop3A_670 = arith.constant 200 : i32
          %parallel_loop3A_671 = arith.muli %scan3A_666, %parallel_loop3A_670 : i32
          %parallel_loop3A_672 = arith.addi %parallel_loop3A_671, %parallel_loop3A_669 : i32
          %parallel_loop3A_673 = arith.index_cast %parallel_loop3A_669 : i32 to index
          %parallel_loop3A_674 = arith.constant 0 : index
          %parallel_loop3A_675 = tpu.vector_load %arg6[%parallel_loop3A_673, %parallel_loop3A_674] {strides = array<i32>} : memref<200x32xf32, #tpu.memory_space<vmem>>, vector<1x16xf32>,
          %parallel_loop3A_676 = vector.shape_cast %parallel_loop3A_675 : vector<1x16xf32> to vector<16xf32>
          %parallel_loop3A_677 = arith.index_cast %parallel_loop3A_672 : i32 to index
          %parallel_loop3A_678 = arith.constant 0 : index
          %parallel_loop3A_679 = tpu.vector_load %arg9[%parallel_loop3A_677, %parallel_loop3A_678] {strides = array<i32>} : memref<1600x32xf32, #tpu.memory_space<vmem>>, vector<1x16xf32>,
          %parallel_loop3A_680 = vector.shape_cast %parallel_loop3A_679 : vector<1x16xf32> to vector<16xf32>
          %parallel_loop3A_681 = vector.shape_cast %parallel_loop3A_676 : vector<16xf32> to vector<1x16xf32>
          tpu.vector_store %arg9[%parallel_loop3A_677, %parallel_loop3A_678], %parallel_loop3A_681 {add = true, strides = array<i32>} : memref<1600x32xf32, #tpu.memory_space<vmem>>, vector<1x16xf32>,
          %parallel_loop3A_682 = arith.index_cast %parallel_loop3A_669 : i32 to index
          %parallel_loop3A_683 = arith.constant 16 : index
          %parallel_loop3A_684 = tpu.vector_load %arg6[%parallel_loop3A_682, %parallel_loop3A_683] {strides = array<i32>} : memref<200x32xf32, #tpu.memory_space<vmem>>, vector<1x16xf32>,
          %parallel_loop3A_685 = vector.shape_cast %parallel_loop3A_684 : vector<1x16xf32> to vector<16xf32>
          %parallel_loop3A_686 = arith.index_cast %parallel_loop3A_672 : i32 to index
          %parallel_loop3A_687 = arith.constant 16 : index
          %parallel_loop3A_688 = tpu.vector_load %arg9[%parallel_loop3A_686, %parallel_loop3A_687] {strides = array<i32>} : memref<1600x32xf32, #tpu.memory_space<vmem>>, vector<1x16xf32>,
          %parallel_loop3A_689 = vector.shape_cast %parallel_loop3A_688 : vector<1x16xf32> to vector<16xf32>
          %parallel_loop3A_690 = vector.shape_cast %parallel_loop3A_685 : vector<16xf32> to vector<1x16xf32>
          tpu.vector_store %arg9[%parallel_loop3A_686, %parallel_loop3A_687], %parallel_loop3A_690 {add = true, strides = array<i32>} : memref<1600x32xf32, #tpu.memory_space<vmem>>, vector<1x16xf32>,
        } {sc.loop_unroll_factor = 8 : i64, sc.parallel_access}
      }
      %scan3A_434 = arith.constant 8 : i32
      %mul3A_435 = arith.constant 1600 : i32
      %mul3A_436 = arith.muli %add3A_224, %mul3A_435 : i32
      %add3A_437 = arith.addi %mul3A_2, %mul3A_436 : i32
      %dma_start3A_438 = arith.constant 0 : i32
      %dma_start3A_439 = tpu.memref_slice %arg5[%add3A_437, %dma_start3A_438] : memref<819200x32xf32, #tpu.memory_space<hbm>> -> memref<1600x32xf32, #tpu.memory_space<hbm>>
      %dma_start3A_440 = arith.constant 0 : i32
      %dma_start3A_441 = tpu.memref_slice %arg5[%add3A_437, %dma_start3A_440] : memref<819200x32xf32, #tpu.memory_space<hbm>> -> memref<1600x32xf32, #tpu.memory_space<hbm>>
      tpu.enqueue_dma source(%arg9 : memref<1600x32xf32, #tpu.memory_space<vmem>>) target(%dma_start3A_441 : memref<1600x32xf32, #tpu.memory_space<hbm>>) target_semaphore(%arg13 : memref<!tpu.dma_semaphore, #tpu.memory_space<semaphore_mem>>)
      %mul3A_442 = arith.constant 2 : i32
      %mul3A_443 = arith.muli %mul3A_442, %scan3A_220 : i32
      %add3A_444 = arith.constant 1 : i32
      %add3A_445 = arith.addi %mul3A_443, %add3A_444 : i32
      %add3A_446 = arith.constant 1 : i32
      %add3A_447 = arith.addi %add3A_445, %add3A_446 : i32
      %lt3A_448 = arith.constant 16 : i32
      %lt3A_449 = arith.cmpi slt, %add3A_447, %lt3A_448 : i32
      %convert_element_type3A_450 = arith.extui %lt3A_449 : i1 to i32
      %cond3A_451 = arith.constant 0 : i32
      %cond3A_452 = arith.cmpi ne, %convert_element_type3A_450, %cond3A_451 : i32
      scf.if %cond3A_452 {
        %ge3A = arith.constant 1 : i32
        %ge3A_666 = arith.cmpi sge, %add3A_445, %ge3A : i32
        %convert_element_type3A_667 = arith.extui %ge3A_666 : i1 to i32
        %cond3A_668 = arith.constant 0 : i32
        %cond3A_669 = arith.cmpi ne, %convert_element_type3A_667, %cond3A_668 : i32
        scf.if %cond3A_669 {
          %sub3A = arith.constant 1 : i32
          %sub3A_875 = arith.subi %add3A_445, %sub3A : i32
          %mul3A_876 = arith.constant 1600 : i32
          %mul3A_877 = arith.muli %sub3A_875, %mul3A_876 : i32
          %add3A_878 = arith.addi %mul3A_2, %mul3A_877 : i32
          %dma_wait3A_879 = arith.constant 0 : i32
          %dma_wait3A_880 = tpu.memref_slice %arg5[%add3A_878, %dma_wait3A_879] : memref<819200x32xf32, #tpu.memory_space<hbm>> -> memref<1600x32xf32, #tpu.memory_space<hbm>>
          %dma_wait3A_881 = arith.constant 0 : i32
          %dma_wait3A_882 = tpu.memref_slice %arg5[%add3A_878, %dma_wait3A_881] : memref<819200x32xf32, #tpu.memory_space<hbm>> -> memref<1600x32xf32, #tpu.memory_space<hbm>>
          tpu.wait_dma2 semaphore(%arg13 : memref<!tpu.dma_semaphore, #tpu.memory_space<semaphore_mem>>) src(%arg9 : memref<1600x32xf32, #tpu.memory_space<vmem>>) dst(%dma_wait3A_882 : memref<1600x32xf32, #tpu.memory_space<hbm>>)
        } else {
        }
        %add3A_670 = arith.constant 1 : i32
        %add3A_671 = arith.addi %add3A_445, %add3A_670 : i32
        %mul3A_672 = arith.constant 1600 : i32
        %mul3A_673 = arith.muli %add3A_671, %mul3A_672 : i32
        %add3A_674 = arith.addi %mul3A_2, %mul3A_673 : i32
        "tpu.region"() ({
          %run_scoped3A = tpu.sem_alloc : memref<!tpu.dma_semaphore, #tpu.memory_space<semaphore_mem>>
          %dma_start3A_875 = tpu.memref_slice %arg2[%add3A_674] : memref<819200xi32, #tpu.memory_space<hbm>> -> memref<1600xi32, #tpu.memory_space<hbm>>
          %dma_start3A_876 = tpu.memref_slice %arg2[%add3A_674] : memref<819200xi32, #tpu.memory_space<hbm>> -> memref<1600xi32, #tpu.memory_space<hbm>>
          tpu.enqueue_dma source(%dma_start3A_876 : memref<1600xi32, #tpu.memory_space<hbm>>) target(%arg7 : memref<1600xi32, #tpu.memory_space<vmem>>) target_semaphore(%run_scoped3A : memref<!tpu.dma_semaphore, #tpu.memory_space<semaphore_mem>>)
          %dma_wait3A_877 = tpu.memref_slice %arg2[%add3A_674] : memref<819200xi32, #tpu.memory_space<hbm>> -> memref<1600xi32, #tpu.memory_space<hbm>>
          %dma_wait3A_878 = tpu.memref_slice %arg2[%add3A_674] : memref<819200xi32, #tpu.memory_space<hbm>> -> memref<1600xi32, #tpu.memory_space<hbm>>
          tpu.wait_dma2 semaphore(%run_scoped3A : memref<!tpu.dma_semaphore, #tpu.memory_space<semaphore_mem>>) src(%dma_wait3A_878 : memref<1600xi32, #tpu.memory_space<hbm>>) dst(%arg7 : memref<1600xi32, #tpu.memory_space<vmem>>)
          tpu.yield
        }) : () -> ()
        %dma_start3A_675 = arith.constant 0 : i32
        %dma_start3A_676 = arith.constant 0 : i32
        %dma_start3A_677 = tpu.memref_slice %arg9[%dma_start3A_675, %dma_start3A_676] : memref<1600x32xf32, #tpu.memory_space<vmem>> -> memref<64x32xf32, #tpu.memory_space<vmem>>
        %dma_start3A_678 = arith.constant 0 : i32
        %dma_start3A_679 = tpu.memref_slice %arg7[%dma_start3A_678] : memref<1600xi32, #tpu.memory_space<vmem>> -> memref<64xi32, #tpu.memory_space<vmem>>
        %dma_start3A_680 = arith.constant 0 : i32
        %dma_start3A_681 = arith.constant 0 : i32
        %dma_start3A_682 = tpu.memref_slice %arg3[%dma_start3A_680, %dma_start3A_681] : memref<1000000x32xf32, #tpu.memory_space<hbm>> -> memref<1000000x32xf32, #tpu.memory_space<hbm>>
        tpu.enqueue_indirect_dma source(%dma_start3A_682 : memref<1000000x32xf32, #tpu.memory_space<hbm>>) target(%dma_start3A_677 : memref<64x32xf32, #tpu.memory_space<vmem>>) offsets(%dma_start3A_679 : memref<64xi32, #tpu.memory_space<vmem>>) semaphore(%arg11 : memref<!tpu.dma_semaphore, #tpu.memory_space<semaphore_mem>>)
        %dma_start3A_683 = arith.constant 64 : i32
        %dma_start3A_684 = arith.constant 0 : i32
        %dma_start3A_685 = tpu.memref_slice %arg9[%dma_start3A_683, %dma_start3A_684] : memref<1600x32xf32, #tpu.memory_space<vmem>> -> memref<64x32xf32, #tpu.memory_space<vmem>>
        %dma_start3A_686 = arith.constant 64 : i32
        %dma_start3A_687 = tpu.memref_slice %arg7[%dma_start3A_686] : memref<1600xi32, #tpu.memory_space<vmem>> -> memref<64xi32, #tpu.memory_space<vmem>>
        %dma_start3A_688 = arith.constant 0 : i32
        %dma_start3A_689 = arith.constant 0 : i32
        %dma_start3A_690 = tpu.memref_slice %arg3[%dma_start3A_688, %dma_start3A_689] : memref<1000000x32xf32, #tpu.memory_space<hbm>> -> memref<1000000x32xf32, #tpu.memory_space<hbm>>
        tpu.enqueue_indirect_dma source(%dma_start3A_690 : memref<1000000x32xf32, #tpu.memory_space<hbm>>) target(%dma_start3A_685 : memref<64x32xf32, #tpu.memory_space<vmem>>) offsets(%dma_start3A_687 : memref<64xi32, #tpu.memory_space<vmem>>) semaphore(%arg11 : memref<!tpu.dma_semaphore, #tpu.memory_space<semaphore_mem>>)
        %dma_start3A_691 = arith.constant 128 : i32
        %dma_start3A_692 = arith.constant 0 : i32
        %dma_start3A_693 = tpu.memref_slice %arg9[%dma_start3A_691, %dma_start3A_692] : memref<1600x32xf32, #tpu.memory_space<vmem>> -> memref<64x32xf32, #tpu.memory_space<vmem>>
        %dma_start3A_694 = arith.constant 128 : i32
        %dma_start3A_695 = tpu.memref_slice %arg7[%dma_start3A_694] : memref<1600xi32, #tpu.memory_space<vmem>> -> memref<64xi32, #tpu.memory_space<vmem>>
        %dma_start3A_696 = arith.constant 0 : i32
        %dma_start3A_697 = arith.constant 0 : i32
        %dma_start3A_698 = tpu.memref_slice %arg3[%dma_start3A_696, %dma_start3A_697] : memref<1000000x32xf32, #tpu.memory_space<hbm>> -> memref<1000000x32xf32, #tpu.memory_space<hbm>>
        tpu.enqueue_indirect_dma source(%dma_start3A_698 : memref<1000000x32xf32, #tpu.memory_space<hbm>>) target(%dma_start3A_693 : memref<64x32xf32, #tpu.memory_space<vmem>>) offsets(%dma_start3A_695 : memref<64xi32, #tpu.memory_space<vmem>>) semaphore(%arg11 : memref<!tpu.dma_semaphore, #tpu.memory_space<semaphore_mem>>)
        %dma_start3A_699 = arith.constant 192 : i32
        %dma_start3A_700 = arith.constant 0 : i32
        %dma_start3A_701 = tpu.memref_slice %arg9[%dma_start3A_699, %dma_start3A_700] : memref<1600x32xf32, #tpu.memory_space<vmem>> -> memref<64x32xf32, #tpu.memory_space<vmem>>
        %dma_start3A_702 = arith.constant 192 : i32
        %dma_start3A_703 = tpu.memref_slice %arg7[%dma_start3A_702] : memref<1600xi32, #tpu.memory_space<vmem>> -> memref<64xi32, #tpu.memory_space<vmem>>
        %dma_start3A_704 = arith.constant 0 : i32
        %dma_start3A_705 = arith.constant 0 : i32
        %dma_start3A_706 = tpu.memref_slice %arg3[%dma_start3A_704, %dma_start3A_705] : memref<1000000x32xf32, #tpu.memory_space<hbm>> -> memref<1000000x32xf32, #tpu.memory_space<hbm>>
        tpu.enqueue_indirect_dma source(%dma_start3A_706 : memref<1000000x32xf32, #tpu.memory_space<hbm>>) target(%dma_start3A_701 : memref<64x32xf32, #tpu.memory_space<vmem>>) offsets(%dma_start3A_703 : memref<64xi32, #tpu.memory_space<vmem>>) semaphore(%arg11 : memref<!tpu.dma_semaphore, #tpu.memory_space<semaphore_mem>>)
        %dma_start3A_707 = arith.constant 256 : i32
        %dma_start3A_708 = arith.constant 0 : i32
        %dma_start3A_709 = tpu.memref_slice %arg9[%dma_start3A_707, %dma_start3A_708] : memref<1600x32xf32, #tpu.memory_space<vmem>> -> memref<64x32xf32, #tpu.memory_space<vmem>>
        %dma_start3A_710 = arith.constant 256 : i32
        %dma_start3A_711 = tpu.memref_slice %arg7[%dma_start3A_710] : memref<1600xi32, #tpu.memory_space<vmem>> -> memref<64xi32, #tpu.memory_space<vmem>>
        %dma_start3A_712 = arith.constant 0 : i32
        %dma_start3A_713 = arith.constant 0 : i32
        %dma_start3A_714 = tpu.memref_slice %arg3[%dma_start3A_712, %dma_start3A_713] : memref<1000000x32xf32, #tpu.memory_space<hbm>> -> memref<1000000x32xf32, #tpu.memory_space<hbm>>
        tpu.enqueue_indirect_dma source(%dma_start3A_714 : memref<1000000x32xf32, #tpu.memory_space<hbm>>) target(%dma_start3A_709 : memref<64x32xf32, #tpu.memory_space<vmem>>) offsets(%dma_start3A_711 : memref<64xi32, #tpu.memory_space<vmem>>) semaphore(%arg11 : memref<!tpu.dma_semaphore, #tpu.memory_space<semaphore_mem>>)
        %dma_start3A_715 = arith.constant 320 : i32
        %dma_start3A_716 = arith.constant 0 : i32
        %dma_start3A_717 = tpu.memref_slice %arg9[%dma_start3A_715, %dma_start3A_716] : memref<1600x32xf32, #tpu.memory_space<vmem>> -> memref<64x32xf32, #tpu.memory_space<vmem>>
        %dma_start3A_718 = arith.constant 320 : i32
        %dma_start3A_719 = tpu.memref_slice %arg7[%dma_start3A_718] : memref<1600xi32, #tpu.memory_space<vmem>> -> memref<64xi32, #tpu.memory_space<vmem>>
        %dma_start3A_720 = arith.constant 0 : i32
        %dma_start3A_721 = arith.constant 0 : i32
        %dma_start3A_722 = tpu.memref_slice %arg3[%dma_start3A_720, %dma_start3A_721] : memref<1000000x32xf32, #tpu.memory_space<hbm>> -> memref<1000000x32xf32, #tpu.memory_space<hbm>>
        tpu.enqueue_indirect_dma source(%dma_start3A_722 : memref<1000000x32xf32, #tpu.memory_space<hbm>>) target(%dma_start3A_717 : memref<64x32xf32, #tpu.memory_space<vmem>>) offsets(%dma_start3A_719 : memref<64xi32, #tpu.memory_space<vmem>>) semaphore(%arg11 : memref<!tpu.dma_semaphore, #tpu.memory_space<semaphore_mem>>)
        %dma_start3A_723 = arith.constant 384 : i32
        %dma_start3A_724 = arith.constant 0 : i32
        %dma_start3A_725 = tpu.memref_slice %arg9[%dma_start3A_723, %dma_start3A_724] : memref<1600x32xf32, #tpu.memory_space<vmem>> -> memref<64x32xf32, #tpu.memory_space<vmem>>
        %dma_start3A_726 = arith.constant 384 : i32
        %dma_start3A_727 = tpu.memref_slice %arg7[%dma_start3A_726] : memref<1600xi32, #tpu.memory_space<vmem>> -> memref<64xi32, #tpu.memory_space<vmem>>
        %dma_start3A_728 = arith.constant 0 : i32
        %dma_start3A_729 = arith.constant 0 : i32
        %dma_start3A_730 = tpu.memref_slice %arg3[%dma_start3A_728, %dma_start3A_729] : memref<1000000x32xf32, #tpu.memory_space<hbm>> -> memref<1000000x32xf32, #tpu.memory_space<hbm>>
        tpu.enqueue_indirect_dma source(%dma_start3A_730 : memref<1000000x32xf32, #tpu.memory_space<hbm>>) target(%dma_start3A_725 : memref<64x32xf32, #tpu.memory_space<vmem>>) offsets(%dma_start3A_727 : memref<64xi32, #tpu.memory_space<vmem>>) semaphore(%arg11 : memref<!tpu.dma_semaphore, #tpu.memory_space<semaphore_mem>>)
        %dma_start3A_731 = arith.constant 448 : i32
        %dma_start3A_732 = arith.constant 0 : i32
        %dma_start3A_733 = tpu.memref_slice %arg9[%dma_start3A_731, %dma_start3A_732] : memref<1600x32xf32, #tpu.memory_space<vmem>> -> memref<64x32xf32, #tpu.memory_space<vmem>>
        %dma_start3A_734 = arith.constant 448 : i32
        %dma_start3A_735 = tpu.memref_slice %arg7[%dma_start3A_734] : memref<1600xi32, #tpu.memory_space<vmem>> -> memref<64xi32, #tpu.memory_space<vmem>>
        %dma_start3A_736 = arith.constant 0 : i32
        %dma_start3A_737 = arith.constant 0 : i32
        %dma_start3A_738 = tpu.memref_slice %arg3[%dma_start3A_736, %dma_start3A_737] : memref<1000000x32xf32, #tpu.memory_space<hbm>> -> memref<1000000x32xf32, #tpu.memory_space<hbm>>
        tpu.enqueue_indirect_dma source(%dma_start3A_738 : memref<1000000x32xf32, #tpu.memory_space<hbm>>) target(%dma_start3A_733 : memref<64x32xf32, #tpu.memory_space<vmem>>) offsets(%dma_start3A_735 : memref<64xi32, #tpu.memory_space<vmem>>) semaphore(%arg11 : memref<!tpu.dma_semaphore, #tpu.memory_space<semaphore_mem>>)
        %dma_start3A_739 = arith.constant 512 : i32
        %dma_start3A_740 = arith.constant 0 : i32
        %dma_start3A_741 = tpu.memref_slice %arg9[%dma_start3A_739, %dma_start3A_740] : memref<1600x32xf32, #tpu.memory_space<vmem>> -> memref<64x32xf32, #tpu.memory_space<vmem>>
        %dma_start3A_742 = arith.constant 512 : i32
        %dma_start3A_743 = tpu.memref_slice %arg7[%dma_start3A_742] : memref<1600xi32, #tpu.memory_space<vmem>> -> memref<64xi32, #tpu.memory_space<vmem>>
        %dma_start3A_744 = arith.constant 0 : i32
        %dma_start3A_745 = arith.constant 0 : i32
        %dma_start3A_746 = tpu.memref_slice %arg3[%dma_start3A_744, %dma_start3A_745] : memref<1000000x32xf32, #tpu.memory_space<hbm>> -> memref<1000000x32xf32, #tpu.memory_space<hbm>>
        tpu.enqueue_indirect_dma source(%dma_start3A_746 : memref<1000000x32xf32, #tpu.memory_space<hbm>>) target(%dma_start3A_741 : memref<64x32xf32, #tpu.memory_space<vmem>>) offsets(%dma_start3A_743 : memref<64xi32, #tpu.memory_space<vmem>>) semaphore(%arg11 : memref<!tpu.dma_semaphore, #tpu.memory_space<semaphore_mem>>)
        %dma_start3A_747 = arith.constant 576 : i32
        %dma_start3A_748 = arith.constant 0 : i32
        %dma_start3A_749 = tpu.memref_slice %arg9[%dma_start3A_747, %dma_start3A_748] : memref<1600x32xf32, #tpu.memory_space<vmem>> -> memref<64x32xf32, #tpu.memory_space<vmem>>
        %dma_start3A_750 = arith.constant 576 : i32
        %dma_start3A_751 = tpu.memref_slice %arg7[%dma_start3A_750] : memref<1600xi32, #tpu.memory_space<vmem>> -> memref<64xi32, #tpu.memory_space<vmem>>
        %dma_start3A_752 = arith.constant 0 : i32
        %dma_start3A_753 = arith.constant 0 : i32
        %dma_start3A_754 = tpu.memref_slice %arg3[%dma_start3A_752, %dma_start3A_753] : memref<1000000x32xf32, #tpu.memory_space<hbm>> -> memref<1000000x32xf32, #tpu.memory_space<hbm>>
        tpu.enqueue_indirect_dma source(%dma_start3A_754 : memref<1000000x32xf32, #tpu.memory_space<hbm>>) target(%dma_start3A_749 : memref<64x32xf32, #tpu.memory_space<vmem>>) offsets(%dma_start3A_751 : memref<64xi32, #tpu.memory_space<vmem>>) semaphore(%arg11 : memref<!tpu.dma_semaphore, #tpu.memory_space<semaphore_mem>>)
        %dma_start3A_755 = arith.constant 640 : i32
        %dma_start3A_756 = arith.constant 0 : i32
        %dma_start3A_757 = tpu.memref_slice %arg9[%dma_start3A_755, %dma_start3A_756] : memref<1600x32xf32, #tpu.memory_space<vmem>> -> memref<64x32xf32, #tpu.memory_space<vmem>>
        %dma_start3A_758 = arith.constant 640 : i32
        %dma_start3A_759 = tpu.memref_slice %arg7[%dma_start3A_758] : memref<1600xi32, #tpu.memory_space<vmem>> -> memref<64xi32, #tpu.memory_space<vmem>>
        %dma_start3A_760 = arith.constant 0 : i32
        %dma_start3A_761 = arith.constant 0 : i32
        %dma_start3A_762 = tpu.memref_slice %arg3[%dma_start3A_760, %dma_start3A_761] : memref<1000000x32xf32, #tpu.memory_space<hbm>> -> memref<1000000x32xf32, #tpu.memory_space<hbm>>
        tpu.enqueue_indirect_dma source(%dma_start3A_762 : memref<1000000x32xf32, #tpu.memory_space<hbm>>) target(%dma_start3A_757 : memref<64x32xf32, #tpu.memory_space<vmem>>) offsets(%dma_start3A_759 : memref<64xi32, #tpu.memory_space<vmem>>) semaphore(%arg11 : memref<!tpu.dma_semaphore, #tpu.memory_space<semaphore_mem>>)
        %dma_start3A_763 = arith.constant 704 : i32
        %dma_start3A_764 = arith.constant 0 : i32
        %dma_start3A_765 = tpu.memref_slice %arg9[%dma_start3A_763, %dma_start3A_764] : memref<1600x32xf32, #tpu.memory_space<vmem>> -> memref<64x32xf32, #tpu.memory_space<vmem>>
        %dma_start3A_766 = arith.constant 704 : i32
        %dma_start3A_767 = tpu.memref_slice %arg7[%dma_start3A_766] : memref<1600xi32, #tpu.memory_space<vmem>> -> memref<64xi32, #tpu.memory_space<vmem>>
        %dma_start3A_768 = arith.constant 0 : i32
        %dma_start3A_769 = arith.constant 0 : i32
        %dma_start3A_770 = tpu.memref_slice %arg3[%dma_start3A_768, %dma_start3A_769] : memref<1000000x32xf32, #tpu.memory_space<hbm>> -> memref<1000000x32xf32, #tpu.memory_space<hbm>>
        tpu.enqueue_indirect_dma source(%dma_start3A_770 : memref<1000000x32xf32, #tpu.memory_space<hbm>>) target(%dma_start3A_765 : memref<64x32xf32, #tpu.memory_space<vmem>>) offsets(%dma_start3A_767 : memref<64xi32, #tpu.memory_space<vmem>>) semaphore(%arg11 : memref<!tpu.dma_semaphore, #tpu.memory_space<semaphore_mem>>)
        %dma_start3A_771 = arith.constant 768 : i32
        %dma_start3A_772 = arith.constant 0 : i32
        %dma_start3A_773 = tpu.memref_slice %arg9[%dma_start3A_771, %dma_start3A_772] : memref<1600x32xf32, #tpu.memory_space<vmem>> -> memref<64x32xf32, #tpu.memory_space<vmem>>
        %dma_start3A_774 = arith.constant 768 : i32
        %dma_start3A_775 = tpu.memref_slice %arg7[%dma_start3A_774] : memref<1600xi32, #tpu.memory_space<vmem>> -> memref<64xi32, #tpu.memory_space<vmem>>
        %dma_start3A_776 = arith.constant 0 : i32
        %dma_start3A_777 = arith.constant 0 : i32
        %dma_start3A_778 = tpu.memref_slice %arg3[%dma_start3A_776, %dma_start3A_777] : memref<1000000x32xf32, #tpu.memory_space<hbm>> -> memref<1000000x32xf32, #tpu.memory_space<hbm>>
        tpu.enqueue_indirect_dma source(%dma_start3A_778 : memref<1000000x32xf32, #tpu.memory_space<hbm>>) target(%dma_start3A_773 : memref<64x32xf32, #tpu.memory_space<vmem>>) offsets(%dma_start3A_775 : memref<64xi32, #tpu.memory_space<vmem>>) semaphore(%arg11 : memref<!tpu.dma_semaphore, #tpu.memory_space<semaphore_mem>>)
        %dma_start3A_779 = arith.constant 832 : i32
        %dma_start3A_780 = arith.constant 0 : i32
        %dma_start3A_781 = tpu.memref_slice %arg9[%dma_start3A_779, %dma_start3A_780] : memref<1600x32xf32, #tpu.memory_space<vmem>> -> memref<64x32xf32, #tpu.memory_space<vmem>>
        %dma_start3A_782 = arith.constant 832 : i32
        %dma_start3A_783 = tpu.memref_slice %arg7[%dma_start3A_782] : memref<1600xi32, #tpu.memory_space<vmem>> -> memref<64xi32, #tpu.memory_space<vmem>>
        %dma_start3A_784 = arith.constant 0 : i32
        %dma_start3A_785 = arith.constant 0 : i32
        %dma_start3A_786 = tpu.memref_slice %arg3[%dma_start3A_784, %dma_start3A_785] : memref<1000000x32xf32, #tpu.memory_space<hbm>> -> memref<1000000x32xf32, #tpu.memory_space<hbm>>
        tpu.enqueue_indirect_dma source(%dma_start3A_786 : memref<1000000x32xf32, #tpu.memory_space<hbm>>) target(%dma_start3A_781 : memref<64x32xf32, #tpu.memory_space<vmem>>) offsets(%dma_start3A_783 : memref<64xi32, #tpu.memory_space<vmem>>) semaphore(%arg11 : memref<!tpu.dma_semaphore, #tpu.memory_space<semaphore_mem>>)
        %dma_start3A_787 = arith.constant 896 : i32
        %dma_start3A_788 = arith.constant 0 : i32
        %dma_start3A_789 = tpu.memref_slice %arg9[%dma_start3A_787, %dma_start3A_788] : memref<1600x32xf32, #tpu.memory_space<vmem>> -> memref<64x32xf32, #tpu.memory_space<vmem>>
        %dma_start3A_790 = arith.constant 896 : i32
        %dma_start3A_791 = tpu.memref_slice %arg7[%dma_start3A_790] : memref<1600xi32, #tpu.memory_space<vmem>> -> memref<64xi32, #tpu.memory_space<vmem>>
        %dma_start3A_792 = arith.constant 0 : i32
        %dma_start3A_793 = arith.constant 0 : i32
        %dma_start3A_794 = tpu.memref_slice %arg3[%dma_start3A_792, %dma_start3A_793] : memref<1000000x32xf32, #tpu.memory_space<hbm>> -> memref<1000000x32xf32, #tpu.memory_space<hbm>>
        tpu.enqueue_indirect_dma source(%dma_start3A_794 : memref<1000000x32xf32, #tpu.memory_space<hbm>>) target(%dma_start3A_789 : memref<64x32xf32, #tpu.memory_space<vmem>>) offsets(%dma_start3A_791 : memref<64xi32, #tpu.memory_space<vmem>>) semaphore(%arg11 : memref<!tpu.dma_semaphore, #tpu.memory_space<semaphore_mem>>)
        %dma_start3A_795 = arith.constant 960 : i32
        %dma_start3A_796 = arith.constant 0 : i32
        %dma_start3A_797 = tpu.memref_slice %arg9[%dma_start3A_795, %dma_start3A_796] : memref<1600x32xf32, #tpu.memory_space<vmem>> -> memref<64x32xf32, #tpu.memory_space<vmem>>
        %dma_start3A_798 = arith.constant 960 : i32
        %dma_start3A_799 = tpu.memref_slice %arg7[%dma_start3A_798] : memref<1600xi32, #tpu.memory_space<vmem>> -> memref<64xi32, #tpu.memory_space<vmem>>
        %dma_start3A_800 = arith.constant 0 : i32
        %dma_start3A_801 = arith.constant 0 : i32
        %dma_start3A_802 = tpu.memref_slice %arg3[%dma_start3A_800, %dma_start3A_801] : memref<1000000x32xf32, #tpu.memory_space<hbm>> -> memref<1000000x32xf32, #tpu.memory_space<hbm>>
        tpu.enqueue_indirect_dma source(%dma_start3A_802 : memref<1000000x32xf32, #tpu.memory_space<hbm>>) target(%dma_start3A_797 : memref<64x32xf32, #tpu.memory_space<vmem>>) offsets(%dma_start3A_799 : memref<64xi32, #tpu.memory_space<vmem>>) semaphore(%arg11 : memref<!tpu.dma_semaphore, #tpu.memory_space<semaphore_mem>>)
        %dma_start3A_803 = arith.constant 1024 : i32
        %dma_start3A_804 = arith.constant 0 : i32
        %dma_start3A_805 = tpu.memref_slice %arg9[%dma_start3A_803, %dma_start3A_804] : memref<1600x32xf32, #tpu.memory_space<vmem>> -> memref<64x32xf32, #tpu.memory_space<vmem>>
        %dma_start3A_806 = arith.constant 1024 : i32
        %dma_start3A_807 = tpu.memref_slice %arg7[%dma_start3A_806] : memref<1600xi32, #tpu.memory_space<vmem>> -> memref<64xi32, #tpu.memory_space<vmem>>
        %dma_start3A_808 = arith.constant 0 : i32
        %dma_start3A_809 = arith.constant 0 : i32
        %dma_start3A_810 = tpu.memref_slice %arg3[%dma_start3A_808, %dma_start3A_809] : memref<1000000x32xf32, #tpu.memory_space<hbm>> -> memref<1000000x32xf32, #tpu.memory_space<hbm>>
        tpu.enqueue_indirect_dma source(%dma_start3A_810 : memref<1000000x32xf32, #tpu.memory_space<hbm>>) target(%dma_start3A_805 : memref<64x32xf32, #tpu.memory_space<vmem>>) offsets(%dma_start3A_807 : memref<64xi32, #tpu.memory_space<vmem>>) semaphore(%arg11 : memref<!tpu.dma_semaphore, #tpu.memory_space<semaphore_mem>>)
        %dma_start3A_811 = arith.constant 1088 : i32
        %dma_start3A_812 = arith.constant 0 : i32
        %dma_start3A_813 = tpu.memref_slice %arg9[%dma_start3A_811, %dma_start3A_812] : memref<1600x32xf32, #tpu.memory_space<vmem>> -> memref<64x32xf32, #tpu.memory_space<vmem>>
        %dma_start3A_814 = arith.constant 1088 : i32
        %dma_start3A_815 = tpu.memref_slice %arg7[%dma_start3A_814] : memref<1600xi32, #tpu.memory_space<vmem>> -> memref<64xi32, #tpu.memory_space<vmem>>
        %dma_start3A_816 = arith.constant 0 : i32
        %dma_start3A_817 = arith.constant 0 : i32
        %dma_start3A_818 = tpu.memref_slice %arg3[%dma_start3A_816, %dma_start3A_817] : memref<1000000x32xf32, #tpu.memory_space<hbm>> -> memref<1000000x32xf32, #tpu.memory_space<hbm>>
        tpu.enqueue_indirect_dma source(%dma_start3A_818 : memref<1000000x32xf32, #tpu.memory_space<hbm>>) target(%dma_start3A_813 : memref<64x32xf32, #tpu.memory_space<vmem>>) offsets(%dma_start3A_815 : memref<64xi32, #tpu.memory_space<vmem>>) semaphore(%arg11 : memref<!tpu.dma_semaphore, #tpu.memory_space<semaphore_mem>>)
        %dma_start3A_819 = arith.constant 1152 : i32
        %dma_start3A_820 = arith.constant 0 : i32
        %dma_start3A_821 = tpu.memref_slice %arg9[%dma_start3A_819, %dma_start3A_820] : memref<1600x32xf32, #tpu.memory_space<vmem>> -> memref<64x32xf32, #tpu.memory_space<vmem>>
        %dma_start3A_822 = arith.constant 1152 : i32
        %dma_start3A_823 = tpu.memref_slice %arg7[%dma_start3A_822] : memref<1600xi32, #tpu.memory_space<vmem>> -> memref<64xi32, #tpu.memory_space<vmem>>
        %dma_start3A_824 = arith.constant 0 : i32
        %dma_start3A_825 = arith.constant 0 : i32
        %dma_start3A_826 = tpu.memref_slice %arg3[%dma_start3A_824, %dma_start3A_825] : memref<1000000x32xf32, #tpu.memory_space<hbm>> -> memref<1000000x32xf32, #tpu.memory_space<hbm>>
        tpu.enqueue_indirect_dma source(%dma_start3A_826 : memref<1000000x32xf32, #tpu.memory_space<hbm>>) target(%dma_start3A_821 : memref<64x32xf32, #tpu.memory_space<vmem>>) offsets(%dma_start3A_823 : memref<64xi32, #tpu.memory_space<vmem>>) semaphore(%arg11 : memref<!tpu.dma_semaphore, #tpu.memory_space<semaphore_mem>>)
        %dma_start3A_827 = arith.constant 1216 : i32
        %dma_start3A_828 = arith.constant 0 : i32
        %dma_start3A_829 = tpu.memref_slice %arg9[%dma_start3A_827, %dma_start3A_828] : memref<1600x32xf32, #tpu.memory_space<vmem>> -> memref<64x32xf32, #tpu.memory_space<vmem>>
        %dma_start3A_830 = arith.constant 1216 : i32
        %dma_start3A_831 = tpu.memref_slice %arg7[%dma_start3A_830] : memref<1600xi32, #tpu.memory_space<vmem>> -> memref<64xi32, #tpu.memory_space<vmem>>
        %dma_start3A_832 = arith.constant 0 : i32
        %dma_start3A_833 = arith.constant 0 : i32
        %dma_start3A_834 = tpu.memref_slice %arg3[%dma_start3A_832, %dma_start3A_833] : memref<1000000x32xf32, #tpu.memory_space<hbm>> -> memref<1000000x32xf32, #tpu.memory_space<hbm>>
        tpu.enqueue_indirect_dma source(%dma_start3A_834 : memref<1000000x32xf32, #tpu.memory_space<hbm>>) target(%dma_start3A_829 : memref<64x32xf32, #tpu.memory_space<vmem>>) offsets(%dma_start3A_831 : memref<64xi32, #tpu.memory_space<vmem>>) semaphore(%arg11 : memref<!tpu.dma_semaphore, #tpu.memory_space<semaphore_mem>>)
        %dma_start3A_835 = arith.constant 1280 : i32
        %dma_start3A_836 = arith.constant 0 : i32
        %dma_start3A_837 = tpu.memref_slice %arg9[%dma_start3A_835, %dma_start3A_836] : memref<1600x32xf32, #tpu.memory_space<vmem>> -> memref<64x32xf32, #tpu.memory_space<vmem>>
        %dma_start3A_838 = arith.constant 1280 : i32
        %dma_start3A_839 = tpu.memref_slice %arg7[%dma_start3A_838] : memref<1600xi32, #tpu.memory_space<vmem>> -> memref<64xi32, #tpu.memory_space<vmem>>
        %dma_start3A_840 = arith.constant 0 : i32
        %dma_start3A_841 = arith.constant 0 : i32
        %dma_start3A_842 = tpu.memref_slice %arg3[%dma_start3A_840, %dma_start3A_841] : memref<1000000x32xf32, #tpu.memory_space<hbm>> -> memref<1000000x32xf32, #tpu.memory_space<hbm>>
        tpu.enqueue_indirect_dma source(%dma_start3A_842 : memref<1000000x32xf32, #tpu.memory_space<hbm>>) target(%dma_start3A_837 : memref<64x32xf32, #tpu.memory_space<vmem>>) offsets(%dma_start3A_839 : memref<64xi32, #tpu.memory_space<vmem>>) semaphore(%arg11 : memref<!tpu.dma_semaphore, #tpu.memory_space<semaphore_mem>>)
        %dma_start3A_843 = arith.constant 1344 : i32
        %dma_start3A_844 = arith.constant 0 : i32
        %dma_start3A_845 = tpu.memref_slice %arg9[%dma_start3A_843, %dma_start3A_844] : memref<1600x32xf32, #tpu.memory_space<vmem>> -> memref<64x32xf32, #tpu.memory_space<vmem>>
        %dma_start3A_846 = arith.constant 1344 : i32
        %dma_start3A_847 = tpu.memref_slice %arg7[%dma_start3A_846] : memref<1600xi32, #tpu.memory_space<vmem>> -> memref<64xi32, #tpu.memory_space<vmem>>
        %dma_start3A_848 = arith.constant 0 : i32
        %dma_start3A_849 = arith.constant 0 : i32
        %dma_start3A_850 = tpu.memref_slice %arg3[%dma_start3A_848, %dma_start3A_849] : memref<1000000x32xf32, #tpu.memory_space<hbm>> -> memref<1000000x32xf32, #tpu.memory_space<hbm>>
        tpu.enqueue_indirect_dma source(%dma_start3A_850 : memref<1000000x32xf32, #tpu.memory_space<hbm>>) target(%dma_start3A_845 : memref<64x32xf32, #tpu.memory_space<vmem>>) offsets(%dma_start3A_847 : memref<64xi32, #tpu.memory_space<vmem>>) semaphore(%arg11 : memref<!tpu.dma_semaphore, #tpu.memory_space<semaphore_mem>>)
        %dma_start3A_851 = arith.constant 1408 : i32
        %dma_start3A_852 = arith.constant 0 : i32
        %dma_start3A_853 = tpu.memref_slice %arg9[%dma_start3A_851, %dma_start3A_852] : memref<1600x32xf32, #tpu.memory_space<vmem>> -> memref<64x32xf32, #tpu.memory_space<vmem>>
        %dma_start3A_854 = arith.constant 1408 : i32
        %dma_start3A_855 = tpu.memref_slice %arg7[%dma_start3A_854] : memref<1600xi32, #tpu.memory_space<vmem>> -> memref<64xi32, #tpu.memory_space<vmem>>
        %dma_start3A_856 = arith.constant 0 : i32
        %dma_start3A_857 = arith.constant 0 : i32
        %dma_start3A_858 = tpu.memref_slice %arg3[%dma_start3A_856, %dma_start3A_857] : memref<1000000x32xf32, #tpu.memory_space<hbm>> -> memref<1000000x32xf32, #tpu.memory_space<hbm>>
        tpu.enqueue_indirect_dma source(%dma_start3A_858 : memref<1000000x32xf32, #tpu.memory_space<hbm>>) target(%dma_start3A_853 : memref<64x32xf32, #tpu.memory_space<vmem>>) offsets(%dma_start3A_855 : memref<64xi32, #tpu.memory_space<vmem>>) semaphore(%arg11 : memref<!tpu.dma_semaphore, #tpu.memory_space<semaphore_mem>>)
        %dma_start3A_859 = arith.constant 1472 : i32
        %dma_start3A_860 = arith.constant 0 : i32
        %dma_start3A_861 = tpu.memref_slice %arg9[%dma_start3A_859, %dma_start3A_860] : memref<1600x32xf32, #tpu.memory_space<vmem>> -> memref<64x32xf32, #tpu.memory_space<vmem>>
        %dma_start3A_862 = arith.constant 1472 : i32
        %dma_start3A_863 = tpu.memref_slice %arg7[%dma_start3A_862] : memref<1600xi32, #tpu.memory_space<vmem>> -> memref<64xi32, #tpu.memory_space<vmem>>
        %dma_start3A_864 = arith.constant 0 : i32
        %dma_start3A_865 = arith.constant 0 : i32
        %dma_start3A_866 = tpu.memref_slice %arg3[%dma_start3A_864, %dma_start3A_865] : memref<1000000x32xf32, #tpu.memory_space<hbm>> -> memref<1000000x32xf32, #tpu.memory_space<hbm>>
        tpu.enqueue_indirect_dma source(%dma_start3A_866 : memref<1000000x32xf32, #tpu.memory_space<hbm>>) target(%dma_start3A_861 : memref<64x32xf32, #tpu.memory_space<vmem>>) offsets(%dma_start3A_863 : memref<64xi32, #tpu.memory_space<vmem>>) semaphore(%arg11 : memref<!tpu.dma_semaphore, #tpu.memory_space<semaphore_mem>>)
        %dma_start3A_867 = arith.constant 1536 : i32
        %dma_start3A_868 = arith.constant 0 : i32
        %dma_start3A_869 = tpu.memref_slice %arg9[%dma_start3A_867, %dma_start3A_868] : memref<1600x32xf32, #tpu.memory_space<vmem>> -> memref<64x32xf32, #tpu.memory_space<vmem>>
        %dma_start3A_870 = arith.constant 1536 : i32
        %dma_start3A_871 = tpu.memref_slice %arg7[%dma_start3A_870] : memref<1600xi32, #tpu.memory_space<vmem>> -> memref<64xi32, #tpu.memory_space<vmem>>
        %dma_start3A_872 = arith.constant 0 : i32
        %dma_start3A_873 = arith.constant 0 : i32
        %dma_start3A_874 = tpu.memref_slice %arg3[%dma_start3A_872, %dma_start3A_873] : memref<1000000x32xf32, #tpu.memory_space<hbm>> -> memref<1000000x32xf32, #tpu.memory_space<hbm>>
        tpu.enqueue_indirect_dma source(%dma_start3A_874 : memref<1000000x32xf32, #tpu.memory_space<hbm>>) target(%dma_start3A_869 : memref<64x32xf32, #tpu.memory_space<vmem>>) offsets(%dma_start3A_871 : memref<64xi32, #tpu.memory_space<vmem>>) semaphore(%arg11 : memref<!tpu.dma_semaphore, #tpu.memory_space<semaphore_mem>>)
      } else {
      }
      %dma_wait3A_453 = arith.constant 0 : i32
      %dma_wait3A_454 = arith.constant 0 : i32
      %dma_wait3A_455 = tpu.memref_slice %arg10[%dma_wait3A_453, %dma_wait3A_454] : memref<1600x32xf32, #tpu.memory_space<vmem>> -> memref<64x32xf32, #tpu.memory_space<vmem>>
      %dma_wait3A_456 = arith.constant 0 : i32
      %dma_wait3A_457 = tpu.memref_slice %arg8[%dma_wait3A_456] : memref<1600xi32, #tpu.memory_space<vmem>> -> memref<64xi32, #tpu.memory_space<vmem>>
      %dma_wait3A_458 = arith.constant 0 : i32
      %dma_wait3A_459 = arith.constant 0 : i32
      %dma_wait3A_460 = tpu.memref_slice %arg3[%dma_wait3A_458, %dma_wait3A_459] : memref<1000000x32xf32, #tpu.memory_space<hbm>> -> memref<1000000x32xf32, #tpu.memory_space<hbm>>
      tpu.wait_indirect_dma semaphore(%arg12 : memref<!tpu.dma_semaphore, #tpu.memory_space<semaphore_mem>>) src(%dma_wait3A_460 : memref<1000000x32xf32, #tpu.memory_space<hbm>>) dst(%dma_wait3A_455 : memref<64x32xf32, #tpu.memory_space<vmem>>)
      %dma_wait3A_461 = arith.constant 64 : i32
      %dma_wait3A_462 = arith.constant 0 : i32
      %dma_wait3A_463 = tpu.memref_slice %arg10[%dma_wait3A_461, %dma_wait3A_462] : memref<1600x32xf32, #tpu.memory_space<vmem>> -> memref<64x32xf32, #tpu.memory_space<vmem>>
      %dma_wait3A_464 = arith.constant 64 : i32
      %dma_wait3A_465 = tpu.memref_slice %arg8[%dma_wait3A_464] : memref<1600xi32, #tpu.memory_space<vmem>> -> memref<64xi32, #tpu.memory_space<vmem>>
      %dma_wait3A_466 = arith.constant 0 : i32
      %dma_wait3A_467 = arith.constant 0 : i32
      %dma_wait3A_468 = tpu.memref_slice %arg3[%dma_wait3A_466, %dma_wait3A_467] : memref<1000000x32xf32, #tpu.memory_space<hbm>> -> memref<1000000x32xf32, #tpu.memory_space<hbm>>
      tpu.wait_indirect_dma semaphore(%arg12 : memref<!tpu.dma_semaphore, #tpu.memory_space<semaphore_mem>>) src(%dma_wait3A_468 : memref<1000000x32xf32, #tpu.memory_space<hbm>>) dst(%dma_wait3A_463 : memref<64x32xf32, #tpu.memory_space<vmem>>)
      %dma_wait3A_469 = arith.constant 128 : i32
      %dma_wait3A_470 = arith.constant 0 : i32
      %dma_wait3A_471 = tpu.memref_slice %arg10[%dma_wait3A_469, %dma_wait3A_470] : memref<1600x32xf32, #tpu.memory_space<vmem>> -> memref<64x32xf32, #tpu.memory_space<vmem>>
      %dma_wait3A_472 = arith.constant 128 : i32
      %dma_wait3A_473 = tpu.memref_slice %arg8[%dma_wait3A_472] : memref<1600xi32, #tpu.memory_space<vmem>> -> memref<64xi32, #tpu.memory_space<vmem>>
      %dma_wait3A_474 = arith.constant 0 : i32
      %dma_wait3A_475 = arith.constant 0 : i32
      %dma_wait3A_476 = tpu.memref_slice %arg3[%dma_wait3A_474, %dma_wait3A_475] : memref<1000000x32xf32, #tpu.memory_space<hbm>> -> memref<1000000x32xf32, #tpu.memory_space<hbm>>
      tpu.wait_indirect_dma semaphore(%arg12 : memref<!tpu.dma_semaphore, #tpu.memory_space<semaphore_mem>>) src(%dma_wait3A_476 : memref<1000000x32xf32, #tpu.memory_space<hbm>>) dst(%dma_wait3A_471 : memref<64x32xf32, #tpu.memory_space<vmem>>)
      %dma_wait3A_477 = arith.constant 192 : i32
      %dma_wait3A_478 = arith.constant 0 : i32
      %dma_wait3A_479 = tpu.memref_slice %arg10[%dma_wait3A_477, %dma_wait3A_478] : memref<1600x32xf32, #tpu.memory_space<vmem>> -> memref<64x32xf32, #tpu.memory_space<vmem>>
      %dma_wait3A_480 = arith.constant 192 : i32
      %dma_wait3A_481 = tpu.memref_slice %arg8[%dma_wait3A_480] : memref<1600xi32, #tpu.memory_space<vmem>> -> memref<64xi32, #tpu.memory_space<vmem>>
      %dma_wait3A_482 = arith.constant 0 : i32
      %dma_wait3A_483 = arith.constant 0 : i32
      %dma_wait3A_484 = tpu.memref_slice %arg3[%dma_wait3A_482, %dma_wait3A_483] : memref<1000000x32xf32, #tpu.memory_space<hbm>> -> memref<1000000x32xf32, #tpu.memory_space<hbm>>
      tpu.wait_indirect_dma semaphore(%arg12 : memref<!tpu.dma_semaphore, #tpu.memory_space<semaphore_mem>>) src(%dma_wait3A_484 : memref<1000000x32xf32, #tpu.memory_space<hbm>>) dst(%dma_wait3A_479 : memref<64x32xf32, #tpu.memory_space<vmem>>)
      %dma_wait3A_485 = arith.constant 256 : i32
      %dma_wait3A_486 = arith.constant 0 : i32
      %dma_wait3A_487 = tpu.memref_slice %arg10[%dma_wait3A_485, %dma_wait3A_486] : memref<1600x32xf32, #tpu.memory_space<vmem>> -> memref<64x32xf32, #tpu.memory_space<vmem>>
      %dma_wait3A_488 = arith.constant 256 : i32
      %dma_wait3A_489 = tpu.memref_slice %arg8[%dma_wait3A_488] : memref<1600xi32, #tpu.memory_space<vmem>> -> memref<64xi32, #tpu.memory_space<vmem>>
      %dma_wait3A_490 = arith.constant 0 : i32
      %dma_wait3A_491 = arith.constant 0 : i32
      %dma_wait3A_492 = tpu.memref_slice %arg3[%dma_wait3A_490, %dma_wait3A_491] : memref<1000000x32xf32, #tpu.memory_space<hbm>> -> memref<1000000x32xf32, #tpu.memory_space<hbm>>
      tpu.wait_indirect_dma semaphore(%arg12 : memref<!tpu.dma_semaphore, #tpu.memory_space<semaphore_mem>>) src(%dma_wait3A_492 : memref<1000000x32xf32, #tpu.memory_space<hbm>>) dst(%dma_wait3A_487 : memref<64x32xf32, #tpu.memory_space<vmem>>)
      %dma_wait3A_493 = arith.constant 320 : i32
      %dma_wait3A_494 = arith.constant 0 : i32
      %dma_wait3A_495 = tpu.memref_slice %arg10[%dma_wait3A_493, %dma_wait3A_494] : memref<1600x32xf32, #tpu.memory_space<vmem>> -> memref<64x32xf32, #tpu.memory_space<vmem>>
      %dma_wait3A_496 = arith.constant 320 : i32
      %dma_wait3A_497 = tpu.memref_slice %arg8[%dma_wait3A_496] : memref<1600xi32, #tpu.memory_space<vmem>> -> memref<64xi32, #tpu.memory_space<vmem>>
      %dma_wait3A_498 = arith.constant 0 : i32
      %dma_wait3A_499 = arith.constant 0 : i32
      %dma_wait3A_500 = tpu.memref_slice %arg3[%dma_wait3A_498, %dma_wait3A_499] : memref<1000000x32xf32, #tpu.memory_space<hbm>> -> memref<1000000x32xf32, #tpu.memory_space<hbm>>
      tpu.wait_indirect_dma semaphore(%arg12 : memref<!tpu.dma_semaphore, #tpu.memory_space<semaphore_mem>>) src(%dma_wait3A_500 : memref<1000000x32xf32, #tpu.memory_space<hbm>>) dst(%dma_wait3A_495 : memref<64x32xf32, #tpu.memory_space<vmem>>)
      %dma_wait3A_501 = arith.constant 384 : i32
      %dma_wait3A_502 = arith.constant 0 : i32
      %dma_wait3A_503 = tpu.memref_slice %arg10[%dma_wait3A_501, %dma_wait3A_502] : memref<1600x32xf32, #tpu.memory_space<vmem>> -> memref<64x32xf32, #tpu.memory_space<vmem>>
      %dma_wait3A_504 = arith.constant 384 : i32
      %dma_wait3A_505 = tpu.memref_slice %arg8[%dma_wait3A_504] : memref<1600xi32, #tpu.memory_space<vmem>> -> memref<64xi32, #tpu.memory_space<vmem>>
      %dma_wait3A_506 = arith.constant 0 : i32
      %dma_wait3A_507 = arith.constant 0 : i32
      %dma_wait3A_508 = tpu.memref_slice %arg3[%dma_wait3A_506, %dma_wait3A_507] : memref<1000000x32xf32, #tpu.memory_space<hbm>> -> memref<1000000x32xf32, #tpu.memory_space<hbm>>
      tpu.wait_indirect_dma semaphore(%arg12 : memref<!tpu.dma_semaphore, #tpu.memory_space<semaphore_mem>>) src(%dma_wait3A_508 : memref<1000000x32xf32, #tpu.memory_space<hbm>>) dst(%dma_wait3A_503 : memref<64x32xf32, #tpu.memory_space<vmem>>)
      %dma_wait3A_509 = arith.constant 448 : i32
      %dma_wait3A_510 = arith.constant 0 : i32
      %dma_wait3A_511 = tpu.memref_slice %arg10[%dma_wait3A_509, %dma_wait3A_510] : memref<1600x32xf32, #tpu.memory_space<vmem>> -> memref<64x32xf32, #tpu.memory_space<vmem>>
      %dma_wait3A_512 = arith.constant 448 : i32
      %dma_wait3A_513 = tpu.memref_slice %arg8[%dma_wait3A_512] : memref<1600xi32, #tpu.memory_space<vmem>> -> memref<64xi32, #tpu.memory_space<vmem>>
      %dma_wait3A_514 = arith.constant 0 : i32
      %dma_wait3A_515 = arith.constant 0 : i32
      %dma_wait3A_516 = tpu.memref_slice %arg3[%dma_wait3A_514, %dma_wait3A_515] : memref<1000000x32xf32, #tpu.memory_space<hbm>> -> memref<1000000x32xf32, #tpu.memory_space<hbm>>
      tpu.wait_indirect_dma semaphore(%arg12 : memref<!tpu.dma_semaphore, #tpu.memory_space<semaphore_mem>>) src(%dma_wait3A_516 : memref<1000000x32xf32, #tpu.memory_space<hbm>>) dst(%dma_wait3A_511 : memref<64x32xf32, #tpu.memory_space<vmem>>)
      %dma_wait3A_517 = arith.constant 512 : i32
      %dma_wait3A_518 = arith.constant 0 : i32
      %dma_wait3A_519 = tpu.memref_slice %arg10[%dma_wait3A_517, %dma_wait3A_518] : memref<1600x32xf32, #tpu.memory_space<vmem>> -> memref<64x32xf32, #tpu.memory_space<vmem>>
      %dma_wait3A_520 = arith.constant 512 : i32
      %dma_wait3A_521 = tpu.memref_slice %arg8[%dma_wait3A_520] : memref<1600xi32, #tpu.memory_space<vmem>> -> memref<64xi32, #tpu.memory_space<vmem>>
      %dma_wait3A_522 = arith.constant 0 : i32
      %dma_wait3A_523 = arith.constant 0 : i32
      %dma_wait3A_524 = tpu.memref_slice %arg3[%dma_wait3A_522, %dma_wait3A_523] : memref<1000000x32xf32, #tpu.memory_space<hbm>> -> memref<1000000x32xf32, #tpu.memory_space<hbm>>
      tpu.wait_indirect_dma semaphore(%arg12 : memref<!tpu.dma_semaphore, #tpu.memory_space<semaphore_mem>>) src(%dma_wait3A_524 : memref<1000000x32xf32, #tpu.memory_space<hbm>>) dst(%dma_wait3A_519 : memref<64x32xf32, #tpu.memory_space<vmem>>)
      %dma_wait3A_525 = arith.constant 576 : i32
      %dma_wait3A_526 = arith.constant 0 : i32
      %dma_wait3A_527 = tpu.memref_slice %arg10[%dma_wait3A_525, %dma_wait3A_526] : memref<1600x32xf32, #tpu.memory_space<vmem>> -> memref<64x32xf32, #tpu.memory_space<vmem>>
      %dma_wait3A_528 = arith.constant 576 : i32
      %dma_wait3A_529 = tpu.memref_slice %arg8[%dma_wait3A_528] : memref<1600xi32, #tpu.memory_space<vmem>> -> memref<64xi32, #tpu.memory_space<vmem>>
      %dma_wait3A_530 = arith.constant 0 : i32
      %dma_wait3A_531 = arith.constant 0 : i32
      %dma_wait3A_532 = tpu.memref_slice %arg3[%dma_wait3A_530, %dma_wait3A_531] : memref<1000000x32xf32, #tpu.memory_space<hbm>> -> memref<1000000x32xf32, #tpu.memory_space<hbm>>
      tpu.wait_indirect_dma semaphore(%arg12 : memref<!tpu.dma_semaphore, #tpu.memory_space<semaphore_mem>>) src(%dma_wait3A_532 : memref<1000000x32xf32, #tpu.memory_space<hbm>>) dst(%dma_wait3A_527 : memref<64x32xf32, #tpu.memory_space<vmem>>)
      %dma_wait3A_533 = arith.constant 640 : i32
      %dma_wait3A_534 = arith.constant 0 : i32
      %dma_wait3A_535 = tpu.memref_slice %arg10[%dma_wait3A_533, %dma_wait3A_534] : memref<1600x32xf32, #tpu.memory_space<vmem>> -> memref<64x32xf32, #tpu.memory_space<vmem>>
      %dma_wait3A_536 = arith.constant 640 : i32
      %dma_wait3A_537 = tpu.memref_slice %arg8[%dma_wait3A_536] : memref<1600xi32, #tpu.memory_space<vmem>> -> memref<64xi32, #tpu.memory_space<vmem>>
      %dma_wait3A_538 = arith.constant 0 : i32
      %dma_wait3A_539 = arith.constant 0 : i32
      %dma_wait3A_540 = tpu.memref_slice %arg3[%dma_wait3A_538, %dma_wait3A_539] : memref<1000000x32xf32, #tpu.memory_space<hbm>> -> memref<1000000x32xf32, #tpu.memory_space<hbm>>
      tpu.wait_indirect_dma semaphore(%arg12 : memref<!tpu.dma_semaphore, #tpu.memory_space<semaphore_mem>>) src(%dma_wait3A_540 : memref<1000000x32xf32, #tpu.memory_space<hbm>>) dst(%dma_wait3A_535 : memref<64x32xf32, #tpu.memory_space<vmem>>)
      %dma_wait3A_541 = arith.constant 704 : i32
      %dma_wait3A_542 = arith.constant 0 : i32
      %dma_wait3A_543 = tpu.memref_slice %arg10[%dma_wait3A_541, %dma_wait3A_542] : memref<1600x32xf32, #tpu.memory_space<vmem>> -> memref<64x32xf32, #tpu.memory_space<vmem>>
      %dma_wait3A_544 = arith.constant 704 : i32
      %dma_wait3A_545 = tpu.memref_slice %arg8[%dma_wait3A_544] : memref<1600xi32, #tpu.memory_space<vmem>> -> memref<64xi32, #tpu.memory_space<vmem>>
      %dma_wait3A_546 = arith.constant 0 : i32
      %dma_wait3A_547 = arith.constant 0 : i32
      %dma_wait3A_548 = tpu.memref_slice %arg3[%dma_wait3A_546, %dma_wait3A_547] : memref<1000000x32xf32, #tpu.memory_space<hbm>> -> memref<1000000x32xf32, #tpu.memory_space<hbm>>
      tpu.wait_indirect_dma semaphore(%arg12 : memref<!tpu.dma_semaphore, #tpu.memory_space<semaphore_mem>>) src(%dma_wait3A_548 : memref<1000000x32xf32, #tpu.memory_space<hbm>>) dst(%dma_wait3A_543 : memref<64x32xf32, #tpu.memory_space<vmem>>)
      %dma_wait3A_549 = arith.constant 768 : i32
      %dma_wait3A_550 = arith.constant 0 : i32
      %dma_wait3A_551 = tpu.memref_slice %arg10[%dma_wait3A_549, %dma_wait3A_550] : memref<1600x32xf32, #tpu.memory_space<vmem>> -> memref<64x32xf32, #tpu.memory_space<vmem>>
      %dma_wait3A_552 = arith.constant 768 : i32
      %dma_wait3A_553 = tpu.memref_slice %arg8[%dma_wait3A_552] : memref<1600xi32, #tpu.memory_space<vmem>> -> memref<64xi32, #tpu.memory_space<vmem>>
      %dma_wait3A_554 = arith.constant 0 : i32
      %dma_wait3A_555 = arith.constant 0 : i32
      %dma_wait3A_556 = tpu.memref_slice %arg3[%dma_wait3A_554, %dma_wait3A_555] : memref<1000000x32xf32, #tpu.memory_space<hbm>> -> memref<1000000x32xf32, #tpu.memory_space<hbm>>
      tpu.wait_indirect_dma semaphore(%arg12 : memref<!tpu.dma_semaphore, #tpu.memory_space<semaphore_mem>>) src(%dma_wait3A_556 : memref<1000000x32xf32, #tpu.memory_space<hbm>>) dst(%dma_wait3A_551 : memref<64x32xf32, #tpu.memory_space<vmem>>)
      %dma_wait3A_557 = arith.constant 832 : i32
      %dma_wait3A_558 = arith.constant 0 : i32
      %dma_wait3A_559 = tpu.memref_slice %arg10[%dma_wait3A_557, %dma_wait3A_558] : memref<1600x32xf32, #tpu.memory_space<vmem>> -> memref<64x32xf32, #tpu.memory_space<vmem>>
      %dma_wait3A_560 = arith.constant 832 : i32
      %dma_wait3A_561 = tpu.memref_slice %arg8[%dma_wait3A_560] : memref<1600xi32, #tpu.memory_space<vmem>> -> memref<64xi32, #tpu.memory_space<vmem>>
      %dma_wait3A_562 = arith.constant 0 : i32
      %dma_wait3A_563 = arith.constant 0 : i32
      %dma_wait3A_564 = tpu.memref_slice %arg3[%dma_wait3A_562, %dma_wait3A_563] : memref<1000000x32xf32, #tpu.memory_space<hbm>> -> memref<1000000x32xf32, #tpu.memory_space<hbm>>
      tpu.wait_indirect_dma semaphore(%arg12 : memref<!tpu.dma_semaphore, #tpu.memory_space<semaphore_mem>>) src(%dma_wait3A_564 : memref<1000000x32xf32, #tpu.memory_space<hbm>>) dst(%dma_wait3A_559 : memref<64x32xf32, #tpu.memory_space<vmem>>)
      %dma_wait3A_565 = arith.constant 896 : i32
      %dma_wait3A_566 = arith.constant 0 : i32
      %dma_wait3A_567 = tpu.memref_slice %arg10[%dma_wait3A_565, %dma_wait3A_566] : memref<1600x32xf32, #tpu.memory_space<vmem>> -> memref<64x32xf32, #tpu.memory_space<vmem>>
      %dma_wait3A_568 = arith.constant 896 : i32
      %dma_wait3A_569 = tpu.memref_slice %arg8[%dma_wait3A_568] : memref<1600xi32, #tpu.memory_space<vmem>> -> memref<64xi32, #tpu.memory_space<vmem>>
      %dma_wait3A_570 = arith.constant 0 : i32
      %dma_wait3A_571 = arith.constant 0 : i32
      %dma_wait3A_572 = tpu.memref_slice %arg3[%dma_wait3A_570, %dma_wait3A_571] : memref<1000000x32xf32, #tpu.memory_space<hbm>> -> memref<1000000x32xf32, #tpu.memory_space<hbm>>
      tpu.wait_indirect_dma semaphore(%arg12 : memref<!tpu.dma_semaphore, #tpu.memory_space<semaphore_mem>>) src(%dma_wait3A_572 : memref<1000000x32xf32, #tpu.memory_space<hbm>>) dst(%dma_wait3A_567 : memref<64x32xf32, #tpu.memory_space<vmem>>)
      %dma_wait3A_573 = arith.constant 960 : i32
      %dma_wait3A_574 = arith.constant 0 : i32
      %dma_wait3A_575 = tpu.memref_slice %arg10[%dma_wait3A_573, %dma_wait3A_574] : memref<1600x32xf32, #tpu.memory_space<vmem>> -> memref<64x32xf32, #tpu.memory_space<vmem>>
      %dma_wait3A_576 = arith.constant 960 : i32
      %dma_wait3A_577 = tpu.memref_slice %arg8[%dma_wait3A_576] : memref<1600xi32, #tpu.memory_space<vmem>> -> memref<64xi32, #tpu.memory_space<vmem>>
      %dma_wait3A_578 = arith.constant 0 : i32
      %dma_wait3A_579 = arith.constant 0 : i32
      %dma_wait3A_580 = tpu.memref_slice %arg3[%dma_wait3A_578, %dma_wait3A_579] : memref<1000000x32xf32, #tpu.memory_space<hbm>> -> memref<1000000x32xf32, #tpu.memory_space<hbm>>
      tpu.wait_indirect_dma semaphore(%arg12 : memref<!tpu.dma_semaphore, #tpu.memory_space<semaphore_mem>>) src(%dma_wait3A_580 : memref<1000000x32xf32, #tpu.memory_space<hbm>>) dst(%dma_wait3A_575 : memref<64x32xf32, #tpu.memory_space<vmem>>)
      %dma_wait3A_581 = arith.constant 1024 : i32
      %dma_wait3A_582 = arith.constant 0 : i32
      %dma_wait3A_583 = tpu.memref_slice %arg10[%dma_wait3A_581, %dma_wait3A_582] : memref<1600x32xf32, #tpu.memory_space<vmem>> -> memref<64x32xf32, #tpu.memory_space<vmem>>
      %dma_wait3A_584 = arith.constant 1024 : i32
      %dma_wait3A_585 = tpu.memref_slice %arg8[%dma_wait3A_584] : memref<1600xi32, #tpu.memory_space<vmem>> -> memref<64xi32, #tpu.memory_space<vmem>>
      %dma_wait3A_586 = arith.constant 0 : i32
      %dma_wait3A_587 = arith.constant 0 : i32
      %dma_wait3A_588 = tpu.memref_slice %arg3[%dma_wait3A_586, %dma_wait3A_587] : memref<1000000x32xf32, #tpu.memory_space<hbm>> -> memref<1000000x32xf32, #tpu.memory_space<hbm>>
      tpu.wait_indirect_dma semaphore(%arg12 : memref<!tpu.dma_semaphore, #tpu.memory_space<semaphore_mem>>) src(%dma_wait3A_588 : memref<1000000x32xf32, #tpu.memory_space<hbm>>) dst(%dma_wait3A_583 : memref<64x32xf32, #tpu.memory_space<vmem>>)
      %dma_wait3A_589 = arith.constant 1088 : i32
      %dma_wait3A_590 = arith.constant 0 : i32
      %dma_wait3A_591 = tpu.memref_slice %arg10[%dma_wait3A_589, %dma_wait3A_590] : memref<1600x32xf32, #tpu.memory_space<vmem>> -> memref<64x32xf32, #tpu.memory_space<vmem>>
      %dma_wait3A_592 = arith.constant 1088 : i32
      %dma_wait3A_593 = tpu.memref_slice %arg8[%dma_wait3A_592] : memref<1600xi32, #tpu.memory_space<vmem>> -> memref<64xi32, #tpu.memory_space<vmem>>
      %dma_wait3A_594 = arith.constant 0 : i32
      %dma_wait3A_595 = arith.constant 0 : i32
      %dma_wait3A_596 = tpu.memref_slice %arg3[%dma_wait3A_594, %dma_wait3A_595] : memref<1000000x32xf32, #tpu.memory_space<hbm>> -> memref<1000000x32xf32, #tpu.memory_space<hbm>>
      tpu.wait_indirect_dma semaphore(%arg12 : memref<!tpu.dma_semaphore, #tpu.memory_space<semaphore_mem>>) src(%dma_wait3A_596 : memref<1000000x32xf32, #tpu.memory_space<hbm>>) dst(%dma_wait3A_591 : memref<64x32xf32, #tpu.memory_space<vmem>>)
      %dma_wait3A_597 = arith.constant 1152 : i32
      %dma_wait3A_598 = arith.constant 0 : i32
      %dma_wait3A_599 = tpu.memref_slice %arg10[%dma_wait3A_597, %dma_wait3A_598] : memref<1600x32xf32, #tpu.memory_space<vmem>> -> memref<64x32xf32, #tpu.memory_space<vmem>>
      %dma_wait3A_600 = arith.constant 1152 : i32
      %dma_wait3A_601 = tpu.memref_slice %arg8[%dma_wait3A_600] : memref<1600xi32, #tpu.memory_space<vmem>> -> memref<64xi32, #tpu.memory_space<vmem>>
      %dma_wait3A_602 = arith.constant 0 : i32
      %dma_wait3A_603 = arith.constant 0 : i32
      %dma_wait3A_604 = tpu.memref_slice %arg3[%dma_wait3A_602, %dma_wait3A_603] : memref<1000000x32xf32, #tpu.memory_space<hbm>> -> memref<1000000x32xf32, #tpu.memory_space<hbm>>
      tpu.wait_indirect_dma semaphore(%arg12 : memref<!tpu.dma_semaphore, #tpu.memory_space<semaphore_mem>>) src(%dma_wait3A_604 : memref<1000000x32xf32, #tpu.memory_space<hbm>>) dst(%dma_wait3A_599 : memref<64x32xf32, #tpu.memory_space<vmem>>)
      %dma_wait3A_605 = arith.constant 1216 : i32
      %dma_wait3A_606 = arith.constant 0 : i32
      %dma_wait3A_607 = tpu.memref_slice %arg10[%dma_wait3A_605, %dma_wait3A_606] : memref<1600x32xf32, #tpu.memory_space<vmem>> -> memref<64x32xf32, #tpu.memory_space<vmem>>
      %dma_wait3A_608 = arith.constant 1216 : i32
      %dma_wait3A_609 = tpu.memref_slice %arg8[%dma_wait3A_608] : memref<1600xi32, #tpu.memory_space<vmem>> -> memref<64xi32, #tpu.memory_space<vmem>>
      %dma_wait3A_610 = arith.constant 0 : i32
      %dma_wait3A_611 = arith.constant 0 : i32
      %dma_wait3A_612 = tpu.memref_slice %arg3[%dma_wait3A_610, %dma_wait3A_611] : memref<1000000x32xf32, #tpu.memory_space<hbm>> -> memref<1000000x32xf32, #tpu.memory_space<hbm>>
      tpu.wait_indirect_dma semaphore(%arg12 : memref<!tpu.dma_semaphore, #tpu.memory_space<semaphore_mem>>) src(%dma_wait3A_612 : memref<1000000x32xf32, #tpu.memory_space<hbm>>) dst(%dma_wait3A_607 : memref<64x32xf32, #tpu.memory_space<vmem>>)
      %dma_wait3A_613 = arith.constant 1280 : i32
      %dma_wait3A_614 = arith.constant 0 : i32
      %dma_wait3A_615 = tpu.memref_slice %arg10[%dma_wait3A_613, %dma_wait3A_614] : memref<1600x32xf32, #tpu.memory_space<vmem>> -> memref<64x32xf32, #tpu.memory_space<vmem>>
      %dma_wait3A_616 = arith.constant 1280 : i32
      %dma_wait3A_617 = tpu.memref_slice %arg8[%dma_wait3A_616] : memref<1600xi32, #tpu.memory_space<vmem>> -> memref<64xi32, #tpu.memory_space<vmem>>
      %dma_wait3A_618 = arith.constant 0 : i32
      %dma_wait3A_619 = arith.constant 0 : i32
      %dma_wait3A_620 = tpu.memref_slice %arg3[%dma_wait3A_618, %dma_wait3A_619] : memref<1000000x32xf32, #tpu.memory_space<hbm>> -> memref<1000000x32xf32, #tpu.memory_space<hbm>>
      tpu.wait_indirect_dma semaphore(%arg12 : memref<!tpu.dma_semaphore, #tpu.memory_space<semaphore_mem>>) src(%dma_wait3A_620 : memref<1000000x32xf32, #tpu.memory_space<hbm>>) dst(%dma_wait3A_615 : memref<64x32xf32, #tpu.memory_space<vmem>>)
      %dma_wait3A_621 = arith.constant 1344 : i32
      %dma_wait3A_622 = arith.constant 0 : i32
      %dma_wait3A_623 = tpu.memref_slice %arg10[%dma_wait3A_621, %dma_wait3A_622] : memref<1600x32xf32, #tpu.memory_space<vmem>> -> memref<64x32xf32, #tpu.memory_space<vmem>>
      %dma_wait3A_624 = arith.constant 1344 : i32
      %dma_wait3A_625 = tpu.memref_slice %arg8[%dma_wait3A_624] : memref<1600xi32, #tpu.memory_space<vmem>> -> memref<64xi32, #tpu.memory_space<vmem>>
      %dma_wait3A_626 = arith.constant 0 : i32
      %dma_wait3A_627 = arith.constant 0 : i32
      %dma_wait3A_628 = tpu.memref_slice %arg3[%dma_wait3A_626, %dma_wait3A_627] : memref<1000000x32xf32, #tpu.memory_space<hbm>> -> memref<1000000x32xf32, #tpu.memory_space<hbm>>
      tpu.wait_indirect_dma semaphore(%arg12 : memref<!tpu.dma_semaphore, #tpu.memory_space<semaphore_mem>>) src(%dma_wait3A_628 : memref<1000000x32xf32, #tpu.memory_space<hbm>>) dst(%dma_wait3A_623 : memref<64x32xf32, #tpu.memory_space<vmem>>)
      %dma_wait3A_629 = arith.constant 1408 : i32
      %dma_wait3A_630 = arith.constant 0 : i32
      %dma_wait3A_631 = tpu.memref_slice %arg10[%dma_wait3A_629, %dma_wait3A_630] : memref<1600x32xf32, #tpu.memory_space<vmem>> -> memref<64x32xf32, #tpu.memory_space<vmem>>
      %dma_wait3A_632 = arith.constant 1408 : i32
      %dma_wait3A_633 = tpu.memref_slice %arg8[%dma_wait3A_632] : memref<1600xi32, #tpu.memory_space<vmem>> -> memref<64xi32, #tpu.memory_space<vmem>>
      %dma_wait3A_634 = arith.constant 0 : i32
      %dma_wait3A_635 = arith.constant 0 : i32
      %dma_wait3A_636 = tpu.memref_slice %arg3[%dma_wait3A_634, %dma_wait3A_635] : memref<1000000x32xf32, #tpu.memory_space<hbm>> -> memref<1000000x32xf32, #tpu.memory_space<hbm>>
      tpu.wait_indirect_dma semaphore(%arg12 : memref<!tpu.dma_semaphore, #tpu.memory_space<semaphore_mem>>) src(%dma_wait3A_636 : memref<1000000x32xf32, #tpu.memory_space<hbm>>) dst(%dma_wait3A_631 : memref<64x32xf32, #tpu.memory_space<vmem>>)
      %dma_wait3A_637 = arith.constant 1472 : i32
      %dma_wait3A_638 = arith.constant 0 : i32
      %dma_wait3A_639 = tpu.memref_slice %arg10[%dma_wait3A_637, %dma_wait3A_638] : memref<1600x32xf32, #tpu.memory_space<vmem>> -> memref<64x32xf32, #tpu.memory_space<vmem>>
      %dma_wait3A_640 = arith.constant 1472 : i32
      %dma_wait3A_641 = tpu.memref_slice %arg8[%dma_wait3A_640] : memref<1600xi32, #tpu.memory_space<vmem>> -> memref<64xi32, #tpu.memory_space<vmem>>
      %dma_wait3A_642 = arith.constant 0 : i32
      %dma_wait3A_643 = arith.constant 0 : i32
      %dma_wait3A_644 = tpu.memref_slice %arg3[%dma_wait3A_642, %dma_wait3A_643] : memref<1000000x32xf32, #tpu.memory_space<hbm>> -> memref<1000000x32xf32, #tpu.memory_space<hbm>>
      tpu.wait_indirect_dma semaphore(%arg12 : memref<!tpu.dma_semaphore, #tpu.memory_space<semaphore_mem>>) src(%dma_wait3A_644 : memref<1000000x32xf32, #tpu.memory_space<hbm>>) dst(%dma_wait3A_639 : memref<64x32xf32, #tpu.memory_space<vmem>>)
      %dma_wait3A_645 = arith.constant 1536 : i32
      %dma_wait3A_646 = arith.constant 0 : i32
      %dma_wait3A_647 = tpu.memref_slice %arg10[%dma_wait3A_645, %dma_wait3A_646] : memref<1600x32xf32, #tpu.memory_space<vmem>> -> memref<64x32xf32, #tpu.memory_space<vmem>>
      %dma_wait3A_648 = arith.constant 1536 : i32
      %dma_wait3A_649 = tpu.memref_slice %arg8[%dma_wait3A_648] : memref<1600xi32, #tpu.memory_space<vmem>> -> memref<64xi32, #tpu.memory_space<vmem>>
      %dma_wait3A_650 = arith.constant 0 : i32
      %dma_wait3A_651 = arith.constant 0 : i32
      %dma_wait3A_652 = tpu.memref_slice %arg3[%dma_wait3A_650, %dma_wait3A_651] : memref<1000000x32xf32, #tpu.memory_space<hbm>> -> memref<1000000x32xf32, #tpu.memory_space<hbm>>
      tpu.wait_indirect_dma semaphore(%arg12 : memref<!tpu.dma_semaphore, #tpu.memory_space<semaphore_mem>>) src(%dma_wait3A_652 : memref<1000000x32xf32, #tpu.memory_space<hbm>>) dst(%dma_wait3A_647 : memref<64x32xf32, #tpu.memory_space<vmem>>)
      %scan3A_653 = arith.constant 0 : i32
      %scan3A_654 = arith.constant 0 : i32
      %scan3A_655 = arith.constant 8 : i32
      %scan3A_656 = arith.addi %scan3A_654, %scan3A_655 : i32
      %scan3A_657 = arith.constant 1 : i32
      scf.for %scan3A_666 = %scan3A_654 to %scan3A_656 step %scan3A_657  : i32 {
        %parallel_loop3A = arith.constant 0 : i32
        %parallel_loop3A_667 = arith.constant 200 : i32
        %parallel_loop3A_668 = arith.constant 1 : i32
        scf.for %parallel_loop3A_669 = %parallel_loop3A to %parallel_loop3A_667 step %parallel_loop3A_668  : i32 {
          %parallel_loop3A_670 = arith.constant 200 : i32
          %parallel_loop3A_671 = arith.muli %scan3A_666, %parallel_loop3A_670 : i32
          %parallel_loop3A_672 = arith.addi %parallel_loop3A_671, %parallel_loop3A_669 : i32
          %parallel_loop3A_673 = arith.index_cast %parallel_loop3A_669 : i32 to index
          %parallel_loop3A_674 = arith.constant 0 : index
          %parallel_loop3A_675 = tpu.vector_load %arg6[%parallel_loop3A_673, %parallel_loop3A_674] {strides = array<i32>} : memref<200x32xf32, #tpu.memory_space<vmem>>, vector<1x16xf32>,
          %parallel_loop3A_676 = vector.shape_cast %parallel_loop3A_675 : vector<1x16xf32> to vector<16xf32>
          %parallel_loop3A_677 = arith.index_cast %parallel_loop3A_672 : i32 to index
          %parallel_loop3A_678 = arith.constant 0 : index
          %parallel_loop3A_679 = tpu.vector_load %arg10[%parallel_loop3A_677, %parallel_loop3A_678] {strides = array<i32>} : memref<1600x32xf32, #tpu.memory_space<vmem>>, vector<1x16xf32>,
          %parallel_loop3A_680 = vector.shape_cast %parallel_loop3A_679 : vector<1x16xf32> to vector<16xf32>
          %parallel_loop3A_681 = vector.shape_cast %parallel_loop3A_676 : vector<16xf32> to vector<1x16xf32>
          tpu.vector_store %arg10[%parallel_loop3A_677, %parallel_loop3A_678], %parallel_loop3A_681 {add = true, strides = array<i32>} : memref<1600x32xf32, #tpu.memory_space<vmem>>, vector<1x16xf32>,
          %parallel_loop3A_682 = arith.index_cast %parallel_loop3A_669 : i32 to index
          %parallel_loop3A_683 = arith.constant 16 : index
          %parallel_loop3A_684 = tpu.vector_load %arg6[%parallel_loop3A_682, %parallel_loop3A_683] {strides = array<i32>} : memref<200x32xf32, #tpu.memory_space<vmem>>, vector<1x16xf32>,
          %parallel_loop3A_685 = vector.shape_cast %parallel_loop3A_684 : vector<1x16xf32> to vector<16xf32>
          %parallel_loop3A_686 = arith.index_cast %parallel_loop3A_672 : i32 to index
          %parallel_loop3A_687 = arith.constant 16 : index
          %parallel_loop3A_688 = tpu.vector_load %arg10[%parallel_loop3A_686, %parallel_loop3A_687] {strides = array<i32>} : memref<1600x32xf32, #tpu.memory_space<vmem>>, vector<1x16xf32>,
          %parallel_loop3A_689 = vector.shape_cast %parallel_loop3A_688 : vector<1x16xf32> to vector<16xf32>
          %parallel_loop3A_690 = vector.shape_cast %parallel_loop3A_685 : vector<16xf32> to vector<1x16xf32>
          tpu.vector_store %arg10[%parallel_loop3A_686, %parallel_loop3A_687], %parallel_loop3A_690 {add = true, strides = array<i32>} : memref<1600x32xf32, #tpu.memory_space<vmem>>, vector<1x16xf32>,
        } {sc.loop_unroll_factor = 8 : i64, sc.parallel_access}
      }
      %scan3A_658 = arith.constant 8 : i32
      %mul3A_659 = arith.constant 1600 : i32
      %mul3A_660 = arith.muli %add3A_445, %mul3A_659 : i32
      %add3A_661 = arith.addi %mul3A_2, %mul3A_660 : i32
      %dma_start3A_662 = arith.constant 0 : i32
      %dma_start3A_663 = tpu.memref_slice %arg5[%add3A_661, %dma_start3A_662] : memref<819200x32xf32, #tpu.memory_space<hbm>> -> memref<1600x32xf32, #tpu.memory_space<hbm>>
      %dma_start3A_664 = arith.constant 0 : i32
      %dma_start3A_665 = tpu.memref_slice %arg5[%add3A_661, %dma_start3A_664] : memref<819200x32xf32, #tpu.memory_space<hbm>> -> memref<1600x32xf32, #tpu.memory_space<hbm>>
      tpu.enqueue_dma source(%arg10 : memref<1600x32xf32, #tpu.memory_space<vmem>>) target(%dma_start3A_665 : memref<1600x32xf32, #tpu.memory_space<hbm>>) target_semaphore(%arg14 : memref<!tpu.dma_semaphore, #tpu.memory_space<semaphore_mem>>)
    }
    %scan3A_208 = arith.constant 8 : i32
    %add3A_209 = arith.constant 22400 : i32
    %add3A_210 = arith.addi %mul3A_2, %add3A_209 : i32
    %dma_wait3A = arith.constant 0 : i32
    %dma_wait3A_211 = tpu.memref_slice %arg5[%add3A_210, %dma_wait3A] : memref<819200x32xf32, #tpu.memory_space<hbm>> -> memref<1600x32xf32, #tpu.memory_space<hbm>>
    %dma_wait3A_212 = arith.constant 0 : i32
    %dma_wait3A_213 = tpu.memref_slice %arg5[%add3A_210, %dma_wait3A_212] : memref<819200x32xf32, #tpu.memory_space<hbm>> -> memref<1600x32xf32, #tpu.memory_space<hbm>>
    tpu.wait_dma2 semaphore(%arg13 : memref<!tpu.dma_semaphore, #tpu.memory_space<semaphore_mem>>) src(%arg9 : memref<1600x32xf32, #tpu.memory_space<vmem>>) dst(%dma_wait3A_213 : memref<1600x32xf32, #tpu.memory_space<hbm>>)
    %add3A_214 = arith.constant 24000 : i32
    %add3A_215 = arith.addi %mul3A_2, %add3A_214 : i32
    %dma_wait3A_216 = arith.constant 0 : i32
    %dma_wait3A_217 = tpu.memref_slice %arg5[%add3A_215, %dma_wait3A_216] : memref<819200x32xf32, #tpu.memory_space<hbm>> -> memref<1600x32xf32, #tpu.memory_space<hbm>>
    %dma_wait3A_218 = arith.constant 0 : i32
    %dma_wait3A_219 = tpu.memref_slice %arg5[%add3A_215, %dma_wait3A_218] : memref<819200x32xf32, #tpu.memory_space<hbm>> -> memref<1600x32xf32, #tpu.memory_space<hbm>>
    tpu.wait_dma2 semaphore(%arg14 : memref<!tpu.dma_semaphore, #tpu.memory_space<semaphore_mem>>) src(%arg10 : memref<1600x32xf32, #tpu.memory_space<vmem>>) dst(%dma_wait3A_219 : memref<1600x32xf32, #tpu.memory_space<hbm>>)
    return
  }
}

</mosaic_0001>

<sc_bundles>
// kernel: kernel.3.cloned.1.call-start
scs
__scs_entry_jumppad:
0x0: {  	(pc) =	sbr.rel $0x88, $3  }
0x1: {  	(tag) =	ssettag $0x0;
	lr =	simm.s32 $0x1  }
0x2: {  	[smem:$0x3F9E] =	sst lr;
	_ =	strace $0xD0000000  }
0x3: {  	_ = 	snop  }
0x4: {  	_ = 	snop  }
0x5: {  	_ = 	snop  }
0x6: {  	_ = 	snop  }
0x7: {  	_ = 	snop  }
__scs_overlays_trampoline_lowered:
0x8: {  	[smem:$0x3FAD] =	sst s0  }
0x9: {  	[smem:$0x3FAE] =	sst s1  }
0xa: {  	[smem:$0x3FAF] =	sst s2  }
0xb: {  	[smem:$0x3FB0] =	sst s3  }
0xc: {  	[smem:$0x3FB1] =	sst s4  }
0xd: {  	[smem:$0x3FB2] =	sst s5  }
0xe: {  	[smem:$0x3FB3] =	sst s6  }
0xf: {  	[smem:$0x3FB4] =	sst s7  }
0x10: {  	[smem:$0x3FB5] =	sst s8  }
0x11: {  	[smem:$0x3FB6] =	sst s9;
	s0 =	simm.s32 @!p0 $0x0  }
0x12: {  	s1 =	sld [smem:$0x3F9C];
	s0 =	simm.s32 @p0 $0x1  }
0x13: {  	[smem:$0x3FB7] =	sst s0;
	s0 =	simm.s32 @!p1 $0x0  }
0x14: {  	s2 =	sld [smem:$0x3F9B];
	s0 =	simm.s32 @p1 $0x1  }
0x15: {  	[smem:$0x3FB8] =	sst s0;
	s0 =	simm.s32 @!p2 $0x0  }
0x16: {  	s3 =	sld [smem:$0x3FDB];
	s0 =	simm.s32 @p2 $0x1  }
0x17: {  	s4 =	simm.s32 $0x1BF5;
	[smem:$0x3FBA] =	sst s0  }
0x18: {  	s0 =	sld [smem:$0x3F9D];
	_ =	swait.ge [sflag:s4], $0x0  }
0x19: {  	s7 =	sld [smem:$0x3F9E]  }
0x1a: {  	s8 =	sadd.s32 $0xFFFFE003, lr  }
0x1b: {  	s9 =	sadd.s32 $0xFFFFFEF7, lr;
	s5 =	simm.s32 $0xFFFFFFFF;
	p2 =	slt.u32 s8, $0xFFFFF086  }
0x1c: {  	p1 =	slt.u32 s9, $0xF7A;
	s5 =	simm.s32 @!p2 $0x0  }
0x1d: {  	s5 =	simm.s32 @p1 $0x1;
	p0 =	seq.s32 s7, s2  }
0x1e: {  	s7 =	smul.u32 @!p0 $0xF7A, s2;
	p2 =	seq.s32 @!p0 s5, $0x0  }
0x1f: {  	s9 =	smul.u32 $0xF7A, s1;
	s8 =	simm.s32 @!p0 $0x1BF5;
	p2 =	por !p2, p0  }
0x20: {  	[sflag:s8] =	ssyncset.s32 @!p0 $0xFFFFF086;
	s6 =	sadd.s32 @!p0 s3, s7;
	s7 =	simm.s32 @!p0 $0x108  }
0x21: {  	s3 =	sadd.s32 s3, s9;
	s6 =	sadd.s32 @!p0 $0x88, s6;
	s7 =	simm.s32 @p2 $0x1082  }
0x22: {  	[simem:s7], [sflag:s8] =	dma.local @!p0 [hbm:s6], $0xF7A  }
0x23: {  	s9 =	sor.u32 $0xD0000000, s2;
	s6 =	simm.s32 $0x108;
	_ =	swait.ge @!p0 [sflag:s8], $0x0  }
0x24: {  	s3 =	sadd.s32 $0x88, s3;
	s6 =	simm.s32 @!p1 $0x1082;
	[sflag:s4] =	ssyncset.s32 $0xFFFFF086  }
0x25: {  	[simem:s6], [sflag:s4] =	dma.local [hbm:s3], $0xF7A  }
0x26: {  	[smem:$0x3F9E] =	sst s1;
	(tag) =	ssettag s2;
	_ =	strace s9  }
0x27: {  	s1 =	sld [smem:$0x3FAE]  }
0x28: {  	s2 =	sld [smem:$0x3FAF]  }
0x29: {  	s4 =	sld [smem:$0x3FB1]  }
0x2a: {  	p0 =	seq.s32 s5, $0x0;
	s5 =	sld [smem:$0x3FB2]  }
0x2b: {  	s6 =	sld [smem:$0x3FB3]  }
0x2c: {  	s7 =	sld [smem:$0x3FB4]  }
0x2d: {  	s3 =	simm.s32 $0x108;
	s8 =	sld [smem:$0x3FB5]  }
0x2e: {  	s3 =	simm.s32 @!p0 $0x1082;
	s9 =	sld [smem:$0x3FB6]  }
0x2f: {  	lr =	sadd.s32 s0, s3;
	s0 =	sld [smem:$0x3FAD]  }
0x30: {  	s3 =	sld [smem:$0x3FB0]  }
0x31: {  	[smem:$0x3FB9] =	sst s10  }
0x32: {  	s10 =	sld [smem:$0x3FB7];
	_ =	sdelay $0x3  }
0x33: {  	p0 =	seq.s32 s10, $0x1;
	s10 =	sld [smem:$0x3FB9];
	_ =	sdelay $0x3  }
0x34: {  	[smem:$0x3FB9] =	sst s10  }
0x35: {  	s10 =	sld [smem:$0x3FB8];
	_ =	sdelay $0x3  }
0x36: {  	p1 =	seq.s32 s10, $0x1;
	s10 =	sld [smem:$0x3FB9];
	_ =	sdelay $0x3  }
0x37: {  	[smem:$0x3FB9] =	sst s10  }
0x38: {  	s10 =	sld [smem:$0x3FBA]  }
0x39: {  	_ = 	snop;
	(pc) =	sbr.ind lr, $3  }
0x3a: {  	_ = 	snop  }
0x3b: {  	_ = 	snop  }
0x3c: {  	p2 =	seq.s32 s10, $0x1;
	s10 =	sld [smem:$0x3FB9]  }
0x3d: {  	_ =	shalt  }
0x3e: {  	_ =	shalt  }
0x3f: {  	_ =	shalt  }
0x40: {  	_ =	shalt  }
0x41: {  	_ =	shalt  }
0x42: {  	_ =	shalt  }
0x43: {  	_ =	shalt  }
0x44: {  	_ =	shalt  }
0x45: {  	_ =	shalt  }
0x46: {  	_ =	shalt  }
0x47: {  	_ =	shalt  }
0x48: {  	_ =	shalt  }
0x49: {  	_ =	shalt  }
0x4a: {  	_ =	shalt  }
0x4b: {  	_ =	shalt  }
0x4c: {  	_ =	shalt  }
0x4d: {  	_ =	shalt  }
0x4e: {  	_ =	shalt  }
0x4f: {  	_ =	shalt  }
0x50: {  	_ =	shalt  }
0x51: {  	_ =	shalt  }
0x52: {  	_ =	shalt  }
0x53: {  	_ =	shalt  }
0x54: {  	_ =	shalt  }
0x55: {  	_ =	shalt  }
0x56: {  	_ =	shalt  }
0x57: {  	_ =	shalt  }
0x58: {  	_ =	shalt  }
0x59: {  	_ =	shalt  }
0x5a: {  	_ =	shalt  }
0x5b: {  	_ =	shalt  }
0x5c: {  	_ =	shalt  }
0x5d: {  	_ =	shalt  }
0x5e: {  	_ =	shalt  }
0x5f: {  	_ =	shalt  }
0x60: {  	_ =	shalt  }
0x61: {  	_ =	shalt  }
0x62: {  	_ =	shalt  }
0x63: {  	_ =	shalt  }
0x64: {  	_ =	shalt  }
0x65: {  	_ =	shalt  }
0x66: {  	_ =	shalt  }
0x67: {  	_ =	shalt  }
0x68: {  	_ =	shalt  }
0x69: {  	_ =	shalt  }
0x6a: {  	_ =	shalt  }
0x6b: {  	_ =	shalt  }
0x6c: {  	_ =	shalt  }
0x6d: {  	_ =	shalt  }
0x6e: {  	_ =	shalt  }
0x6f: {  	_ =	shalt  }
0x70: {  	_ =	shalt  }
0x71: {  	_ =	shalt  }
0x72: {  	_ =	shalt  }
0x73: {  	_ =	shalt  }
0x74: {  	_ =	shalt  }
0x75: {  	_ =	shalt  }
0x76: {  	_ =	shalt  }
0x77: {  	_ =	shalt  }
0x78: {  	_ =	shalt  }
0x79: {  	_ =	shalt  }
0x7a: {  	_ =	shalt  }
0x7b: {  	_ =	shalt  }
0x7c: {  	_ =	shalt  }
0x7d: {  	_ =	shalt  }
0x7e: {  	_ =	shalt  }
0x7f: {  	_ =	shalt  }
0x80: {  	_ =	shalt  }
0x81: {  	_ =	shalt  }
0x82: {  	_ =	shalt  }
0x83: {  	_ =	shalt  }
0x84: {  	_ =	shalt  }
0x85: {  	_ =	shalt  }
0x86: {  	_ =	shalt  }
0x87: {  	_ =	shalt  }
.Lfunc_end0:
.L_simem_size_0:
called_computation.1_lowered:
.L_overlay_start_0:
0x88: {  	s2 =	sld [smem:$0x3FD9]  }
0x89: {  	s3 =	sld [smem:$0x3FFE];
	_ =	sdelay $0x1  }
0x8a: {  	s1 =	srdreg.scid  }
0x8b: {  	s0 =	sand.u32 $0x1, s1  }
0x8c: {  	s17 =	sshll.u32 s0, $0xA;
	s2 =	sadd.s32 s3, s2  }
0x8d: {  	s2 =	sadd.s32 s2, s17  }
0x8e: {  	[smem:$0x3FC5] =	sst s2  }
0x8f: {  	_ = 	snop  }
0x90: {  	s2 =	sld [smem:$0x3FD0];
	(tm) =	ssettm $0x1  }
0x91: {  	s18 =	sld [smem:$0x3FFB];
	_ =	sdelay $0x3  }
0x92: {  	_ =	strace s18  }
0x93: {  	s3 =	sld [smem:$0x3FFC];
	_ =	sdelay $0x3  }
0x94: {  	_ =	strace s3  }
0x95: {  	s3 =	sld [smem:$0x3FFD];
	_ =	sdelay $0x3  }
0x96: {  	_ =	strace s3  }
0x97: {  	_ =	strace $0x8FFFFFFF  }
0x98: {  	s19 =	sld [smem:$0x3FDB];
	_ =	sdelay $0x1  }
0x99: {  	s4 =	simm.s32 $_scs_section_size  }
0x9a: {  	s5 =	simm.s32 $_size__tile_overlayer_lowered;
	s6 =	simm.s32 $_tile_overlayer_lowered  }
0x9b: {  	s22 =	simm.s32 $0x1BFF;
	s21 =	sshll.u32 s6, $0x1;
	s3 =	sadd.s32 s4, s19  }
0x9c: {  	s7 =	simm.s32 $0x0;
	s20 =	sshll.u32 s5, $0x1;
	s5 =	sadd.s32 s21, s3  }
0x9d: {  	[timem:s7], [sflag:s22] =	dma.local [hbm:s5], s20  }
0x9e: {  	_ =	swait.ge [sflag:s22], s20  }
0x9f: {  	s4 =	ssub.s32 $0x0, s20;
	[sflag:s22] =	ssyncset.done $0x0  }
0xa0: {  	[sflag:s22] =	ssyncadd.s32 s4;
	_ =	sdelay $0x1  }
0xa1: {  	s23 =	simm.s32 $0x1B8B  }
0xa2: {  	_ =	swait.ge [sflag:s23], $0x1  }
0xa3: {  	[sflag:s23] =	ssyncset.done $0x0  }
0xa4: {  	s25 =	simm.s32 $0x1B8E;
	s24 =	sld [smem:$0x3FFE];
	[sflag:s23] =	ssyncadd.s32 $0xFFFFFFFF  }
0xa5: {  	s26 =	simm.s32 $execute0_lowered;
	[smem:$0x3FD2] =	sst s25  }
0xa6: {  	s5 =	sshll.u32 s26, $0x1;
	_ =	strace $0x80000046;
	[dreg:$0x1] =	wrdreg $0xFFFFFFFF  }
0xa7: {  	s28 =	simm.s32 $_size_execute0_lowered;
	s3 =	sadd.s32 s3, s5;
	[dreg:$0x0] =	wrdreg $0x0  }
0xa8: {  	s5 =	sshll.u32 s28, $0x1;
	[dreg:$0x2] =	wrdreg s3  }
0xa9: {  	[dreg:$0x3] =	wrdreg s5  }
0xaa: {  	[dreg:$0x4] =	wrdreg $0xC0  }
0xab: {  	_ =	task [dreg:s7], $0x5FFFF  }
0xac: {  	[dreg:$0x1] =	wrdreg $0xFFFFFFFF  }
0xad: {  	[dreg:$0x0] =	wrdreg $0x60  }
0xae: {  	[dreg:$0x2] =	wrdreg s24  }
0xaf: {  	[dreg:$0x3] =	wrdreg s2  }
0xb0: {  	[dreg:$0x4] =	wrdreg $0x9  }
0xb1: {  	_ =	task.clear_ibuf [dreg:s7], $0x5FFFF;
	_ =	strace $0x90000046  }
0xb2: {  	s29 =	simm.s32 $0x9;
	_ =	strace $0x80000048  }
0xb3: {  	_ =	swait.ge [sflag:s29], $0x1  }
0xb4: {  	[sflag:s29] =	ssyncadd.s32 $0xFFFFFFFF  }
0xb5: {  	_ =	strace $0x90000048  }
0xb6: {  	_ =	sfence  }
0xb7: {  	s30 =	sld [smem:$0x0];
	_ =	sdelay $0x2  }
0xb8: {  	s31 =	sshll.u32 s1, $0xD;
	s1 =	sshrl.u32 s1, $0x2  }
0xb9: {  	s3 =	sand.u32 $0x4000, s31;
	s1 =	sadd.s32 s1, s30  }
0xba: {  	s0 =	sor.u32 s3, s0;
	s1 =	sshll.u32 s1, $0x11  }
0xbb: {  	s0 =	sor.u32 s1, s0  }
0xbc: {  	s0 =	sadd.s32 $0x8F2B, s0  }
0xbd: {  	[sflag:s0] =	ssyncadd.remote.s32 $0x1  }
0xbe: {  	_ =	sfence.sel $0xFFFF  }
0xbf: {  	[dreg:$0x0] =	wrdreg $0xFFFFFFFF;
	(pc) =	sbr.abs _section_cstart, $3  }
0xc0: {  	[dreg:$0x1] =	wrdreg $0xFFFFFFFF  }
0xc1: {  	_ =	task.clear_ibuf [dreg:s7], $0x2FFFF;
	_ =	strace $0x9FFFFFFF  }
0xc2: {  	(tm) =	ssettm $0x7FFFFFFF  }
0xc3: {  	_ =	shalt  }
tec
execute0_lowered:
.L_overlay_start_1:
0x0: {  	(tag) =	ssettag $0x1  }
0x1: {  	s0 =	rddreg [dreg:$0x0]  }
0x2: {  	s2 =	rddreg [dreg:$0x1]  }
0x3: {  	s1 =	srdreg.scid;
	s4 =	stileid.u32  }
0x4: {  	s3 =	simm.s32 $0x0;
	s12 =	simm.s32 $0x5;
	s14 =	simm.s32 $0x40  }
0x5: {  	s15 =	simm.s32 $0x2580;
	s28 =	simm.s32 $0x19580;
	s29 =	simm.s32 $0x24C0  }
0x6: {  	s30 =	simm.s32 $0x19D80;
	s31 =	simm.s32 $0x2500;
	s8 =	simm.s32 $0x1  }
0x7: {  	s11 =	simm.s32 $0x2;
	s16 =	simm.s32 $0x3;
	s17 =	simm.s32 $0x0  }
0x8: {  	s1 =	sand.u32 $0x1, s1;
	s4 =	sshll.u32 s4, $0x1;
	[smem:$0x7FF] =	sst s3  }
0x9: {  	s5 =	sadd.s32 $0xC00, s0;
	s6 =	sadd.s32 $0xF43000, s0;
	s4 =	sor.u32 s1, s4  }
0xa: {  	s0 =	sadd.s32 $0x19C00, s0;
	s1 =	ssub.s32 $0x2, s1;
	s4 =	smul.u32 $0x6400, s4  }
0xb: {  	_ =	strace $0x80000047;
	[dreg:$0x3] =	wrdreg s0;
	s7 =	sshrl.u32 s1, $0x1  }
0xc: {  	s24 =	ssub.s32 s1, s7;
	s7 =	simm.s32 $0x1AD80;
	s25 =	sshrl.u32 s4, $0x3  }
0xd: {  	s9 =	sadd.s32 $0x640, s4;
	s26 =	sadd.s32 $0xC80, s4;
	s0 =	smax.u32 s24, $0x1  }
0xe: {  	s24 =	simm.s32 $0x1F40;
	s1 =	sadd.s32 s5, s25;
	[dreg:$0x5] =	wrdreg s26  }
0xf: {  	[dreg:$0x6] =	wrdreg s0;
	s25 =	simm.s32 $0xED80;
	s26 =	simm.s32 $0x2480  }
0x10: {  	s0 =	simm.s32 $0x1A580;
	[dreg:$0x4] =	wrdreg s1;
	s1 =	simm.s32 $0x2540  }
.LBB2_1:
0x11: {  	[dreg:$0x7] =	wrdreg s17  }
0x12: {  	s10 =	rddreg [dreg:$0x3]  }
0x13: {  	[tilespmem:s3], [sflag:$0x5] =	stream.linear.gather [hbm4b:s10+s3], $0x1900, $0x38;
	[tilespmem:$0x1B580] =	vst v63  }
0x14: {  	_ =	swait.ge [sflag:s12], $0x1900  }
0x15: {  	[sflag:s12] =	ssyncset.done $0x0  }
0x16: {  	s13 =	simm.s32 $0x1900;
	s23 =	rddreg [dreg:$0x4];
	[sflag:s12] =	ssyncadd.s32 $0xFFFFE700  }
0x17: {  	[tilespmem:s13], [sflag:$0x5] =	stream.linear.gather [hbm4b:s23+s3], $0x640, $0x38;
	[tilespmem:$0x1B580] =	vst v63  }
0x18: {  	_ =	swait.ge [sflag:s12], $0x640  }
0x19: {  	[sflag:s12] =	ssyncset.done $0x0  }
0x1a: {  	[sflag:s12] =	ssyncadd.s32 $0xFFFFF9C0  }
0x1b: {  	[tilespmem:s15], [sflag:$0x1] =	stream.indirect.gather [hbm4b:s6+s14], $0x20, s13, s14, $0xb8;
	[tilespmem:$0x1B580] =	vst v63  }
0x1c: {  	s17 =	simm.s32 $0x2D80;
	s13 =	simm.s32 $0x1940  }
0x1d: {  	[tilespmem:s17], [sflag:$0x1] =	stream.indirect.gather [hbm4b:s6+s14], $0x20, s13, s14, $0xb8;
	[tilespmem:$0x1B580] =	vst v63  }
0x1e: {  	s18 =	simm.s32 $0x1980;
	s19 =	simm.s32 $0x3580  }
0x1f: {  	[tilespmem:s19], [sflag:$0x1] =	stream.indirect.gather [hbm4b:s6+s14], $0x20, s18, s14, $0xb8;
	[tilespmem:$0x1B580] =	vst v63  }
0x20: {  	s20 =	simm.s32 $0x19C0;
	s21 =	simm.s32 $0x3D80  }
0x21: {  	[tilespmem:s21], [sflag:$0x1] =	stream.indirect.gather [hbm4b:s6+s14], $0x20, s20, s14, $0xb8;
	[tilespmem:$0x1B580] =	vst v63  }
0x22: {  	s22 =	simm.s32 $0x1A00;
	s23 =	simm.s32 $0x4580  }
0x23: {  	[tilespmem:s23], [sflag:$0x1] =	stream.indirect.gather [hbm4b:s6+s14], $0x20, s22, s14, $0xb8;
	[tilespmem:$0x1B580] =	vst v63  }
0x24: {  	s13 =	simm.s32 $0x1A40;
	s17 =	simm.s32 $0x4D80  }
0x25: {  	[tilespmem:s17], [sflag:$0x1] =	stream.indirect.gather [hbm4b:s6+s14], $0x20, s13, s14, $0xb8;
	[tilespmem:$0x1B580] =	vst v63  }
0x26: {  	s18 =	simm.s32 $0x1A80;
	s19 =	simm.s32 $0x5580  }
0x27: {  	[tilespmem:s19], [sflag:$0x1] =	stream.indirect.gather [hbm4b:s6+s14], $0x20, s18, s14, $0xb8;
	[tilespmem:$0x1B580] =	vst v63  }
0x28: {  	s20 =	simm.s32 $0x1AC0;
	s21 =	simm.s32 $0x5D80  }
0x29: {  	[tilespmem:s21], [sflag:$0x1] =	stream.indirect.gather [hbm4b:s6+s14], $0x20, s20, s14, $0xb8;
	[tilespmem:$0x1B580] =	vst v63  }
0x2a: {  	s22 =	simm.s32 $0x1B00;
	s23 =	simm.s32 $0x6580  }
0x2b: {  	[tilespmem:s23], [sflag:$0x1] =	stream.indirect.gather [hbm4b:s6+s14], $0x20, s22, s14, $0xb8;
	[tilespmem:$0x1B580] =	vst v63  }
0x2c: {  	s13 =	simm.s32 $0x1B40;
	s17 =	simm.s32 $0x6D80  }
0x2d: {  	[tilespmem:s17], [sflag:$0x1] =	stream.indirect.gather [hbm4b:s6+s14], $0x20, s13, s14, $0xb8;
	[tilespmem:$0x1B580] =	vst v63  }
0x2e: {  	s18 =	simm.s32 $0x1B80;
	s19 =	simm.s32 $0x7580  }
0x2f: {  	[tilespmem:s19], [sflag:$0x1] =	stream.indirect.gather [hbm4b:s6+s14], $0x20, s18, s14, $0xb8;
	[tilespmem:$0x1B580] =	vst v63  }
0x30: {  	s20 =	simm.s32 $0x1BC0;
	s21 =	simm.s32 $0x7D80  }
0x31: {  	[tilespmem:s21], [sflag:$0x1] =	stream.indirect.gather [hbm4b:s6+s14], $0x20, s20, s14, $0xb8;
	[tilespmem:$0x1B580] =	vst v63  }
0x32: {  	s22 =	simm.s32 $0x1C00;
	s23 =	simm.s32 $0x8580  }
0x33: {  	[tilespmem:s23], [sflag:$0x1] =	stream.indirect.gather [hbm4b:s6+s14], $0x20, s22, s14, $0xb8;
	[tilespmem:$0x1B580] =	vst v63  }
0x34: {  	s13 =	simm.s32 $0x1C40;
	s17 =	simm.s32 $0x8D80  }
0x35: {  	[tilespmem:s17], [sflag:$0x1] =	stream.indirect.gather [hbm4b:s6+s14], $0x20, s13, s14, $0xb8;
	[tilespmem:$0x1B580] =	vst v63  }
0x36: {  	s18 =	simm.s32 $0x1C80;
	s19 =	simm.s32 $0x9580  }
0x37: {  	[tilespmem:s19], [sflag:$0x1] =	stream.indirect.gather [hbm4b:s6+s14], $0x20, s18, s14, $0xb8;
	[tilespmem:$0x1B580] =	vst v63  }
0x38: {  	s20 =	simm.s32 $0x1CC0;
	s21 =	simm.s32 $0x9D80  }
0x39: {  	[tilespmem:s21], [sflag:$0x1] =	stream.indirect.gather [hbm4b:s6+s14], $0x20, s20, s14, $0xb8;
	[tilespmem:$0x1B580] =	vst v63  }
0x3a: {  	s22 =	simm.s32 $0x1D00;
	s23 =	simm.s32 $0xA580  }
0x3b: {  	[tilespmem:s23], [sflag:$0x1] =	stream.indirect.gather [hbm4b:s6+s14], $0x20, s22, s14, $0xb8;
	[tilespmem:$0x1B580] =	vst v63  }
0x3c: {  	s13 =	simm.s32 $0x1D40;
	s17 =	simm.s32 $0xAD80  }
0x3d: {  	[tilespmem:s17], [sflag:$0x1] =	stream.indirect.gather [hbm4b:s6+s14], $0x20, s13, s14, $0xb8;
	[tilespmem:$0x1B580] =	vst v63  }
0x3e: {  	s18 =	simm.s32 $0x1D80;
	s19 =	simm.s32 $0xB580  }
0x3f: {  	[tilespmem:s19], [sflag:$0x1] =	stream.indirect.gather [hbm4b:s6+s14], $0x20, s18, s14, $0xb8;
	[tilespmem:$0x1B580] =	vst v63  }
0x40: {  	s20 =	simm.s32 $0x1DC0;
	s21 =	simm.s32 $0xBD80  }
0x41: {  	[tilespmem:s21], [sflag:$0x1] =	stream.indirect.gather [hbm4b:s6+s14], $0x20, s20, s14, $0xb8;
	[tilespmem:$0x1B580] =	vst v63  }
0x42: {  	s22 =	simm.s32 $0x1E00;
	s23 =	simm.s32 $0xC580  }
0x43: {  	[tilespmem:s23], [sflag:$0x1] =	stream.indirect.gather [hbm4b:s6+s14], $0x20, s22, s14, $0xb8;
	[tilespmem:$0x1B580] =	vst v63  }
0x44: {  	s13 =	simm.s32 $0x1E40;
	s17 =	simm.s32 $0xCD80  }
0x45: {  	[tilespmem:s17], [sflag:$0x1] =	stream.indirect.gather [hbm4b:s6+s14], $0x20, s13, s14, $0xb8;
	[tilespmem:$0x1B580] =	vst v63  }
0x46: {  	s18 =	simm.s32 $0x1E80;
	s19 =	simm.s32 $0xD580  }
0x47: {  	[tilespmem:s19], [sflag:$0x1] =	stream.indirect.gather [hbm4b:s6+s14], $0x20, s18, s14, $0xb8;
	[tilespmem:$0x1B580] =	vst v63  }
0x48: {  	s20 =	simm.s32 $0x1EC0;
	s21 =	simm.s32 $0xDD80  }
0x49: {  	[tilespmem:s21], [sflag:$0x1] =	stream.indirect.gather [hbm4b:s6+s14], $0x20, s20, s14, $0xb8;
	[tilespmem:$0x1B580] =	vst v63  }
0x4a: {  	s22 =	simm.s32 $0x1F00;
	s23 =	simm.s32 $0xE580;
	s17 =	simm.s32 $0x0  }
0x4b: {  	[tilespmem:s23], [sflag:$0x1] =	stream.indirect.gather [hbm4b:s6+s14], $0x20, s22, s14, $0xb8;
	[tilespmem:$0x1B580] =	vst v63  }
.LBB2_2:
0x4c: {  	p0 =	seq.s32 s17, $0x0;
	s19 =	smul.u32 $0xC80, s17  }
0x4d: {  	s10 =	simm.s32 @!p0 $0x4  }
0x4e: {  	_ =	swait.ge @!p0 [sflag:s10], $0xC800;
	s18 =	sadd.s32 s19, s9  }
0x4f: {  	[sflag:s10] =	ssyncset.done @!p0 $0x0;
	s20 =	sshrl.u32 s18, $0x3  }
0x50: {  	[sflag:s10] =	ssyncadd.s32 @!p0 $0xFFFF3800;
	s13 =	sadd.s32 s5, s20;
	s20 =	simm.s32 $0x0  }
0x51: {  	[tilespmem:s24], [sflag:$0x5] =	stream.linear.gather [hbm4b:s13+s20], $0x640, $0x38;
	[tilespmem:$0x1B580] =	vst v63  }
0x52: {  	_ =	swait.ge [sflag:s12], $0x640  }
0x53: {  	[sflag:s12] =	ssyncset.done $0x0  }
0x54: {  	[sflag:s12] =	ssyncadd.s32 $0xFFFFF9C0  }
0x55: {  	[tilespmem:s25], [sflag:$0x2] =	stream.indirect.gather [hbm4b:s6+s14], $0x20, s24, s14, $0xb8;
	[tilespmem:$0x1B580] =	vst v63  }
0x56: {  	s21 =	simm.s32 $0x1F80;
	s13 =	simm.s32 $0xF580  }
0x57: {  	[tilespmem:s13], [sflag:$0x2] =	stream.indirect.gather [hbm4b:s6+s14], $0x20, s21, s14, $0xb8;
	[tilespmem:$0x1B580] =	vst v63  }
0x58: {  	s22 =	simm.s32 $0x1FC0;
	s23 =	simm.s32 $0xFD80  }
0x59: {  	[tilespmem:s23], [sflag:$0x2] =	stream.indirect.gather [hbm4b:s6+s14], $0x20, s22, s14, $0xb8;
	[tilespmem:$0x1B580] =	vst v63  }
0x5a: {  	s13 =	simm.s32 $0x2000;
	s21 =	simm.s32 $0x10580  }
0x5b: {  	[tilespmem:s21], [sflag:$0x2] =	stream.indirect.gather [hbm4b:s6+s14], $0x20, s13, s14, $0xb8;
	[tilespmem:$0x1B580] =	vst v63  }
0x5c: {  	s22 =	simm.s32 $0x2040;
	s23 =	simm.s32 $0x10D80  }
0x5d: {  	[tilespmem:s23], [sflag:$0x2] =	stream.indirect.gather [hbm4b:s6+s14], $0x20, s22, s14, $0xb8;
	[tilespmem:$0x1B580] =	vst v63  }
0x5e: {  	s13 =	simm.s32 $0x2080;
	s21 =	simm.s32 $0x11580  }
0x5f: {  	[tilespmem:s21], [sflag:$0x2] =	stream.indirect.gather [hbm4b:s6+s14], $0x20, s13, s14, $0xb8;
	[tilespmem:$0x1B580] =	vst v63  }
0x60: {  	s22 =	simm.s32 $0x20C0;
	s23 =	simm.s32 $0x11D80  }
0x61: {  	[tilespmem:s23], [sflag:$0x2] =	stream.indirect.gather [hbm4b:s6+s14], $0x20, s22, s14, $0xb8;
	[tilespmem:$0x1B580] =	vst v63  }
0x62: {  	s13 =	simm.s32 $0x2100;
	s21 =	simm.s32 $0x12580  }
0x63: {  	[tilespmem:s21], [sflag:$0x2] =	stream.indirect.gather [hbm4b:s6+s14], $0x20, s13, s14, $0xb8;
	[tilespmem:$0x1B580] =	vst v63  }
0x64: {  	s22 =	simm.s32 $0x2140;
	s23 =	simm.s32 $0x12D80  }
0x65: {  	[tilespmem:s23], [sflag:$0x2] =	stream.indirect.gather [hbm4b:s6+s14], $0x20, s22, s14, $0xb8;
	[tilespmem:$0x1B580] =	vst v63  }
0x66: {  	s13 =	simm.s32 $0x2180;
	s21 =	simm.s32 $0x13580  }
0x67: {  	[tilespmem:s21], [sflag:$0x2] =	stream.indirect.gather [hbm4b:s6+s14], $0x20, s13, s14, $0xb8;
	[tilespmem:$0x1B580] =	vst v63  }
0x68: {  	s22 =	simm.s32 $0x21C0;
	s23 =	simm.s32 $0x13D80  }
0x69: {  	[tilespmem:s23], [sflag:$0x2] =	stream.indirect.gather [hbm4b:s6+s14], $0x20, s22, s14, $0xb8;
	[tilespmem:$0x1B580] =	vst v63  }
0x6a: {  	s13 =	simm.s32 $0x2200;
	s21 =	simm.s32 $0x14580  }
0x6b: {  	[tilespmem:s21], [sflag:$0x2] =	stream.indirect.gather [hbm4b:s6+s14], $0x20, s13, s14, $0xb8;
	[tilespmem:$0x1B580] =	vst v63  }
0x6c: {  	s22 =	simm.s32 $0x2240;
	s23 =	simm.s32 $0x14D80  }
0x6d: {  	[tilespmem:s23], [sflag:$0x2] =	stream.indirect.gather [hbm4b:s6+s14], $0x20, s22, s14, $0xb8;
	[tilespmem:$0x1B580] =	vst v63  }
0x6e: {  	s13 =	simm.s32 $0x2280;
	s21 =	simm.s32 $0x15580  }
0x6f: {  	[tilespmem:s21], [sflag:$0x2] =	stream.indirect.gather [hbm4b:s6+s14], $0x20, s13, s14, $0xb8;
	[tilespmem:$0x1B580] =	vst v63  }
0x70: {  	s22 =	simm.s32 $0x22C0;
	s23 =	simm.s32 $0x15D80  }
0x71: {  	[tilespmem:s23], [sflag:$0x2] =	stream.indirect.gather [hbm4b:s6+s14], $0x20, s22, s14, $0xb8;
	[tilespmem:$0x1B580] =	vst v63  }
0x72: {  	s13 =	simm.s32 $0x2300;
	s21 =	simm.s32 $0x16580  }
0x73: {  	[tilespmem:s21], [sflag:$0x2] =	stream.indirect.gather [hbm4b:s6+s14], $0x20, s13, s14, $0xb8;
	[tilespmem:$0x1B580] =	vst v63  }
0x74: {  	s22 =	simm.s32 $0x2340;
	s23 =	simm.s32 $0x16D80  }
0x75: {  	[tilespmem:s23], [sflag:$0x2] =	stream.indirect.gather [hbm4b:s6+s14], $0x20, s22, s14, $0xb8;
	[tilespmem:$0x1B580] =	vst v63  }
0x76: {  	s13 =	simm.s32 $0x2380;
	s21 =	simm.s32 $0x17580  }
0x77: {  	[tilespmem:s21], [sflag:$0x2] =	stream.indirect.gather [hbm4b:s6+s14], $0x20, s13, s14, $0xb8;
	[tilespmem:$0x1B580] =	vst v63  }
0x78: {  	s22 =	simm.s32 $0x23C0;
	s23 =	simm.s32 $0x17D80  }
0x79: {  	[tilespmem:s23], [sflag:$0x2] =	stream.indirect.gather [hbm4b:s6+s14], $0x20, s22, s14, $0xb8;
	[tilespmem:$0x1B580] =	vst v63  }
0x7a: {  	s13 =	simm.s32 $0x2400;
	s21 =	simm.s32 $0x18580  }
0x7b: {  	[tilespmem:s21], [sflag:$0x2] =	stream.indirect.gather [hbm4b:s6+s14], $0x20, s13, s14, $0xb8;
	[tilespmem:$0x1B580] =	vst v63  }
0x7c: {  	s22 =	simm.s32 $0x2440;
	s23 =	simm.s32 $0x18D80  }
0x7d: {  	[tilespmem:s23], [sflag:$0x2] =	stream.indirect.gather [hbm4b:s6+s14], $0x20, s22, s14, $0xb8;
	[tilespmem:$0x1B580] =	vst v63  }
0x7e: {  	_ = 	snop  }
0x7f: {  	[tilespmem:s28], [sflag:$0x2] =	stream.indirect.gather [hbm4b:s6+s14], $0x20, s26, s14, $0xb8;
	[tilespmem:$0x1B580] =	vst v63  }
0x80: {  	_ = 	snop  }
0x81: {  	[tilespmem:s30], [sflag:$0x2] =	stream.indirect.gather [hbm4b:s6+s14], $0x20, s29, s14, $0xb8;
	[tilespmem:$0x1B580] =	vst v63  }
0x82: {  	_ = 	snop  }
0x83: {  	[tilespmem:s0], [sflag:$0x2] =	stream.indirect.gather [hbm4b:s6+s14], $0x20, s31, s14, $0xb8;
	[tilespmem:$0x1B580] =	vst v63  }
0x84: {  	_ = 	snop  }
0x85: {  	[tilespmem:s7], [sflag:$0x2] =	stream.indirect.gather [hbm4b:s6+s14], $0x20, s1, s14, $0xb8;
	[tilespmem:$0x1B580] =	vst v63  }
0x86: {  	_ =	swait.ge [sflag:s8], $0x800  }
0x87: {  	[sflag:s8] =	ssyncset.done $0x0  }
0x88: {  	[sflag:s8] =	ssyncadd.s32 $0xFFFFF800  }
0x89: {  	_ =	swait.ge [sflag:s8], $0x800  }
0x8a: {  	[sflag:s8] =	ssyncset.done $0x0  }
0x8b: {  	[sflag:s8] =	ssyncadd.s32 $0xFFFFF800  }
0x8c: {  	_ =	swait.ge [sflag:s8], $0x800  }
0x8d: {  	[sflag:s8] =	ssyncset.done $0x0  }
0x8e: {  	[sflag:s8] =	ssyncadd.s32 $0xFFFFF800  }
0x8f: {  	_ =	swait.ge [sflag:s8], $0x800  }
0x90: {  	[sflag:s8] =	ssyncset.done $0x0  }
0x91: {  	[sflag:s8] =	ssyncadd.s32 $0xFFFFF800  }
0x92: {  	_ =	swait.ge [sflag:s8], $0x800  }
0x93: {  	[sflag:s8] =	ssyncset.done $0x0  }
0x94: {  	[sflag:s8] =	ssyncadd.s32 $0xFFFFF800  }
0x95: {  	_ =	swait.ge [sflag:s8], $0x800  }
0x96: {  	[sflag:s8] =	ssyncset.done $0x0  }
0x97: {  	[sflag:s8] =	ssyncadd.s32 $0xFFFFF800  }
0x98: {  	_ =	swait.ge [sflag:s8], $0x800  }
0x99: {  	[sflag:s8] =	ssyncset.done $0x0  }
0x9a: {  	[sflag:s8] =	ssyncadd.s32 $0xFFFFF800  }
0x9b: {  	_ =	swait.ge [sflag:s8], $0x800  }
0x9c: {  	[sflag:s8] =	ssyncset.done $0x0  }
0x9d: {  	[sflag:s8] =	ssyncadd.s32 $0xFFFFF800  }
0x9e: {  	_ =	swait.ge [sflag:s8], $0x800  }
0x9f: {  	[sflag:s8] =	ssyncset.done $0x0  }
0xa0: {  	[sflag:s8] =	ssyncadd.s32 $0xFFFFF800  }
0xa1: {  	_ =	swait.ge [sflag:s8], $0x800  }
0xa2: {  	[sflag:s8] =	ssyncset.done $0x0  }
0xa3: {  	[sflag:s8] =	ssyncadd.s32 $0xFFFFF800  }
0xa4: {  	_ =	swait.ge [sflag:s8], $0x800  }
0xa5: {  	[sflag:s8] =	ssyncset.done $0x0  }
0xa6: {  	[sflag:s8] =	ssyncadd.s32 $0xFFFFF800  }
0xa7: {  	_ =	swait.ge [sflag:s8], $0x800  }
0xa8: {  	[sflag:s8] =	ssyncset.done $0x0  }
0xa9: {  	[sflag:s8] =	ssyncadd.s32 $0xFFFFF800  }
0xaa: {  	_ =	swait.ge [sflag:s8], $0x800  }
0xab: {  	[sflag:s8] =	ssyncset.done $0x0  }
0xac: {  	[sflag:s8] =	ssyncadd.s32 $0xFFFFF800  }
0xad: {  	_ =	swait.ge [sflag:s8], $0x800  }
0xae: {  	[sflag:s8] =	ssyncset.done $0x0  }
0xaf: {  	[sflag:s8] =	ssyncadd.s32 $0xFFFFF800  }
0xb0: {  	_ =	swait.ge [sflag:s8], $0x800  }
0xb1: {  	[sflag:s8] =	ssyncset.done $0x0  }
0xb2: {  	[sflag:s8] =	ssyncadd.s32 $0xFFFFF800  }
0xb3: {  	_ =	swait.ge [sflag:s8], $0x800  }
0xb4: {  	[sflag:s8] =	ssyncset.done $0x0  }
0xb5: {  	[sflag:s8] =	ssyncadd.s32 $0xFFFFF800  }
0xb6: {  	_ =	swait.ge [sflag:s8], $0x800  }
0xb7: {  	[sflag:s8] =	ssyncset.done $0x0  }
0xb8: {  	[sflag:s8] =	ssyncadd.s32 $0xFFFFF800  }
0xb9: {  	_ =	swait.ge [sflag:s8], $0x800  }
0xba: {  	[sflag:s8] =	ssyncset.done $0x0  }
0xbb: {  	[sflag:s8] =	ssyncadd.s32 $0xFFFFF800  }
0xbc: {  	_ =	swait.ge [sflag:s8], $0x800  }
0xbd: {  	[sflag:s8] =	ssyncset.done $0x0  }
0xbe: {  	[sflag:s8] =	ssyncadd.s32 $0xFFFFF800  }
0xbf: {  	_ =	swait.ge [sflag:s8], $0x800  }
0xc0: {  	[sflag:s8] =	ssyncset.done $0x0  }
0xc1: {  	[sflag:s8] =	ssyncadd.s32 $0xFFFFF800  }
0xc2: {  	_ =	swait.ge [sflag:s8], $0x800  }
0xc3: {  	[sflag:s8] =	ssyncset.done $0x0  }
0xc4: {  	[sflag:s8] =	ssyncadd.s32 $0xFFFFF800  }
0xc5: {  	_ =	swait.ge [sflag:s8], $0x800  }
0xc6: {  	[sflag:s8] =	ssyncset.done $0x0  }
0xc7: {  	[sflag:s8] =	ssyncadd.s32 $0xFFFFF800  }
0xc8: {  	_ =	swait.ge [sflag:s8], $0x800  }
0xc9: {  	[sflag:s8] =	ssyncset.done $0x0  }
0xca: {  	[sflag:s8] =	ssyncadd.s32 $0xFFFFF800  }
0xcb: {  	_ =	swait.ge [sflag:s8], $0x800  }
0xcc: {  	[sflag:s8] =	ssyncset.done $0x0  }
0xcd: {  	[sflag:s8] =	ssyncadd.s32 $0xFFFFF800  }
0xce: {  	_ =	swait.ge [sflag:s8], $0x800  }
0xcf: {  	[sflag:s8] =	ssyncset.done $0x0  }
0xd0: {  	s21 =	simm.s32 $0x2580;
	[sflag:s8] =	ssyncadd.s32 $0xFFFFF800  }
.LBB2_3:
0xd1: {  	s10 =	simm.s32 $0x0  }
0xd2: {  	v0 =	vld [tilespmem:s10+$0xE0]  }
0xd3: {  	v1 =	vld [tilespmem:s10+$0x0]  }
0xd4: {  	v2 =	vld [tilespmem:s10+$0x20]  }
0xd5: {  	v3 =	vld [tilespmem:s10+$0x40]  }
0xd6: {  	v4 =	vld [tilespmem:s10+$0x60]  }
0xd7: {  	v5 =	vld [tilespmem:s10+$0x80]  }
0xd8: {  	v6 =	vld [tilespmem:s10+$0xA0]  }
0xd9: {  	s22 =	sadd.s32 $0x0, s21;
	v7 =	vld [tilespmem:s10+$0xC0]  }
0xda: {  	[tilespmem:s22+$0xE0] =	vst.add.f32.msk $0xffff, v0  }
0xdb: {  	[tilespmem:s22+$0x0] =	vst.add.f32.msk $0xffff, v1  }
0xdc: {  	[tilespmem:s22+$0x20] =	vst.add.f32.msk $0xffff, v2  }
0xdd: {  	[tilespmem:s22+$0x40] =	vst.add.f32.msk $0xffff, v3  }
0xde: {  	[tilespmem:s22+$0x60] =	vst.add.f32.msk $0xffff, v4  }
0xdf: {  	[tilespmem:s22+$0x80] =	vst.add.f32.msk $0xffff, v5  }
0xe0: {  	[tilespmem:s22+$0xA0] =	vst.add.f32.msk $0xffff, v6  }
0xe1: {  	[tilespmem:s22+$0xC0] =	vst.add.f32.msk $0xffff, v7  }
0xe2: {  	v0 =	vld [tilespmem:s10+$0xF0]  }
0xe3: {  	v1 =	vld [tilespmem:s10+$0x10]  }
0xe4: {  	v2 =	vld [tilespmem:s10+$0x30]  }
0xe5: {  	v3 =	vld [tilespmem:s10+$0x50]  }
0xe6: {  	v4 =	vld [tilespmem:s10+$0x70]  }
0xe7: {  	v5 =	vld [tilespmem:s10+$0x90]  }
0xe8: {  	v6 =	vld [tilespmem:s10+$0xB0]  }
0xe9: {  	[tilespmem:s22+$0xF0] =	vst.add.f32.msk $0xffff, v0  }
0xea: {  	v0 =	vld [tilespmem:s10+$0xD0]  }
0xeb: {  	[tilespmem:s22+$0x10] =	vst.add.f32.msk $0xffff, v1  }
0xec: {  	[tilespmem:s22+$0x30] =	vst.add.f32.msk $0xffff, v2  }
0xed: {  	[tilespmem:s22+$0x50] =	vst.add.f32.msk $0xffff, v3  }
0xee: {  	[tilespmem:s22+$0x70] =	vst.add.f32.msk $0xffff, v4  }
0xef: {  	[tilespmem:s22+$0x90] =	vst.add.f32.msk $0xffff, v5  }
0xf0: {  	s23 =	simm.s32 $0x0;
	[tilespmem:s22+$0xB0] =	vst.add.f32.msk $0xffff, v6;
	s10 =	simm.s32 $0x400  }
.LBB2_4:
0xf1: {  	s13 =	sshra.s32 s10, $0x2;
	s23 =	sadd.s32 $0x8, s23;
	[tilespmem:s22+$0xD0] =	vst.add.f32.msk $0xffff, v0  }
0xf2: {  	v0 =	vld [tilespmem:s13+$0xE0];
	p0 =	slt.u32 s23, $0xC0  }
0xf3: {  	v1 =	vld [tilespmem:s13+$0x0]  }
0xf4: {  	v2 =	vld [tilespmem:s13+$0x20]  }
0xf5: {  	v3 =	vld [tilespmem:s13+$0x40]  }
0xf6: {  	s22 =	sadd.s32 s13, s21;
	v4 =	vld [tilespmem:s13+$0x60]  }
0xf7: {  	[tilespmem:s22+$0xE0] =	vst.add.f32.msk $0xffff, v0  }
0xf8: {  	v0 =	vld [tilespmem:s13+$0xF0]  }
0xf9: {  	v5 =	vld [tilespmem:s13+$0x80]  }
0xfa: {  	v6 =	vld [tilespmem:s13+$0xA0]  }
0xfb: {  	v7 =	vld [tilespmem:s13+$0xC0]  }
0xfc: {  	[tilespmem:s22+$0x0] =	vst.add.f32.msk $0xffff, v1  }
0xfd: {  	[tilespmem:s22+$0xF0] =	vst.add.f32.msk $0xffff, v0  }
0xfe: {  	[tilespmem:s22+$0x20] =	vst.add.f32.msk $0xffff, v2  }
0xff: {  	[tilespmem:s22+$0x40] =	vst.add.f32.msk $0xffff, v3  }
0x100: {  	[tilespmem:s22+$0x60] =	vst.add.f32.msk $0xffff, v4  }
0x101: {  	[tilespmem:s22+$0x80] =	vst.add.f32.msk $0xffff, v5  }
0x102: {  	[tilespmem:s22+$0xA0] =	vst.add.f32.msk $0xffff, v6  }
0x103: {  	[tilespmem:s22+$0xC0] =	vst.add.f32.msk $0xffff, v7  }
0x104: {  	v1 =	vld [tilespmem:s13+$0x10]  }
0x105: {  	v2 =	vld [tilespmem:s13+$0x30]  }
0x106: {  	v3 =	vld [tilespmem:s13+$0x50]  }
0x107: {  	v4 =	vld [tilespmem:s13+$0x70]  }
0x108: {  	v5 =	vld [tilespmem:s13+$0x90]  }
0x109: {  	v6 =	vld [tilespmem:s13+$0xB0]  }
0x10a: {  	v0 =	vld [tilespmem:s13+$0xD0]  }
0x10b: {  	[tilespmem:s22+$0x10] =	vst.add.f32.msk $0xffff, v1  }
.Ltmp0:
0x10c: {  	[tilespmem:s22+$0x30] =	vst.add.f32.msk $0xffff, v2;
	(pc) =	sbr.rel @p0 .LBB2_4-.Ltmp0, $4  }
0x10d: {  	[tilespmem:s22+$0x50] =	vst.add.f32.msk $0xffff, v3  }
0x10e: {  	[tilespmem:s22+$0x70] =	vst.add.f32.msk $0xffff, v4  }
0x10f: {  	[tilespmem:s22+$0x90] =	vst.add.f32.msk $0xffff, v5  }
0x110: {  	s10 =	sadd.s32 $0x400, s10;
	[tilespmem:s22+$0xB0] =	vst.add.f32.msk $0xffff, v6  }
0x111: {  	s20 =	sadd.s32 $0x1, s20  }
0x112: {  	p0 =	sne.s32 s20, $0x8  }
.Ltmp1:
0x113: {  	_ = 	snop;
	(pc) =	sbr.rel @p0 .LBB2_3-.Ltmp1, $2  }
0x114: {  	_ =	sdelay $0x2  }
0x115: {  	[tilespmem:s22+$0xD0] =	vst.add.f32.msk $0xffff, v0;
	s21 =	sadd.s32 $0x1900, s21  }
0x116: {  	p0 =	seq.s32 s17, $0x7  }
.Ltmp2:
0x117: {  	_ = 	snop;
	(pc) =	sbr.rel @p0 .LBB2_8-.Ltmp2, $4  }
0x118: {  	s10 =	sadd.s32 s4, s19  }
0x119: {  	s10 =	sshll.u32 s10, $0x2  }
0x11a: {  	s10 =	sadd.s32 s2, s10  }
0x11b: {  	[hbm4b:s10+s3] =	stream.linear.scatter [tilespmem:s15], [sflag:$0x3], $0xC800, $0x38;
	[tilespmem:$0x1B580] =	vst v63  }
0x11c: {  	_ =	swait.ge [sflag:s16], $0xC800  }
0x11d: {  	s10 =	rddreg [dreg:$0x5]  }
0x11e: {  	s10 =	sadd.s32 s19, s10  }
0x11f: {  	[sflag:s16] =	ssyncset.done $0x0;
	s10 =	sshrl.u32 s10, $0x3  }
0x120: {  	s13 =	simm.s32 $0x1900;
	[sflag:s16] =	ssyncadd.s32 $0xFFFF3800;
	s10 =	sadd.s32 s5, s10  }
0x121: {  	[tilespmem:s13], [sflag:$0x5] =	stream.linear.gather [hbm4b:s10+s3], $0x640, $0x38;
	[tilespmem:$0x1B580] =	vst v63  }
0x122: {  	_ =	swait.ge [sflag:s12], $0x640  }
0x123: {  	[sflag:s12] =	ssyncset.done $0x0  }
0x124: {  	[sflag:s12] =	ssyncadd.s32 $0xFFFFF9C0  }
0x125: {  	[tilespmem:s15], [sflag:$0x1] =	stream.indirect.gather [hbm4b:s6+s14], $0x20, s13, s14, $0xb8;
	[tilespmem:$0x1B580] =	vst v63  }
0x126: {  	s19 =	simm.s32 $0x2D80;
	s13 =	simm.s32 $0x1940  }
0x127: {  	[tilespmem:s19], [sflag:$0x1] =	stream.indirect.gather [hbm4b:s6+s14], $0x20, s13, s14, $0xb8;
	[tilespmem:$0x1B580] =	vst v63  }
0x128: {  	s20 =	simm.s32 $0x1980;
	s21 =	simm.s32 $0x3580  }
0x129: {  	[tilespmem:s21], [sflag:$0x1] =	stream.indirect.gather [hbm4b:s6+s14], $0x20, s20, s14, $0xb8;
	[tilespmem:$0x1B580] =	vst v63  }
0x12a: {  	s22 =	simm.s32 $0x19C0;
	s23 =	simm.s32 $0x3D80  }
0x12b: {  	[tilespmem:s23], [sflag:$0x1] =	stream.indirect.gather [hbm4b:s6+s14], $0x20, s22, s14, $0xb8;
	[tilespmem:$0x1B580] =	vst v63  }
0x12c: {  	s13 =	simm.s32 $0x1A00;
	s19 =	simm.s32 $0x4580  }
0x12d: {  	[tilespmem:s19], [sflag:$0x1] =	stream.indirect.gather [hbm4b:s6+s14], $0x20, s13, s14, $0xb8;
	[tilespmem:$0x1B580] =	vst v63  }
0x12e: {  	s20 =	simm.s32 $0x1A40;
	s21 =	simm.s32 $0x4D80  }
0x12f: {  	[tilespmem:s21], [sflag:$0x1] =	stream.indirect.gather [hbm4b:s6+s14], $0x20, s20, s14, $0xb8;
	[tilespmem:$0x1B580] =	vst v63  }
0x130: {  	s22 =	simm.s32 $0x1A80;
	s23 =	simm.s32 $0x5580  }
0x131: {  	[tilespmem:s23], [sflag:$0x1] =	stream.indirect.gather [hbm4b:s6+s14], $0x20, s22, s14, $0xb8;
	[tilespmem:$0x1B580] =	vst v63  }
0x132: {  	s13 =	simm.s32 $0x1AC0;
	s19 =	simm.s32 $0x5D80  }
0x133: {  	[tilespmem:s19], [sflag:$0x1] =	stream.indirect.gather [hbm4b:s6+s14], $0x20, s13, s14, $0xb8;
	[tilespmem:$0x1B580] =	vst v63  }
0x134: {  	s20 =	simm.s32 $0x1B00;
	s21 =	simm.s32 $0x6580  }
0x135: {  	[tilespmem:s21], [sflag:$0x1] =	stream.indirect.gather [hbm4b:s6+s14], $0x20, s20, s14, $0xb8;
	[tilespmem:$0x1B580] =	vst v63  }
0x136: {  	s22 =	simm.s32 $0x1B40;
	s23 =	simm.s32 $0x6D80  }
0x137: {  	[tilespmem:s23], [sflag:$0x1] =	stream.indirect.gather [hbm4b:s6+s14], $0x20, s22, s14, $0xb8;
	[tilespmem:$0x1B580] =	vst v63  }
0x138: {  	s13 =	simm.s32 $0x1B80;
	s19 =	simm.s32 $0x7580  }
0x139: {  	[tilespmem:s19], [sflag:$0x1] =	stream.indirect.gather [hbm4b:s6+s14], $0x20, s13, s14, $0xb8;
	[tilespmem:$0x1B580] =	vst v63  }
0x13a: {  	s20 =	simm.s32 $0x1BC0;
	s21 =	simm.s32 $0x7D80  }
0x13b: {  	[tilespmem:s21], [sflag:$0x1] =	stream.indirect.gather [hbm4b:s6+s14], $0x20, s20, s14, $0xb8;
	[tilespmem:$0x1B580] =	vst v63  }
0x13c: {  	s22 =	simm.s32 $0x1C00;
	s23 =	simm.s32 $0x8580  }
0x13d: {  	[tilespmem:s23], [sflag:$0x1] =	stream.indirect.gather [hbm4b:s6+s14], $0x20, s22, s14, $0xb8;
	[tilespmem:$0x1B580] =	vst v63  }
0x13e: {  	s13 =	simm.s32 $0x1C40;
	s19 =	simm.s32 $0x8D80  }
0x13f: {  	[tilespmem:s19], [sflag:$0x1] =	stream.indirect.gather [hbm4b:s6+s14], $0x20, s13, s14, $0xb8;
	[tilespmem:$0x1B580] =	vst v63  }
0x140: {  	s20 =	simm.s32 $0x1C80;
	s21 =	simm.s32 $0x9580  }
0x141: {  	[tilespmem:s21], [sflag:$0x1] =	stream.indirect.gather [hbm4b:s6+s14], $0x20, s20, s14, $0xb8;
	[tilespmem:$0x1B580] =	vst v63  }
0x142: {  	s22 =	simm.s32 $0x1CC0;
	s23 =	simm.s32 $0x9D80  }
0x143: {  	[tilespmem:s23], [sflag:$0x1] =	stream.indirect.gather [hbm4b:s6+s14], $0x20, s22, s14, $0xb8;
	[tilespmem:$0x1B580] =	vst v63  }
0x144: {  	s13 =	simm.s32 $0x1D00;
	s19 =	simm.s32 $0xA580  }
0x145: {  	[tilespmem:s19], [sflag:$0x1] =	stream.indirect.gather [hbm4b:s6+s14], $0x20, s13, s14, $0xb8;
	[tilespmem:$0x1B580] =	vst v63  }
0x146: {  	s20 =	simm.s32 $0x1D40;
	s21 =	simm.s32 $0xAD80  }
0x147: {  	[tilespmem:s21], [sflag:$0x1] =	stream.indirect.gather [hbm4b:s6+s14], $0x20, s20, s14, $0xb8;
	[tilespmem:$0x1B580] =	vst v63  }
0x148: {  	s22 =	simm.s32 $0x1D80;
	s23 =	simm.s32 $0xB580  }
0x149: {  	[tilespmem:s23], [sflag:$0x1] =	stream.indirect.gather [hbm4b:s6+s14], $0x20, s22, s14, $0xb8;
	[tilespmem:$0x1B580] =	vst v63  }
0x14a: {  	s13 =	simm.s32 $0x1DC0;
	s19 =	simm.s32 $0xBD80  }
0x14b: {  	[tilespmem:s19], [sflag:$0x1] =	stream.indirect.gather [hbm4b:s6+s14], $0x20, s13, s14, $0xb8;
	[tilespmem:$0x1B580] =	vst v63  }
0x14c: {  	s20 =	simm.s32 $0x1E00;
	s21 =	simm.s32 $0xC580  }
0x14d: {  	[tilespmem:s21], [sflag:$0x1] =	stream.indirect.gather [hbm4b:s6+s14], $0x20, s20, s14, $0xb8;
	[tilespmem:$0x1B580] =	vst v63  }
0x14e: {  	s22 =	simm.s32 $0x1E40;
	s23 =	simm.s32 $0xCD80  }
0x14f: {  	[tilespmem:s23], [sflag:$0x1] =	stream.indirect.gather [hbm4b:s6+s14], $0x20, s22, s14, $0xb8;
	[tilespmem:$0x1B580] =	vst v63  }
0x150: {  	s13 =	simm.s32 $0x1E80;
	s19 =	simm.s32 $0xD580  }
0x151: {  	[tilespmem:s19], [sflag:$0x1] =	stream.indirect.gather [hbm4b:s6+s14], $0x20, s13, s14, $0xb8;
	[tilespmem:$0x1B580] =	vst v63  }
0x152: {  	s20 =	simm.s32 $0x1EC0;
	s21 =	simm.s32 $0xDD80  }
0x153: {  	[tilespmem:s21], [sflag:$0x1] =	stream.indirect.gather [hbm4b:s6+s14], $0x20, s20, s14, $0xb8;
	[tilespmem:$0x1B580] =	vst v63  }
0x154: {  	s22 =	simm.s32 $0x1F00;
	s23 =	simm.s32 $0xE580  }
0x155: {  	[tilespmem:s23], [sflag:$0x1] =	stream.indirect.gather [hbm4b:s6+s14], $0x20, s22, s14, $0xb8;
	[tilespmem:$0x1B580] =	vst v63  }
.LBB2_8:
0x156: {  	_ =	swait.ge [sflag:s11], $0x800  }
0x157: {  	[sflag:s11] =	ssyncset.done $0x0  }
0x158: {  	[sflag:s11] =	ssyncadd.s32 $0xFFFFF800  }
0x159: {  	_ =	swait.ge [sflag:s11], $0x800  }
0x15a: {  	[sflag:s11] =	ssyncset.done $0x0  }
0x15b: {  	[sflag:s11] =	ssyncadd.s32 $0xFFFFF800  }
0x15c: {  	_ =	swait.ge [sflag:s11], $0x800  }
0x15d: {  	[sflag:s11] =	ssyncset.done $0x0  }
0x15e: {  	[sflag:s11] =	ssyncadd.s32 $0xFFFFF800  }
0x15f: {  	_ =	swait.ge [sflag:s11], $0x800  }
0x160: {  	[sflag:s11] =	ssyncset.done $0x0  }
0x161: {  	[sflag:s11] =	ssyncadd.s32 $0xFFFFF800  }
0x162: {  	_ =	swait.ge [sflag:s11], $0x800  }
0x163: {  	[sflag:s11] =	ssyncset.done $0x0  }
0x164: {  	[sflag:s11] =	ssyncadd.s32 $0xFFFFF800  }
0x165: {  	_ =	swait.ge [sflag:s11], $0x800  }
0x166: {  	[sflag:s11] =	ssyncset.done $0x0  }
0x167: {  	[sflag:s11] =	ssyncadd.s32 $0xFFFFF800  }
0x168: {  	_ =	swait.ge [sflag:s11], $0x800  }
0x169: {  	[sflag:s11] =	ssyncset.done $0x0  }
0x16a: {  	[sflag:s11] =	ssyncadd.s32 $0xFFFFF800  }
0x16b: {  	_ =	swait.ge [sflag:s11], $0x800  }
0x16c: {  	[sflag:s11] =	ssyncset.done $0x0  }
0x16d: {  	[sflag:s11] =	ssyncadd.s32 $0xFFFFF800  }
0x16e: {  	_ =	swait.ge [sflag:s11], $0x800  }
0x16f: {  	[sflag:s11] =	ssyncset.done $0x0  }
0x170: {  	[sflag:s11] =	ssyncadd.s32 $0xFFFFF800  }
0x171: {  	_ =	swait.ge [sflag:s11], $0x800  }
0x172: {  	[sflag:s11] =	ssyncset.done $0x0  }
0x173: {  	[sflag:s11] =	ssyncadd.s32 $0xFFFFF800  }
0x174: {  	_ =	swait.ge [sflag:s11], $0x800  }
0x175: {  	[sflag:s11] =	ssyncset.done $0x0  }
0x176: {  	[sflag:s11] =	ssyncadd.s32 $0xFFFFF800  }
0x177: {  	_ =	swait.ge [sflag:s11], $0x800  }
0x178: {  	[sflag:s11] =	ssyncset.done $0x0  }
0x179: {  	[sflag:s11] =	ssyncadd.s32 $0xFFFFF800  }
0x17a: {  	_ =	swait.ge [sflag:s11], $0x800  }
0x17b: {  	[sflag:s11] =	ssyncset.done $0x0  }
0x17c: {  	[sflag:s11] =	ssyncadd.s32 $0xFFFFF800  }
0x17d: {  	_ =	swait.ge [sflag:s11], $0x800  }
0x17e: {  	[sflag:s11] =	ssyncset.done $0x0  }
0x17f: {  	[sflag:s11] =	ssyncadd.s32 $0xFFFFF800  }
0x180: {  	_ =	swait.ge [sflag:s11], $0x800  }
0x181: {  	[sflag:s11] =	ssyncset.done $0x0  }
0x182: {  	[sflag:s11] =	ssyncadd.s32 $0xFFFFF800  }
0x183: {  	_ =	swait.ge [sflag:s11], $0x800  }
0x184: {  	[sflag:s11] =	ssyncset.done $0x0  }
0x185: {  	[sflag:s11] =	ssyncadd.s32 $0xFFFFF800  }
0x186: {  	_ =	swait.ge [sflag:s11], $0x800  }
0x187: {  	[sflag:s11] =	ssyncset.done $0x0  }
0x188: {  	[sflag:s11] =	ssyncadd.s32 $0xFFFFF800  }
0x189: {  	_ =	swait.ge [sflag:s11], $0x800  }
0x18a: {  	[sflag:s11] =	ssyncset.done $0x0  }
0x18b: {  	[sflag:s11] =	ssyncadd.s32 $0xFFFFF800  }
0x18c: {  	_ =	swait.ge [sflag:s11], $0x800  }
0x18d: {  	[sflag:s11] =	ssyncset.done $0x0  }
0x18e: {  	[sflag:s11] =	ssyncadd.s32 $0xFFFFF800  }
0x18f: {  	_ =	swait.ge [sflag:s11], $0x800  }
0x190: {  	[sflag:s11] =	ssyncset.done $0x0  }
0x191: {  	[sflag:s11] =	ssyncadd.s32 $0xFFFFF800  }
0x192: {  	_ =	swait.ge [sflag:s11], $0x800  }
0x193: {  	[sflag:s11] =	ssyncset.done $0x0  }
0x194: {  	[sflag:s11] =	ssyncadd.s32 $0xFFFFF800  }
0x195: {  	_ =	swait.ge [sflag:s11], $0x800  }
0x196: {  	[sflag:s11] =	ssyncset.done $0x0  }
0x197: {  	[sflag:s11] =	ssyncadd.s32 $0xFFFFF800  }
0x198: {  	_ =	swait.ge [sflag:s11], $0x800  }
0x199: {  	[sflag:s11] =	ssyncset.done $0x0  }
0x19a: {  	[sflag:s11] =	ssyncadd.s32 $0xFFFFF800  }
0x19b: {  	_ =	swait.ge [sflag:s11], $0x800  }
0x19c: {  	[sflag:s11] =	ssyncset.done $0x0  }
0x19d: {  	[sflag:s11] =	ssyncadd.s32 $0xFFFFF800  }
0x19e: {  	_ =	swait.ge [sflag:s11], $0x800  }
0x19f: {  	[sflag:s11] =	ssyncset.done $0x0  }
0x1a0: {  	s19 =	simm.s32 $0x0;
	s20 =	simm.s32 $0xED80;
	[sflag:s11] =	ssyncadd.s32 $0xFFFFF800  }
.LBB2_9:
0x1a1: {  	s10 =	simm.s32 $0x0  }
0x1a2: {  	v0 =	vld [tilespmem:s10+$0xE0]  }
0x1a3: {  	v1 =	vld [tilespmem:s10+$0x0]  }
0x1a4: {  	v2 =	vld [tilespmem:s10+$0x20]  }
0x1a5: {  	v3 =	vld [tilespmem:s10+$0x40]  }
0x1a6: {  	v4 =	vld [tilespmem:s10+$0x60]  }
0x1a7: {  	v5 =	vld [tilespmem:s10+$0x80]  }
0x1a8: {  	v6 =	vld [tilespmem:s10+$0xA0]  }
0x1a9: {  	s21 =	sadd.s32 $0x0, s20;
	v7 =	vld [tilespmem:s10+$0xC0]  }
0x1aa: {  	[tilespmem:s21+$0xE0] =	vst.add.f32.msk $0xffff, v0  }
0x1ab: {  	[tilespmem:s21+$0x0] =	vst.add.f32.msk $0xffff, v1  }
0x1ac: {  	[tilespmem:s21+$0x20] =	vst.add.f32.msk $0xffff, v2  }
0x1ad: {  	[tilespmem:s21+$0x40] =	vst.add.f32.msk $0xffff, v3  }
0x1ae: {  	[tilespmem:s21+$0x60] =	vst.add.f32.msk $0xffff, v4  }
0x1af: {  	[tilespmem:s21+$0x80] =	vst.add.f32.msk $0xffff, v5  }
0x1b0: {  	[tilespmem:s21+$0xA0] =	vst.add.f32.msk $0xffff, v6  }
0x1b1: {  	[tilespmem:s21+$0xC0] =	vst.add.f32.msk $0xffff, v7  }
0x1b2: {  	v0 =	vld [tilespmem:s10+$0xF0]  }
0x1b3: {  	v1 =	vld [tilespmem:s10+$0x10]  }
0x1b4: {  	v2 =	vld [tilespmem:s10+$0x30]  }
0x1b5: {  	v3 =	vld [tilespmem:s10+$0x50]  }
0x1b6: {  	v4 =	vld [tilespmem:s10+$0x70]  }
0x1b7: {  	v5 =	vld [tilespmem:s10+$0x90]  }
0x1b8: {  	v6 =	vld [tilespmem:s10+$0xB0]  }
0x1b9: {  	[tilespmem:s21+$0xF0] =	vst.add.f32.msk $0xffff, v0  }
0x1ba: {  	v0 =	vld [tilespmem:s10+$0xD0]  }
0x1bb: {  	[tilespmem:s21+$0x10] =	vst.add.f32.msk $0xffff, v1  }
0x1bc: {  	[tilespmem:s21+$0x30] =	vst.add.f32.msk $0xffff, v2  }
0x1bd: {  	[tilespmem:s21+$0x50] =	vst.add.f32.msk $0xffff, v3  }
0x1be: {  	[tilespmem:s21+$0x70] =	vst.add.f32.msk $0xffff, v4  }
0x1bf: {  	[tilespmem:s21+$0x90] =	vst.add.f32.msk $0xffff, v5  }
0x1c0: {  	s22 =	simm.s32 $0x0;
	[tilespmem:s21+$0xB0] =	vst.add.f32.msk $0xffff, v6;
	s10 =	simm.s32 $0x400  }
.LBB2_10:
0x1c1: {  	s13 =	sshra.s32 s10, $0x2;
	s22 =	sadd.s32 $0x8, s22;
	[tilespmem:s21+$0xD0] =	vst.add.f32.msk $0xffff, v0  }
0x1c2: {  	v0 =	vld [tilespmem:s13+$0xE0];
	p0 =	slt.u32 s22, $0xC0  }
0x1c3: {  	v1 =	vld [tilespmem:s13+$0x0]  }
0x1c4: {  	v2 =	vld [tilespmem:s13+$0x20]  }
0x1c5: {  	v3 =	vld [tilespmem:s13+$0x40]  }
0x1c6: {  	s21 =	sadd.s32 s13, s20;
	v4 =	vld [tilespmem:s13+$0x60]  }
0x1c7: {  	[tilespmem:s21+$0xE0] =	vst.add.f32.msk $0xffff, v0  }
0x1c8: {  	v0 =	vld [tilespmem:s13+$0xF0]  }
0x1c9: {  	v5 =	vld [tilespmem:s13+$0x80]  }
0x1ca: {  	v6 =	vld [tilespmem:s13+$0xA0]  }
0x1cb: {  	v7 =	vld [tilespmem:s13+$0xC0]  }
0x1cc: {  	[tilespmem:s21+$0x0] =	vst.add.f32.msk $0xffff, v1  }
0x1cd: {  	[tilespmem:s21+$0xF0] =	vst.add.f32.msk $0xffff, v0  }
0x1ce: {  	[tilespmem:s21+$0x20] =	vst.add.f32.msk $0xffff, v2  }
0x1cf: {  	[tilespmem:s21+$0x40] =	vst.add.f32.msk $0xffff, v3  }
0x1d0: {  	[tilespmem:s21+$0x60] =	vst.add.f32.msk $0xffff, v4  }
0x1d1: {  	[tilespmem:s21+$0x80] =	vst.add.f32.msk $0xffff, v5  }
0x1d2: {  	[tilespmem:s21+$0xA0] =	vst.add.f32.msk $0xffff, v6  }
0x1d3: {  	[tilespmem:s21+$0xC0] =	vst.add.f32.msk $0xffff, v7  }
0x1d4: {  	v1 =	vld [tilespmem:s13+$0x10]  }
0x1d5: {  	v2 =	vld [tilespmem:s13+$0x30]  }
0x1d6: {  	v3 =	vld [tilespmem:s13+$0x50]  }
0x1d7: {  	v4 =	vld [tilespmem:s13+$0x70]  }
0x1d8: {  	v5 =	vld [tilespmem:s13+$0x90]  }
0x1d9: {  	v6 =	vld [tilespmem:s13+$0xB0]  }
0x1da: {  	v0 =	vld [tilespmem:s13+$0xD0]  }
0x1db: {  	[tilespmem:s21+$0x10] =	vst.add.f32.msk $0xffff, v1  }
.Ltmp3:
0x1dc: {  	[tilespmem:s21+$0x30] =	vst.add.f32.msk $0xffff, v2;
	(pc) =	sbr.rel @p0 .LBB2_10-.Ltmp3, $4  }
0x1dd: {  	[tilespmem:s21+$0x50] =	vst.add.f32.msk $0xffff, v3  }
0x1de: {  	[tilespmem:s21+$0x70] =	vst.add.f32.msk $0xffff, v4  }
0x1df: {  	[tilespmem:s21+$0x90] =	vst.add.f32.msk $0xffff, v5  }
0x1e0: {  	s10 =	sadd.s32 $0x400, s10;
	[tilespmem:s21+$0xB0] =	vst.add.f32.msk $0xffff, v6  }
0x1e1: {  	s19 =	sadd.s32 $0x1, s19  }
0x1e2: {  	p0 =	sne.s32 s19, $0x8  }
.Ltmp4:
0x1e3: {  	_ = 	snop;
	(pc) =	sbr.rel @p0 .LBB2_9-.Ltmp4, $2  }
0x1e4: {  	_ =	sdelay $0x2  }
0x1e5: {  	[tilespmem:s21+$0xD0] =	vst.add.f32.msk $0xffff, v0;
	s20 =	sadd.s32 $0x1900, s20  }
0x1e6: {  	s17 =	sadd.s32 $0x1, s17  }
0x1e7: {  	p0 =	sne.s32 s17, $0x8  }
.Ltmp5:
0x1e8: {  	_ = 	snop;
	(pc) =	sbr.rel @p0 .LBB2_2-.Ltmp5, $4  }
0x1e9: {  	s10 =	sshll.u32 s18, $0x2  }
0x1ea: {  	s10 =	sand.u32 $0x1FFFFF00, s10  }
0x1eb: {  	s10 =	sadd.s32 s2, s10  }
0x1ec: {  	[hbm4b:s10+s3] =	stream.linear.scatter [tilespmem:s25], [sflag:$0x4], $0xC800, $0x38;
	[tilespmem:$0x1B580] =	vst v63  }
0x1ed: {  	_ =	swait.ge [sflag:s16], $0xC800  }
0x1ee: {  	[sflag:s16] =	ssyncset.done $0x0  }
0x1ef: {  	s13 =	simm.s32 $0x4;
	[sflag:s16] =	ssyncadd.s32 $0xFFFF3800  }
0x1f0: {  	_ =	swait.ge [sflag:s13], $0xC800  }
0x1f1: {  	s17 =	rddreg [dreg:$0x7]  }
0x1f2: {  	s10 =	rddreg [dreg:$0x6];
	s17 =	sadd.s32 $0x1, s17  }
0x1f3: {  	p0 =	sne.s32 s17, s10  }
.Ltmp6:
0x1f4: {  	_ = 	snop;
	(pc) =	sbr.rel @p0 .LBB2_1-.Ltmp6, $3  }
0x1f5: {  	_ =	sdelay $0x1  }
0x1f6: {  	[sflag:s13] =	ssyncset.done $0x0  }
0x1f7: {  	[sflag:s13] =	ssyncadd.s32 $0xFFFF3800  }
0x1f8: {  	_ =	sfence.sel $0x180000  }
0x1f9: {  	[bflag:$0x0] =	sbarrier.arrive $0xFFFF  }
0x1fa: {  	_ =	strace $0x90000047  }
0x1fb: {  	s0 =	stileid.u32;
	[bflag:$0x2] =	sbarrier.arrive $0xFFFF  }
0x1fc: {  	p0 =	sne.s32 s0, $0x0;
	s0 =	rddreg [dreg:$0x2]  }
0x1fd: {  	s0 =	sadd.s32 @!p0 $0x100000, s0  }
0x1fe: {  	[sflag:s0] =	ssyncadd.tile.s32 @!p0 $0x1;
	_ =	shalt  }
.Lfunc_end2:
_tile_overlayer_lowered:
.L_overlay_start_2:
0x1ff: {  	(tag) =	ssettag $0x2  }
0x200: {  	s0 =	rddreg [dreg:$0x0];
	s2 =	stileid.u32  }
0x201: {  	s1 =	rddreg [dreg:$0x1];
	p0 =	sne.s32 s2, $0x0  }
0x202: {  	s3 =	rddreg [dreg:$0x2];
	[bflag:$0x3] =	sbarrier.arrive $0xFFFF;
	s2 =	simm.s32 @!p0 $0x1C05  }
0x203: {  	[timem:s3], [sflag:s2] =	dma.local @!p0 [hbm:s0], s1  }
0x204: {  	s0 =	simm.s32 @!p0 $0x5  }
0x205: {  	_ =	swait.ge @!p0 [sflag:s0], s1  }
0x206: {  	s1 =	ssub.s32 @!p0 $0x0, s1;
	[sflag:s0] =	ssyncset.done @!p0 $0x0  }
0x207: {  	[sflag:s0] =	ssyncadd.s32 @!p0 s1  }
0x208: {  	[bflag:$0x3] =	sbarrier.arrive $0xFFFF  }
0x209: {  	_ =	shalt  }

// kernel: sparse-core-data-format-call.cloned.1.call-start
scs
called_computation_lowered:
.L_overlay_start_0:
0x0: {  	s2 =	sld [smem:$0x3FD9]  }
0x1: {  	s3 =	sld [smem:$0x3FFE];
	_ =	sdelay $0x1  }
0x2: {  	s1 =	srdreg.scid  }
0x3: {  	s0 =	sand.u32 $0x1, s1  }
0x4: {  	s18 =	sshll.u32 s0, $0xA;
	s2 =	sadd.s32 s3, s2  }
0x5: {  	s2 =	sadd.s32 s2, s18  }
0x6: {  	[smem:$0x3FC5] =	sst s2  }
0x7: {  	_ = 	snop  }
0x8: {  	s2 =	sld [smem:$0x3FD0];
	(tm) =	ssettm $0x1  }
0x9: {  	s19 =	sld [smem:$0x3FFB];
	_ =	sdelay $0x3  }
0xa: {  	_ =	strace s19  }
0xb: {  	s3 =	sld [smem:$0x3FFC];
	_ =	sdelay $0x3  }
0xc: {  	_ =	strace s3  }
0xd: {  	s3 =	sld [smem:$0x3FFD];
	_ =	sdelay $0x3  }
0xe: {  	_ =	strace s3  }
0xf: {  	_ =	strace $0x8FFFFFFF  }
0x10: {  	s20 =	sld [smem:$0x3FDB];
	_ =	sdelay $0x1  }
0x11: {  	s4 =	simm.s32 $_scs_section_size  }
0x12: {  	s5 =	simm.s32 $_size__tile_overlayer_lowered;
	s6 =	simm.s32 $_tile_overlayer_lowered  }
0x13: {  	s23 =	simm.s32 $0x1BFF;
	s22 =	sshll.u32 s6, $0x1;
	s3 =	sadd.s32 s4, s20  }
0x14: {  	s7 =	simm.s32 $0x0;
	s21 =	sshll.u32 s5, $0x1;
	s5 =	sadd.s32 s22, s3  }
0x15: {  	[timem:s7], [sflag:s23] =	dma.local [hbm:s5], s21  }
0x16: {  	_ =	swait.ge [sflag:s23], s21  }
0x17: {  	s4 =	ssub.s32 $0x0, s21;
	[sflag:s23] =	ssyncset.done $0x0  }
0x18: {  	[sflag:s23] =	ssyncadd.s32 s4;
	_ =	sdelay $0x1  }
0x19: {  	s24 =	simm.s32 $0x1B8B  }
0x1a: {  	_ =	swait.ge [sflag:s24], $0x1  }
0x1b: {  	[sflag:s24] =	ssyncset.done $0x0  }
0x1c: {  	s26 =	simm.s32 $0x1B8E;
	s25 =	sld [smem:$0x3FFE];
	[sflag:s24] =	ssyncadd.s32 $0xFFFFFFFF  }
0x1d: {  	s27 =	simm.s32 $execute0_lowered;
	[smem:$0x3FD2] =	sst s26  }
0x1e: {  	s5 =	sshll.u32 s27, $0x1;
	_ =	strace $0x80000049;
	[dreg:$0x1] =	wrdreg $0xFFFFFFFF  }
0x1f: {  	s28 =	simm.s32 $_size_execute0_lowered;
	s3 =	sadd.s32 s3, s5;
	[dreg:$0x0] =	wrdreg $0x0  }
0x20: {  	s5 =	sshll.u32 s28, $0x1;
	[dreg:$0x2] =	wrdreg s3  }
0x21: {  	[dreg:$0x3] =	wrdreg s5  }
0x22: {  	[dreg:$0x4] =	wrdreg $0xC0  }
0x23: {  	_ =	task [dreg:s7], $0x5FFFF  }
0x24: {  	[dreg:$0x1] =	wrdreg $0xFFFFFFFF  }
0x25: {  	[dreg:$0x0] =	wrdreg $0x60  }
0x26: {  	[dreg:$0x2] =	wrdreg s25  }
0x27: {  	[dreg:$0x3] =	wrdreg s2  }
0x28: {  	[dreg:$0x4] =	wrdreg $0x9  }
0x29: {  	_ =	task.clear_ibuf [dreg:s7], $0x5FFFF;
	_ =	strace $0x90000049  }
0x2a: {  	s29 =	simm.s32 $0x9;
	_ =	strace $0x8000004B  }
0x2b: {  	_ =	swait.ge [sflag:s29], $0x1  }
0x2c: {  	[sflag:s29] =	ssyncadd.s32 $0xFFFFFFFF  }
0x2d: {  	_ =	strace $0x9000004B  }
0x2e: {  	_ =	sfence  }
0x2f: {  	s30 =	sld [smem:$0x0];
	_ =	sdelay $0x2  }
0x30: {  	s31 =	sshll.u32 s1, $0xD;
	s1 =	sshrl.u32 s1, $0x2  }
0x31: {  	s3 =	sand.u32 $0x4000, s31;
	s1 =	sadd.s32 s1, s30  }
0x32: {  	s0 =	sor.u32 s3, s0;
	s1 =	sshll.u32 s1, $0x11  }
0x33: {  	s0 =	sor.u32 s1, s0  }
0x34: {  	s0 =	sadd.s32 $0x8F2B, s0  }
0x35: {  	[sflag:s0] =	ssyncadd.remote.s32 $0x1  }
0x36: {  	_ =	sfence.sel $0xFFFF  }
0x37: {  	[dreg:$0x0] =	wrdreg $0xFFFFFFFF;
	(pc) =	sbr.abs _section_cstart, $3  }
0x38: {  	[dreg:$0x1] =	wrdreg $0xFFFFFFFF  }
0x39: {  	_ =	task.clear_ibuf [dreg:s7], $0x2FFFF;
	_ =	strace $0x9FFFFFFF  }
0x3a: {  	(tm) =	ssettm $0x7FFFFFFF  }
0x3b: {  	_ =	shalt  }
tec
execute0_lowered:
.L_overlay_start_1:
0x0: {  	(tag) =	ssettag $0x1  }
0x1: {  	s0 =	srdreg.scid  }
0x2: {  	s1 =	sshll.u32 s0, $0x4  }
0x3: {  	s0 =	stileid.u32;
	s1 =	sand.u32 $0x10, s1  }
0x4: {  	s1 =	sor.u32 s0, s1  }
0x5: {  	s6 =	rddreg [dreg:$0x0];
	s4 =	simm.s32 $0x1;
	s2 =	sshll.u32 s1, $0x7  }
0x6: {  	s7 =	simm.s32 $0x2;
	s12 =	simm.s32 $0x0;
	s1 =	ssub.s32 $0x1000, s2  }
0x7: {  	s8 =	simm.s32 $0x8000;
	s13 =	simm.s32 $0x0;
	s3 =	sand.u32 $0xF80, s1  }
0x8: {  	s9 =	simm.s32 $0x0;
	s5 =	sshrl.u32 s1, $0xC;
	p0 =	sne.s32 s3, $0x0  }
.Ltmp0:
0x9: {  	s1 =	rddreg [dreg:$0x2];
	s4 =	simm.s32 @!p0 $0x0;
	(pc) =	sbr.rel .LBB1_1-.Ltmp0, $4  }
0xa: {  	s11 =	simm.s32 $0x0;
	s3 =	rddreg [dreg:$0x1];
	s5 =	sadd.s32 s4, s5  }
0xb: {  	_ =	strace $0x8000004A;
	s4 =	simm.s32 $0x1;
	s5 =	smul.u32 $0xC8, s5  }
0xc: {  	s6 =	sadd.s32 $0xC00, s6;
	s10 =	smov.u32 s2;
	[sflag:s4] =	ssyncpa.u1 $0x0  }
0xd: {  	p0 =	por $0x0, $0x0;
	[sflag:s7] =	ssyncpa.u1 $0x0;
	s7 =	sor.u32 $0x1, s5  }
.LBB1_4:
0xe: {  	s16 =	sshll.u32 s13, $0x3;
	s17 =	sand.u32 $0x78, s13  }
0xf: {  	s30 =	sand.u32 $0x3E00, s13;
	s12 =	sshll.u32 s12, $0xE;
	s16 =	sand.u32 $0xC00, s16  }
0x10: {  	s31 =	sand.u32 $0x7, s13;
	s16 =	sor.u32 s17, s16;
	s17 =	sadd.s32 s3, s30  }
0x11: {  	s13 =	sshll.u32 s31, $0x12;
	s16 =	sshrl.u32 s16, $0x3;
	s12 =	sadd.s32 s12, s17  }
0x12: {  	[tilespmem:s15+$0x0 ss:$0x81] =	vst.msk $0xffff, v0;
	s13 =	sor.u32 $0x400, s13;
	s12 =	sadd.s32 s16, s12  }
0x13: {  	[hbm4b:s12+s13] =	stream.strided.scatter [tilespmem:s14], [sflag:$0x2], $0x1000, s8, s13, $0x20;
	[tilespmem:$0x4040] =	vst v63  }
.LBB1_5:
0x14: {  	s14 =	sadd.s32 $0x1, s9  }
0x15: {  	s12 =	sadd.s32 $0x1000, s10;
	s16 =	smov.u32 s10;
	p2 =	sgt.s32 s14, $0xC7  }
0x16: {  	s16 =	smov.u32 @p2 s12  }
0x17: {  	s14 =	simm.s32 @p2 $0x0;
	p2 =	sgt.s32 s16, $0xFFF  }
0x18: {  	s16 =	smov.u32 @p2 s2;
	p2 =	sne.s32 s11, s7  }
.Ltmp1:
0x19: {  	p1 =	slt.u32 s11, $0x2;
	(pc) =	sbr.rel @!p2 .LBB1_6-.Ltmp1, $4  }
0x1a: {  	s15 =	simm.s32 @!p1 $0x2  }
0x1b: {  	s13 =	smov.u32 s10;
	p0 =	por !p0, !p0;
	_ =	swait.ge @!p1 [sflag:s15], $0x1000  }
0x1c: {  	s12 =	smov.u32 s9;
	[sflag:s15] =	ssyncset.done @!p1 $0x0;
	s9 =	smov.u32 s14  }
0x1d: {  	s11 =	sadd.s32 $0x1, s11;
	[sflag:s15] =	ssyncadd.s32 @!p1 $0xFFFFF000;
	s10 =	smov.u32 s16  }
.LBB1_1:
0x1e: {  	p1 =	sge.u32 s11, s5  }
0x1f: {  	s14 =	sand.u32 @!p1 $0x1FFFFFF, s9  }
0x20: {  	s15 =	smulhi.u32 @!p1 $0x147AE15, s14;
	_ =	sdelay $0x1  }
0x21: {  	s15 =	smul.u32 @!p1 $0xC8, s15  }
0x22: {  	s16 =	sxor.u32 @!p1 $0xFFFFFFFF, s11;
	s17 =	smul.u32 @!p1 $0xC80, s10  }
0x23: {  	s31 =	sadd.s32 $0xFFFFFFFF, s11;
	s16 =	sshll.u32 @!p1 s16, $0xC;
	s14 =	ssub.s32 @!p1 s14, s15  }
0x24: {  	s15 =	sand.u32 @!p1 $0x1000, s16;
	s16 =	sadd.s32 @!p1 s6, s17;
	s14 =	sshll.u32 @!p1 s14, $0x4  }
0x25: {  	s17 =	simm.s32 @!p1 $0x6400;
	s14 =	sadd.s32 @!p1 s14, s16;
	s16 =	simm.s32 @!p1 $0x20  }
0x26: {  	[tilespmem:s15], [sflag:$0x1] =	stream.strided.gather @!p1 [hbm4b:s14+s16], $0x1000, s17, s16, $0x38;
	[tilespmem:$0x4040] =	vst v63  }
0x27: {  	p1 =	sge.u32 s31, s5  }
.Ltmp2:
0x28: {  	_ = 	snop;
	(pc) =	sbr.rel @p1 .LBB1_5-.Ltmp2, $1  }
0x29: {  	_ =	sdelay $0x3  }
0x2a: {  	s14 =	simm.s32 $0x1  }
0x2b: {  	_ =	swait.ge [sflag:s4], $0x1000;
	s14 =	simm.s32 @!p0 $0x0  }
0x2c: {  	[sflag:s4] =	ssyncset.done $0x0;
	s15 =	sshll.u32 s14, $0xC  }
0x2d: {  	[sflag:s4] =	ssyncadd.s32 $0xFFFFF000;
	s18 =	sor.u32 $0x10, s15  }
0x2e: {  	s14 =	smul.u32 $0x4080, s14;
	v1 =	vld [tilespmem:s18+$0x0]  }
0x2f: {  	s30 =	sand.u32 $0x1, s11;
	v0 =	vld [tilespmem:s18+$0xFFFFFFF0]  }
0x30: {  	s15 =	smul.u32 $0x4080, s30;
	s14 =	sshrl.u32 s14, $0x2  }
0x31: {  	s16 =	sor.u32 $0x2000, s14  }
0x32: {  	s31 =	sshrl.u32 s15, $0x2;
	s15 =	sadd.s32 $0x0, s16  }
0x33: {  	s17 =	simm.s32 $0x4;
	s18 =	sadd.s32 $0x20, s18;
	s14 =	sor.u32 $0x2000, s31;
	[tilespmem:s15+$0x810 ss:$0x81] =	vst.msk $0xffff, v1  }
.LBB1_3:
0x34: {  	v1 =	vld [tilespmem:s18+$0x0];
	p1 =	sne.s32 s17, $0x1FC;
	[tilespmem:s15+$0x0 ss:$0x81] =	vst.msk $0xffff, v0;
	s15 =	smov.u32 s17;
	s17 =	sadd.s32 $0x4, s17  }
.Ltmp3:
0x35: {  	v0 =	vld [tilespmem:s18+$0xFFFFFFF0];
	(pc) =	sbr.rel @p1 .LBB1_3-.Ltmp3, $4  }
0x36: {  	_ = 	snop  }
0x37: {  	s15 =	sshra.s32 s15, $0x2  }
0x38: {  	s15 =	sadd.s32 s15, s16  }
0x39: {  	s18 =	sadd.s32 $0x20, s18;
	[tilespmem:s15+$0x810 ss:$0x81] =	vst.msk $0xffff, v1  }
.Ltmp4:
0x3a: {  	_ = 	snop;
	(pc) =	sbr.rel .LBB1_4-.Ltmp4, $1  }
0x3b: {  	_ =	sdelay $0x3  }
.LBB1_6:
0x3c: {  	_ =	sfence.sel $0x180000  }
0x3d: {  	s2 =	simm.s32 $0x1;
	[bflag:$0x0] =	sbarrier.arrive $0xFFFF  }
0x3e: {  	s31 =	simm.s32 $0x2;
	[sflag:s2] =	ssyncpa.u1 $0x1  }
0x3f: {  	[sflag:s31] =	ssyncpa.u1 $0x1  }
0x40: {  	p0 =	sne.s32 s0, $0x0;
	_ =	strace $0x9000004A  }
0x41: {  	s0 =	sadd.s32 @!p0 $0x100000, s1;
	[bflag:$0x2] =	sbarrier.arrive $0xFFFF  }
0x42: {  	[sflag:s0] =	ssyncadd.tile.s32 @!p0 $0x1;
	_ =	shalt  }
.Lfunc_end1:
_tile_overlayer_lowered:
.L_overlay_start_2:
0x43: {  	(tag) =	ssettag $0x2  }
0x44: {  	s0 =	rddreg [dreg:$0x0];
	s2 =	stileid.u32  }
0x45: {  	s1 =	rddreg [dreg:$0x1];
	p0 =	sne.s32 s2, $0x0  }
0x46: {  	s3 =	rddreg [dreg:$0x2];
	[bflag:$0x3] =	sbarrier.arrive $0xFFFF;
	s2 =	simm.s32 @!p0 $0x1C01  }
0x47: {  	[timem:s3], [sflag:s2] =	dma.local @!p0 [hbm:s0], s1  }
0x48: {  	s0 =	simm.s32 @!p0 $0x1  }
0x49: {  	_ =	swait.ge @!p0 [sflag:s0], s1  }
0x4a: {  	s1 =	ssub.s32 @!p0 $0x0, s1;
	[sflag:s0] =	ssyncset.done @!p0 $0x0  }
0x4b: {  	[sflag:s0] =	ssyncadd.s32 @!p0 s1  }
0x4c: {  	[bflag:$0x3] =	sbarrier.arrive $0xFFFF  }
0x4d: {  	_ =	shalt  }

</sc_bundles>
